<compile_context>
chip_gen: v7x
topology: tpu7x:2x2x1
jax: 0.10.2.dev20260603
libtpu: 0.0.44.dev20260713+nightly
codegen_flags: <defaults>
</compile_context>

<pallas_src>
import jax
import jax.numpy as jnp
from jax import lax
from jax.experimental import pallas as pl
from jax.experimental.pallas import tpu as pltpu
from jax.experimental.pallas import tpu_sc as plsc

NC = 2
NS = 16
NW = NC * NS

VOCAB = 1000000
MAXLEN = 200
EMBED = 64
BATCH = 4096
SEQ = 200
SPLIT = 128
REST = SEQ - SPLIT

K = 4
B_PER_W = BATCH // NW
N_CHUNKS = B_PER_W // K
VREGS = EMBED // 16

_MESH = plsc.VectorSubcoreMesh(core_axis_name="c", subcore_axis_name="s")


def _wid():
    return lax.axis_index("s") * NC + lax.axis_index("c")


def _emb_body(xa_hbm, xb_hbm, tok_hbm, pos_hbm, out_hbm,
              pos_v, idxa_a, idxb_a, idxa_b, idxb_b, rows_a, rows_b,
              isem_a, isem_b, gsem_a, gsem_b, outsem):
    base_b = _wid() * B_PER_W

    pltpu.sync_copy(pos_hbm, pos_v)

    def prefetch(g, idxa, idxb, isem):
        b0 = base_b + g * K
        pltpu.async_copy(xa_hbm.at[pl.ds(b0, K)], idxa, isem)
        pltpu.async_copy(xb_hbm.at[pl.ds(b0, K)], idxb, isem)

    def launch(g, idxa, idxb, rows, isem, gsem):
        pltpu.make_async_copy(xa_hbm.at[pl.ds(0, K)], idxa, isem).wait()
        pltpu.make_async_copy(xb_hbm.at[pl.ds(0, K)], idxb, isem).wait()
        for k in range(K):
            pltpu.async_copy(
                tok_hbm.at[idxa.at[k]], rows.at[k, pl.ds(0, SPLIT)], gsem
            )
            pltpu.async_copy(
                tok_hbm.at[idxb.at[k]], rows.at[k, pl.ds(SPLIT, REST)], gsem
            )

    def drain(rows, gsem):
        pltpu.make_async_copy(out_hbm.at[pl.ds(0, K)], rows, gsem).wait()

    def add(rows):
        def body(s):
            for d in range(VREGS):
                pv = pos_v[s, pl.ds(d * 16, 16)]
                for k in range(K):
                    rows[k, s, pl.ds(d * 16, 16)] = (
                        rows[k, s, pl.ds(d * 16, 16)] + pv
                    )
        plsc.parallel_loop(0, SEQ, unroll=2)(body)

    def put(g, rows):
        b0 = base_b + g * K
        pltpu.async_copy(rows, out_hbm.at[pl.ds(b0, K)], outsem)

    def wait_out():
        pltpu.make_async_copy(rows_a, out_hbm.at[pl.ds(0, K)], outsem).wait()

    prefetch(0, idxa_a, idxb_a, isem_a)
    prefetch(1, idxa_b, idxb_b, isem_b)
    launch(0, idxa_a, idxb_a, rows_a, isem_a, gsem_a)
    launch(1, idxa_b, idxb_b, rows_b, isem_b, gsem_b)
    drain(rows_a, gsem_a)
    prefetch(2, idxa_a, idxb_a, isem_a)
    add(rows_a)
    put(0, rows_a)

    def body(g2, c):
        g = 1 + 2 * g2
        wait_out()
        launch(g + 1, idxa_a, idxb_a, rows_a, isem_a, gsem_a)
        drain(rows_b, gsem_b)
        prefetch(g + 2, idxa_b, idxb_b, isem_b)
        add(rows_b)
        put(g, rows_b)
        wait_out()
        launch(g + 2, idxa_b, idxb_b, rows_b, isem_b, gsem_b)
        drain(rows_a, gsem_a)
        prefetch(jnp.minimum(g + 3, N_CHUNKS - 1), idxa_a, idxb_a, isem_a)
        add(rows_a)
        put(g + 1, rows_a)
        return c

    lax.fori_loop(0, (N_CHUNKS - 2) // 2, body, 0)

    drain(rows_b, gsem_b)
    add(rows_b)
    put(N_CHUNKS - 1, rows_b)
    pltpu.make_async_copy(xa_hbm.at[pl.ds(0, K)], idxa_a, isem_a).wait()
    pltpu.make_async_copy(xb_hbm.at[pl.ds(0, K)], idxb_a, isem_a).wait()
    wait_out()
    wait_out()


@jax.jit
def _emb(xa, xb, token_table, pos_table):
    k1 = pl.kernel(
        _emb_body,
        out_type=jax.ShapeDtypeStruct((BATCH, SEQ, EMBED), jnp.float32),
        mesh=_MESH,
        scratch_types=[
            pltpu.VMEM((MAXLEN, EMBED), jnp.float32),
            pltpu.VMEM((K, SPLIT), jnp.int32),
            pltpu.VMEM((K, REST), jnp.int32),
            pltpu.VMEM((K, SPLIT), jnp.int32),
            pltpu.VMEM((K, REST), jnp.int32),
            pltpu.VMEM((K, SEQ, EMBED), jnp.float32),
            pltpu.VMEM((K, SEQ, EMBED), jnp.float32),
            pltpu.SemaphoreType.DMA,
            pltpu.SemaphoreType.DMA,
            pltpu.SemaphoreType.DMA,
            pltpu.SemaphoreType.DMA,
            pltpu.SemaphoreType.DMA,
        ],
        compiler_params=pltpu.CompilerParams(use_tc_tiling_on_sc=False),
    )
    return k1(xa, xb, token_table, pos_table)


def kernel(x, token_table, pos_table):
    x = x.astype(jnp.int32)
    return _emb(x[:, :SPLIT], x[:, SPLIT:], token_table, pos_table)

# --- scband reference (transcript-rebuilt; emitter-appended) ---
"""Pipeline reference for scband-token-and-position-embedding-63264868270451 (READ-ONLY COPY).

The authoritative reference and input builder live on the scoring server;
editing this copy changes nothing except your own understanding.
"""

import jax, jax.numpy as jnp
import numpy as np

VOCAB = 1000000
MAXLEN = 200
EMBED = 64
BATCH = 4096
SEQ = 200

def setup_inputs(seed: int = 0) -> dict:
    key = jax.random.key(seed)
    k1, k2, k3 = jax.random.split(key, 3)
    x = jax.random.randint(k1, (BATCH, SEQ), 0, VOCAB, dtype=jnp.int64 if jax.config.jax_enable_x64 else jnp.int32)
    token_table = jax.random.normal(k2, (VOCAB, EMBED), dtype=jnp.float32) * 0.02
    pos_table = jax.random.normal(k3, (MAXLEN, EMBED), dtype=jnp.float32) * 0.02
    return {"x": x, "token_table": token_table, "pos_table": pos_table}

def reference(x, token_table, pos_table):
    seq_len = x.shape[1]
    positions = jnp.arange(0, seq_len)[None, :]  # [1, S]
    tok = jnp.take(token_table, x, axis=0)        # [B, S, D]
    pos = jnp.take(pos_table, positions, axis=0)  # [1, S, D]
    return tok + pos

if __name__ == "__main__":
    import jax
    _d = setup_inputs()
    print(jax.jit(kernel)(*tuple(_d.values())))

</pallas_src>

<mosaic_0001>
#map = affine_map<(d0, d1) -> (0, 0)>
#map1 = affine_map<(d0, d1) -> (0, 0, 0)>
module attributes {stable_mosaic.version = 14 : i64} {
  func.func @_emb_body(%arg0: i32, %arg1: i32, %arg2: memref<4096x128xi32, #tpu.memory_space<hbm>>, %arg3: memref<4096x72xi32, #tpu.memory_space<hbm>>, %arg4: memref<1000000x64xf32, #tpu.memory_space<hbm>>, %arg5: memref<200x64xf32, #tpu.memory_space<hbm>>, %arg6: memref<4096x200x64xf32, #tpu.memory_space<hbm>>, %arg7: memref<200x64xf32, #tpu.memory_space<vmem>>, %arg8: memref<4x128xi32, #tpu.memory_space<vmem>>, %arg9: memref<4x72xi32, #tpu.memory_space<vmem>>, %arg10: memref<4x128xi32, #tpu.memory_space<vmem>>, %arg11: memref<4x72xi32, #tpu.memory_space<vmem>>, %arg12: memref<4x200x64xf32, #tpu.memory_space<vmem>>, %arg13: memref<4x200x64xf32, #tpu.memory_space<vmem>>, %arg14: memref<!tpu.dma_semaphore, #tpu.memory_space<semaphore_mem>>, %arg15: memref<!tpu.dma_semaphore, #tpu.memory_space<semaphore_mem>>, %arg16: memref<!tpu.dma_semaphore, #tpu.memory_space<semaphore_mem>>, %arg17: memref<!tpu.dma_semaphore, #tpu.memory_space<semaphore_mem>>, %arg18: memref<!tpu.dma_semaphore, #tpu.memory_space<semaphore_mem>>) attributes {dimension_semantics = [#tpu.dimension_semantics<core_parallel>, #tpu.dimension_semantics<subcore_parallel>], iteration_bounds = array<i64: 2, 16>, scalar_prefetch = 0 : i64, scratch_operands = 12 : i64, tpu.core_type = #tpu.core_type<sc_vector_subcore>, window_params = [{transform_indices = #map}, {transform_indices = #map}, {transform_indices = #map}, {transform_indices = #map}, {transform_indices = #map1}]} {
    %mul3A = arith.constant 2 : i32
    %mul3A_0 = arith.muli %arg1, %mul3A : i32
    %add3A = arith.addi %mul3A_0, %arg0 : i32
    %mul3A_1 = arith.constant 128 : i32
    %mul3A_2 = arith.muli %add3A, %mul3A_1 : i32
    "tpu.region"() ({
      %run_scoped3A = tpu.sem_alloc : memref<!tpu.dma_semaphore, #tpu.memory_space<semaphore_mem>>
      tpu.enqueue_dma source(%arg5 : memref<200x64xf32, #tpu.memory_space<hbm>>) target(%arg7 : memref<200x64xf32, #tpu.memory_space<vmem>>) target_semaphore(%run_scoped3A : memref<!tpu.dma_semaphore, #tpu.memory_space<semaphore_mem>>)
      tpu.wait_dma2 semaphore(%run_scoped3A : memref<!tpu.dma_semaphore, #tpu.memory_space<semaphore_mem>>) src(%arg5 : memref<200x64xf32, #tpu.memory_space<hbm>>) dst(%arg7 : memref<200x64xf32, #tpu.memory_space<vmem>>)
      tpu.yield
    }) : () -> ()
    %add3A_3 = arith.constant 0 : i32
    %add3A_4 = arith.addi %mul3A_2, %add3A_3 : i32
    %dma_start3A = arith.constant 0 : i32
    %dma_start3A_5 = tpu.memref_slice %arg2[%add3A_4, %dma_start3A] : memref<4096x128xi32, #tpu.memory_space<hbm>> -> memref<4x128xi32, #tpu.memory_space<hbm>>
    %dma_start3A_6 = arith.constant 0 : i32
    %dma_start3A_7 = tpu.memref_slice %arg2[%add3A_4, %dma_start3A_6] : memref<4096x128xi32, #tpu.memory_space<hbm>> -> memref<4x128xi32, #tpu.memory_space<hbm>>
    tpu.enqueue_dma source(%dma_start3A_7 : memref<4x128xi32, #tpu.memory_space<hbm>>) target(%arg8 : memref<4x128xi32, #tpu.memory_space<vmem>>) target_semaphore(%arg14 : memref<!tpu.dma_semaphore, #tpu.memory_space<semaphore_mem>>)
    %dma_start3A_8 = arith.constant 0 : i32
    %dma_start3A_9 = tpu.memref_slice %arg3[%add3A_4, %dma_start3A_8] : memref<4096x72xi32, #tpu.memory_space<hbm>> -> memref<4x72xi32, #tpu.memory_space<hbm>>
    %dma_start3A_10 = arith.constant 0 : i32
    %dma_start3A_11 = tpu.memref_slice %arg3[%add3A_4, %dma_start3A_10] : memref<4096x72xi32, #tpu.memory_space<hbm>> -> memref<4x72xi32, #tpu.memory_space<hbm>>
    tpu.enqueue_dma source(%dma_start3A_11 : memref<4x72xi32, #tpu.memory_space<hbm>>) target(%arg9 : memref<4x72xi32, #tpu.memory_space<vmem>>) target_semaphore(%arg14 : memref<!tpu.dma_semaphore, #tpu.memory_space<semaphore_mem>>)
    %add3A_12 = arith.constant 4 : i32
    %add3A_13 = arith.addi %mul3A_2, %add3A_12 : i32
    %dma_start3A_14 = arith.constant 0 : i32
    %dma_start3A_15 = tpu.memref_slice %arg2[%add3A_13, %dma_start3A_14] : memref<4096x128xi32, #tpu.memory_space<hbm>> -> memref<4x128xi32, #tpu.memory_space<hbm>>
    %dma_start3A_16 = arith.constant 0 : i32
    %dma_start3A_17 = tpu.memref_slice %arg2[%add3A_13, %dma_start3A_16] : memref<4096x128xi32, #tpu.memory_space<hbm>> -> memref<4x128xi32, #tpu.memory_space<hbm>>
    tpu.enqueue_dma source(%dma_start3A_17 : memref<4x128xi32, #tpu.memory_space<hbm>>) target(%arg10 : memref<4x128xi32, #tpu.memory_space<vmem>>) target_semaphore(%arg15 : memref<!tpu.dma_semaphore, #tpu.memory_space<semaphore_mem>>)
    %dma_start3A_18 = arith.constant 0 : i32
    %dma_start3A_19 = tpu.memref_slice %arg3[%add3A_13, %dma_start3A_18] : memref<4096x72xi32, #tpu.memory_space<hbm>> -> memref<4x72xi32, #tpu.memory_space<hbm>>
    %dma_start3A_20 = arith.constant 0 : i32
    %dma_start3A_21 = tpu.memref_slice %arg3[%add3A_13, %dma_start3A_20] : memref<4096x72xi32, #tpu.memory_space<hbm>> -> memref<4x72xi32, #tpu.memory_space<hbm>>
    tpu.enqueue_dma source(%dma_start3A_21 : memref<4x72xi32, #tpu.memory_space<hbm>>) target(%arg11 : memref<4x72xi32, #tpu.memory_space<vmem>>) target_semaphore(%arg15 : memref<!tpu.dma_semaphore, #tpu.memory_space<semaphore_mem>>)
    %dma_wait3A = arith.constant 0 : i32
    %dma_wait3A_22 = arith.constant 0 : i32
    %dma_wait3A_23 = tpu.memref_slice %arg2[%dma_wait3A, %dma_wait3A_22] : memref<4096x128xi32, #tpu.memory_space<hbm>> -> memref<4x128xi32, #tpu.memory_space<hbm>>
    %dma_wait3A_24 = arith.constant 0 : i32
    %dma_wait3A_25 = arith.constant 0 : i32
    %dma_wait3A_26 = tpu.memref_slice %arg2[%dma_wait3A_24, %dma_wait3A_25] : memref<4096x128xi32, #tpu.memory_space<hbm>> -> memref<4x128xi32, #tpu.memory_space<hbm>>
    tpu.wait_dma2 semaphore(%arg14 : memref<!tpu.dma_semaphore, #tpu.memory_space<semaphore_mem>>) src(%dma_wait3A_26 : memref<4x128xi32, #tpu.memory_space<hbm>>) dst(%arg8 : memref<4x128xi32, #tpu.memory_space<vmem>>)
    %dma_wait3A_27 = arith.constant 0 : i32
    %dma_wait3A_28 = arith.constant 0 : i32
    %dma_wait3A_29 = tpu.memref_slice %arg3[%dma_wait3A_27, %dma_wait3A_28] : memref<4096x72xi32, #tpu.memory_space<hbm>> -> memref<4x72xi32, #tpu.memory_space<hbm>>
    %dma_wait3A_30 = arith.constant 0 : i32
    %dma_wait3A_31 = arith.constant 0 : i32
    %dma_wait3A_32 = tpu.memref_slice %arg3[%dma_wait3A_30, %dma_wait3A_31] : memref<4096x72xi32, #tpu.memory_space<hbm>> -> memref<4x72xi32, #tpu.memory_space<hbm>>
    tpu.wait_dma2 semaphore(%arg14 : memref<!tpu.dma_semaphore, #tpu.memory_space<semaphore_mem>>) src(%dma_wait3A_32 : memref<4x72xi32, #tpu.memory_space<hbm>>) dst(%arg9 : memref<4x72xi32, #tpu.memory_space<vmem>>)
    %dma_start3A_33 = arith.constant 0 : i32
    %dma_start3A_34 = arith.constant 0 : i32
    %dma_start3A_35 = arith.constant 0 : i32
    %dma_start3A_36 = arith.constant 0 : i32
    %dma_start3A_37 = tpu.memref_slice %arg12[%dma_start3A_34, %dma_start3A_35, %dma_start3A_36] : memref<4x200x64xf32, #tpu.memory_space<vmem>> -> memref<1x128x64xf32, #tpu.memory_space<vmem>>
    %dma_start3A_38 = tpu.memref_squeeze %dma_start3A_37 : memref<1x128x64xf32, #tpu.memory_space<vmem>> -> memref<128x64xf32, #tpu.memory_space<vmem>>
    %dma_start3A_39 = arith.constant 0 : i32
    %dma_start3A_40 = tpu.memref_slice %arg8[%dma_start3A_33, %dma_start3A_39] : memref<4x128xi32, #tpu.memory_space<vmem>> -> memref<1x128xi32, #tpu.memory_space<vmem>>
    %dma_start3A_41 = tpu.memref_squeeze %dma_start3A_40 : memref<1x128xi32, #tpu.memory_space<vmem>> -> memref<128xi32, #tpu.memory_space<vmem>>
    %dma_start3A_42 = arith.constant 0 : i32
    %dma_start3A_43 = arith.constant 0 : i32
    %dma_start3A_44 = tpu.memref_slice %arg4[%dma_start3A_42, %dma_start3A_43] : memref<1000000x64xf32, #tpu.memory_space<hbm>> -> memref<1000000x64xf32, #tpu.memory_space<hbm>>
    tpu.enqueue_indirect_dma source(%dma_start3A_44 : memref<1000000x64xf32, #tpu.memory_space<hbm>>) target(%dma_start3A_38 : memref<128x64xf32, #tpu.memory_space<vmem>>) offsets(%dma_start3A_41 : memref<128xi32, #tpu.memory_space<vmem>>) semaphore(%arg16 : memref<!tpu.dma_semaphore, #tpu.memory_space<semaphore_mem>>)
    %dma_start3A_45 = arith.constant 0 : i32
    %dma_start3A_46 = arith.constant 0 : i32
    %dma_start3A_47 = arith.constant 128 : i32
    %dma_start3A_48 = arith.constant 0 : i32
    %dma_start3A_49 = tpu.memref_slice %arg12[%dma_start3A_46, %dma_start3A_47, %dma_start3A_48] : memref<4x200x64xf32, #tpu.memory_space<vmem>> -> memref<1x72x64xf32, #tpu.memory_space<vmem>>
    %dma_start3A_50 = tpu.memref_squeeze %dma_start3A_49 : memref<1x72x64xf32, #tpu.memory_space<vmem>> -> memref<72x64xf32, #tpu.memory_space<vmem>>
    %dma_start3A_51 = arith.constant 0 : i32
    %dma_start3A_52 = tpu.memref_slice %arg9[%dma_start3A_45, %dma_start3A_51] : memref<4x72xi32, #tpu.memory_space<vmem>> -> memref<1x72xi32, #tpu.memory_space<vmem>>
    %dma_start3A_53 = tpu.memref_squeeze %dma_start3A_52 : memref<1x72xi32, #tpu.memory_space<vmem>> -> memref<72xi32, #tpu.memory_space<vmem>>
    %dma_start3A_54 = arith.constant 0 : i32
    %dma_start3A_55 = arith.constant 0 : i32
    %dma_start3A_56 = tpu.memref_slice %arg4[%dma_start3A_54, %dma_start3A_55] : memref<1000000x64xf32, #tpu.memory_space<hbm>> -> memref<1000000x64xf32, #tpu.memory_space<hbm>>
    tpu.enqueue_indirect_dma source(%dma_start3A_56 : memref<1000000x64xf32, #tpu.memory_space<hbm>>) target(%dma_start3A_50 : memref<72x64xf32, #tpu.memory_space<vmem>>) offsets(%dma_start3A_53 : memref<72xi32, #tpu.memory_space<vmem>>) semaphore(%arg16 : memref<!tpu.dma_semaphore, #tpu.memory_space<semaphore_mem>>)
    %dma_start3A_57 = arith.constant 1 : i32
    %dma_start3A_58 = arith.constant 1 : i32
    %dma_start3A_59 = arith.constant 0 : i32
    %dma_start3A_60 = arith.constant 0 : i32
    %dma_start3A_61 = tpu.memref_slice %arg12[%dma_start3A_58, %dma_start3A_59, %dma_start3A_60] : memref<4x200x64xf32, #tpu.memory_space<vmem>> -> memref<1x128x64xf32, #tpu.memory_space<vmem>>
    %dma_start3A_62 = tpu.memref_squeeze %dma_start3A_61 : memref<1x128x64xf32, #tpu.memory_space<vmem>> -> memref<128x64xf32, #tpu.memory_space<vmem>>
    %dma_start3A_63 = arith.constant 0 : i32
    %dma_start3A_64 = tpu.memref_slice %arg8[%dma_start3A_57, %dma_start3A_63] : memref<4x128xi32, #tpu.memory_space<vmem>> -> memref<1x128xi32, #tpu.memory_space<vmem>>
    %dma_start3A_65 = tpu.memref_squeeze %dma_start3A_64 : memref<1x128xi32, #tpu.memory_space<vmem>> -> memref<128xi32, #tpu.memory_space<vmem>>
    %dma_start3A_66 = arith.constant 0 : i32
    %dma_start3A_67 = arith.constant 0 : i32
    %dma_start3A_68 = tpu.memref_slice %arg4[%dma_start3A_66, %dma_start3A_67] : memref<1000000x64xf32, #tpu.memory_space<hbm>> -> memref<1000000x64xf32, #tpu.memory_space<hbm>>
    tpu.enqueue_indirect_dma source(%dma_start3A_68 : memref<1000000x64xf32, #tpu.memory_space<hbm>>) target(%dma_start3A_62 : memref<128x64xf32, #tpu.memory_space<vmem>>) offsets(%dma_start3A_65 : memref<128xi32, #tpu.memory_space<vmem>>) semaphore(%arg16 : memref<!tpu.dma_semaphore, #tpu.memory_space<semaphore_mem>>)
    %dma_start3A_69 = arith.constant 1 : i32
    %dma_start3A_70 = arith.constant 1 : i32
    %dma_start3A_71 = arith.constant 128 : i32
    %dma_start3A_72 = arith.constant 0 : i32
    %dma_start3A_73 = tpu.memref_slice %arg12[%dma_start3A_70, %dma_start3A_71, %dma_start3A_72] : memref<4x200x64xf32, #tpu.memory_space<vmem>> -> memref<1x72x64xf32, #tpu.memory_space<vmem>>
    %dma_start3A_74 = tpu.memref_squeeze %dma_start3A_73 : memref<1x72x64xf32, #tpu.memory_space<vmem>> -> memref<72x64xf32, #tpu.memory_space<vmem>>
    %dma_start3A_75 = arith.constant 0 : i32
    %dma_start3A_76 = tpu.memref_slice %arg9[%dma_start3A_69, %dma_start3A_75] : memref<4x72xi32, #tpu.memory_space<vmem>> -> memref<1x72xi32, #tpu.memory_space<vmem>>
    %dma_start3A_77 = tpu.memref_squeeze %dma_start3A_76 : memref<1x72xi32, #tpu.memory_space<vmem>> -> memref<72xi32, #tpu.memory_space<vmem>>
    %dma_start3A_78 = arith.constant 0 : i32
    %dma_start3A_79 = arith.constant 0 : i32
    %dma_start3A_80 = tpu.memref_slice %arg4[%dma_start3A_78, %dma_start3A_79] : memref<1000000x64xf32, #tpu.memory_space<hbm>> -> memref<1000000x64xf32, #tpu.memory_space<hbm>>
    tpu.enqueue_indirect_dma source(%dma_start3A_80 : memref<1000000x64xf32, #tpu.memory_space<hbm>>) target(%dma_start3A_74 : memref<72x64xf32, #tpu.memory_space<vmem>>) offsets(%dma_start3A_77 : memref<72xi32, #tpu.memory_space<vmem>>) semaphore(%arg16 : memref<!tpu.dma_semaphore, #tpu.memory_space<semaphore_mem>>)
    %dma_start3A_81 = arith.constant 2 : i32
    %dma_start3A_82 = arith.constant 2 : i32
    %dma_start3A_83 = arith.constant 0 : i32
    %dma_start3A_84 = arith.constant 0 : i32
    %dma_start3A_85 = tpu.memref_slice %arg12[%dma_start3A_82, %dma_start3A_83, %dma_start3A_84] : memref<4x200x64xf32, #tpu.memory_space<vmem>> -> memref<1x128x64xf32, #tpu.memory_space<vmem>>
    %dma_start3A_86 = tpu.memref_squeeze %dma_start3A_85 : memref<1x128x64xf32, #tpu.memory_space<vmem>> -> memref<128x64xf32, #tpu.memory_space<vmem>>
    %dma_start3A_87 = arith.constant 0 : i32
    %dma_start3A_88 = tpu.memref_slice %arg8[%dma_start3A_81, %dma_start3A_87] : memref<4x128xi32, #tpu.memory_space<vmem>> -> memref<1x128xi32, #tpu.memory_space<vmem>>
    %dma_start3A_89 = tpu.memref_squeeze %dma_start3A_88 : memref<1x128xi32, #tpu.memory_space<vmem>> -> memref<128xi32, #tpu.memory_space<vmem>>
    %dma_start3A_90 = arith.constant 0 : i32
    %dma_start3A_91 = arith.constant 0 : i32
    %dma_start3A_92 = tpu.memref_slice %arg4[%dma_start3A_90, %dma_start3A_91] : memref<1000000x64xf32, #tpu.memory_space<hbm>> -> memref<1000000x64xf32, #tpu.memory_space<hbm>>
    tpu.enqueue_indirect_dma source(%dma_start3A_92 : memref<1000000x64xf32, #tpu.memory_space<hbm>>) target(%dma_start3A_86 : memref<128x64xf32, #tpu.memory_space<vmem>>) offsets(%dma_start3A_89 : memref<128xi32, #tpu.memory_space<vmem>>) semaphore(%arg16 : memref<!tpu.dma_semaphore, #tpu.memory_space<semaphore_mem>>)
    %dma_start3A_93 = arith.constant 2 : i32
    %dma_start3A_94 = arith.constant 2 : i32
    %dma_start3A_95 = arith.constant 128 : i32
    %dma_start3A_96 = arith.constant 0 : i32
    %dma_start3A_97 = tpu.memref_slice %arg12[%dma_start3A_94, %dma_start3A_95, %dma_start3A_96] : memref<4x200x64xf32, #tpu.memory_space<vmem>> -> memref<1x72x64xf32, #tpu.memory_space<vmem>>
    %dma_start3A_98 = tpu.memref_squeeze %dma_start3A_97 : memref<1x72x64xf32, #tpu.memory_space<vmem>> -> memref<72x64xf32, #tpu.memory_space<vmem>>
    %dma_start3A_99 = arith.constant 0 : i32
    %dma_start3A_100 = tpu.memref_slice %arg9[%dma_start3A_93, %dma_start3A_99] : memref<4x72xi32, #tpu.memory_space<vmem>> -> memref<1x72xi32, #tpu.memory_space<vmem>>
    %dma_start3A_101 = tpu.memref_squeeze %dma_start3A_100 : memref<1x72xi32, #tpu.memory_space<vmem>> -> memref<72xi32, #tpu.memory_space<vmem>>
    %dma_start3A_102 = arith.constant 0 : i32
    %dma_start3A_103 = arith.constant 0 : i32
    %dma_start3A_104 = tpu.memref_slice %arg4[%dma_start3A_102, %dma_start3A_103] : memref<1000000x64xf32, #tpu.memory_space<hbm>> -> memref<1000000x64xf32, #tpu.memory_space<hbm>>
    tpu.enqueue_indirect_dma source(%dma_start3A_104 : memref<1000000x64xf32, #tpu.memory_space<hbm>>) target(%dma_start3A_98 : memref<72x64xf32, #tpu.memory_space<vmem>>) offsets(%dma_start3A_101 : memref<72xi32, #tpu.memory_space<vmem>>) semaphore(%arg16 : memref<!tpu.dma_semaphore, #tpu.memory_space<semaphore_mem>>)
    %dma_start3A_105 = arith.constant 3 : i32
    %dma_start3A_106 = arith.constant 3 : i32
    %dma_start3A_107 = arith.constant 0 : i32
    %dma_start3A_108 = arith.constant 0 : i32
    %dma_start3A_109 = tpu.memref_slice %arg12[%dma_start3A_106, %dma_start3A_107, %dma_start3A_108] : memref<4x200x64xf32, #tpu.memory_space<vmem>> -> memref<1x128x64xf32, #tpu.memory_space<vmem>>
    %dma_start3A_110 = tpu.memref_squeeze %dma_start3A_109 : memref<1x128x64xf32, #tpu.memory_space<vmem>> -> memref<128x64xf32, #tpu.memory_space<vmem>>
    %dma_start3A_111 = arith.constant 0 : i32
    %dma_start3A_112 = tpu.memref_slice %arg8[%dma_start3A_105, %dma_start3A_111] : memref<4x128xi32, #tpu.memory_space<vmem>> -> memref<1x128xi32, #tpu.memory_space<vmem>>
    %dma_start3A_113 = tpu.memref_squeeze %dma_start3A_112 : memref<1x128xi32, #tpu.memory_space<vmem>> -> memref<128xi32, #tpu.memory_space<vmem>>
    %dma_start3A_114 = arith.constant 0 : i32
    %dma_start3A_115 = arith.constant 0 : i32
    %dma_start3A_116 = tpu.memref_slice %arg4[%dma_start3A_114, %dma_start3A_115] : memref<1000000x64xf32, #tpu.memory_space<hbm>> -> memref<1000000x64xf32, #tpu.memory_space<hbm>>
    tpu.enqueue_indirect_dma source(%dma_start3A_116 : memref<1000000x64xf32, #tpu.memory_space<hbm>>) target(%dma_start3A_110 : memref<128x64xf32, #tpu.memory_space<vmem>>) offsets(%dma_start3A_113 : memref<128xi32, #tpu.memory_space<vmem>>) semaphore(%arg16 : memref<!tpu.dma_semaphore, #tpu.memory_space<semaphore_mem>>)
    %dma_start3A_117 = arith.constant 3 : i32
    %dma_start3A_118 = arith.constant 3 : i32
    %dma_start3A_119 = arith.constant 128 : i32
    %dma_start3A_120 = arith.constant 0 : i32
    %dma_start3A_121 = tpu.memref_slice %arg12[%dma_start3A_118, %dma_start3A_119, %dma_start3A_120] : memref<4x200x64xf32, #tpu.memory_space<vmem>> -> memref<1x72x64xf32, #tpu.memory_space<vmem>>
    %dma_start3A_122 = tpu.memref_squeeze %dma_start3A_121 : memref<1x72x64xf32, #tpu.memory_space<vmem>> -> memref<72x64xf32, #tpu.memory_space<vmem>>
    %dma_start3A_123 = arith.constant 0 : i32
    %dma_start3A_124 = tpu.memref_slice %arg9[%dma_start3A_117, %dma_start3A_123] : memref<4x72xi32, #tpu.memory_space<vmem>> -> memref<1x72xi32, #tpu.memory_space<vmem>>
    %dma_start3A_125 = tpu.memref_squeeze %dma_start3A_124 : memref<1x72xi32, #tpu.memory_space<vmem>> -> memref<72xi32, #tpu.memory_space<vmem>>
    %dma_start3A_126 = arith.constant 0 : i32
    %dma_start3A_127 = arith.constant 0 : i32
    %dma_start3A_128 = tpu.memref_slice %arg4[%dma_start3A_126, %dma_start3A_127] : memref<1000000x64xf32, #tpu.memory_space<hbm>> -> memref<1000000x64xf32, #tpu.memory_space<hbm>>
    tpu.enqueue_indirect_dma source(%dma_start3A_128 : memref<1000000x64xf32, #tpu.memory_space<hbm>>) target(%dma_start3A_122 : memref<72x64xf32, #tpu.memory_space<vmem>>) offsets(%dma_start3A_125 : memref<72xi32, #tpu.memory_space<vmem>>) semaphore(%arg16 : memref<!tpu.dma_semaphore, #tpu.memory_space<semaphore_mem>>)
    %dma_wait3A_129 = arith.constant 0 : i32
    %dma_wait3A_130 = arith.constant 0 : i32
    %dma_wait3A_131 = tpu.memref_slice %arg2[%dma_wait3A_129, %dma_wait3A_130] : memref<4096x128xi32, #tpu.memory_space<hbm>> -> memref<4x128xi32, #tpu.memory_space<hbm>>
    %dma_wait3A_132 = arith.constant 0 : i32
    %dma_wait3A_133 = arith.constant 0 : i32
    %dma_wait3A_134 = tpu.memref_slice %arg2[%dma_wait3A_132, %dma_wait3A_133] : memref<4096x128xi32, #tpu.memory_space<hbm>> -> memref<4x128xi32, #tpu.memory_space<hbm>>
    tpu.wait_dma2 semaphore(%arg15 : memref<!tpu.dma_semaphore, #tpu.memory_space<semaphore_mem>>) src(%dma_wait3A_134 : memref<4x128xi32, #tpu.memory_space<hbm>>) dst(%arg10 : memref<4x128xi32, #tpu.memory_space<vmem>>)
    %dma_wait3A_135 = arith.constant 0 : i32
    %dma_wait3A_136 = arith.constant 0 : i32
    %dma_wait3A_137 = tpu.memref_slice %arg3[%dma_wait3A_135, %dma_wait3A_136] : memref<4096x72xi32, #tpu.memory_space<hbm>> -> memref<4x72xi32, #tpu.memory_space<hbm>>
    %dma_wait3A_138 = arith.constant 0 : i32
    %dma_wait3A_139 = arith.constant 0 : i32
    %dma_wait3A_140 = tpu.memref_slice %arg3[%dma_wait3A_138, %dma_wait3A_139] : memref<4096x72xi32, #tpu.memory_space<hbm>> -> memref<4x72xi32, #tpu.memory_space<hbm>>
    tpu.wait_dma2 semaphore(%arg15 : memref<!tpu.dma_semaphore, #tpu.memory_space<semaphore_mem>>) src(%dma_wait3A_140 : memref<4x72xi32, #tpu.memory_space<hbm>>) dst(%arg11 : memref<4x72xi32, #tpu.memory_space<vmem>>)
    %dma_start3A_141 = arith.constant 0 : i32
    %dma_start3A_142 = arith.constant 0 : i32
    %dma_start3A_143 = arith.constant 0 : i32
    %dma_start3A_144 = arith.constant 0 : i32
    %dma_start3A_145 = tpu.memref_slice %arg13[%dma_start3A_142, %dma_start3A_143, %dma_start3A_144] : memref<4x200x64xf32, #tpu.memory_space<vmem>> -> memref<1x128x64xf32, #tpu.memory_space<vmem>>
    %dma_start3A_146 = tpu.memref_squeeze %dma_start3A_145 : memref<1x128x64xf32, #tpu.memory_space<vmem>> -> memref<128x64xf32, #tpu.memory_space<vmem>>
    %dma_start3A_147 = arith.constant 0 : i32
    %dma_start3A_148 = tpu.memref_slice %arg10[%dma_start3A_141, %dma_start3A_147] : memref<4x128xi32, #tpu.memory_space<vmem>> -> memref<1x128xi32, #tpu.memory_space<vmem>>
    %dma_start3A_149 = tpu.memref_squeeze %dma_start3A_148 : memref<1x128xi32, #tpu.memory_space<vmem>> -> memref<128xi32, #tpu.memory_space<vmem>>
    %dma_start3A_150 = arith.constant 0 : i32
    %dma_start3A_151 = arith.constant 0 : i32
    %dma_start3A_152 = tpu.memref_slice %arg4[%dma_start3A_150, %dma_start3A_151] : memref<1000000x64xf32, #tpu.memory_space<hbm>> -> memref<1000000x64xf32, #tpu.memory_space<hbm>>
    tpu.enqueue_indirect_dma source(%dma_start3A_152 : memref<1000000x64xf32, #tpu.memory_space<hbm>>) target(%dma_start3A_146 : memref<128x64xf32, #tpu.memory_space<vmem>>) offsets(%dma_start3A_149 : memref<128xi32, #tpu.memory_space<vmem>>) semaphore(%arg17 : memref<!tpu.dma_semaphore, #tpu.memory_space<semaphore_mem>>)
    %dma_start3A_153 = arith.constant 0 : i32
    %dma_start3A_154 = arith.constant 0 : i32
    %dma_start3A_155 = arith.constant 128 : i32
    %dma_start3A_156 = arith.constant 0 : i32
    %dma_start3A_157 = tpu.memref_slice %arg13[%dma_start3A_154, %dma_start3A_155, %dma_start3A_156] : memref<4x200x64xf32, #tpu.memory_space<vmem>> -> memref<1x72x64xf32, #tpu.memory_space<vmem>>
    %dma_start3A_158 = tpu.memref_squeeze %dma_start3A_157 : memref<1x72x64xf32, #tpu.memory_space<vmem>> -> memref<72x64xf32, #tpu.memory_space<vmem>>
    %dma_start3A_159 = arith.constant 0 : i32
    %dma_start3A_160 = tpu.memref_slice %arg11[%dma_start3A_153, %dma_start3A_159] : memref<4x72xi32, #tpu.memory_space<vmem>> -> memref<1x72xi32, #tpu.memory_space<vmem>>
    %dma_start3A_161 = tpu.memref_squeeze %dma_start3A_160 : memref<1x72xi32, #tpu.memory_space<vmem>> -> memref<72xi32, #tpu.memory_space<vmem>>
    %dma_start3A_162 = arith.constant 0 : i32
    %dma_start3A_163 = arith.constant 0 : i32
    %dma_start3A_164 = tpu.memref_slice %arg4[%dma_start3A_162, %dma_start3A_163] : memref<1000000x64xf32, #tpu.memory_space<hbm>> -> memref<1000000x64xf32, #tpu.memory_space<hbm>>
    tpu.enqueue_indirect_dma source(%dma_start3A_164 : memref<1000000x64xf32, #tpu.memory_space<hbm>>) target(%dma_start3A_158 : memref<72x64xf32, #tpu.memory_space<vmem>>) offsets(%dma_start3A_161 : memref<72xi32, #tpu.memory_space<vmem>>) semaphore(%arg17 : memref<!tpu.dma_semaphore, #tpu.memory_space<semaphore_mem>>)
    %dma_start3A_165 = arith.constant 1 : i32
    %dma_start3A_166 = arith.constant 1 : i32
    %dma_start3A_167 = arith.constant 0 : i32
    %dma_start3A_168 = arith.constant 0 : i32
    %dma_start3A_169 = tpu.memref_slice %arg13[%dma_start3A_166, %dma_start3A_167, %dma_start3A_168] : memref<4x200x64xf32, #tpu.memory_space<vmem>> -> memref<1x128x64xf32, #tpu.memory_space<vmem>>
    %dma_start3A_170 = tpu.memref_squeeze %dma_start3A_169 : memref<1x128x64xf32, #tpu.memory_space<vmem>> -> memref<128x64xf32, #tpu.memory_space<vmem>>
    %dma_start3A_171 = arith.constant 0 : i32
    %dma_start3A_172 = tpu.memref_slice %arg10[%dma_start3A_165, %dma_start3A_171] : memref<4x128xi32, #tpu.memory_space<vmem>> -> memref<1x128xi32, #tpu.memory_space<vmem>>
    %dma_start3A_173 = tpu.memref_squeeze %dma_start3A_172 : memref<1x128xi32, #tpu.memory_space<vmem>> -> memref<128xi32, #tpu.memory_space<vmem>>
    %dma_start3A_174 = arith.constant 0 : i32
    %dma_start3A_175 = arith.constant 0 : i32
    %dma_start3A_176 = tpu.memref_slice %arg4[%dma_start3A_174, %dma_start3A_175] : memref<1000000x64xf32, #tpu.memory_space<hbm>> -> memref<1000000x64xf32, #tpu.memory_space<hbm>>
    tpu.enqueue_indirect_dma source(%dma_start3A_176 : memref<1000000x64xf32, #tpu.memory_space<hbm>>) target(%dma_start3A_170 : memref<128x64xf32, #tpu.memory_space<vmem>>) offsets(%dma_start3A_173 : memref<128xi32, #tpu.memory_space<vmem>>) semaphore(%arg17 : memref<!tpu.dma_semaphore, #tpu.memory_space<semaphore_mem>>)
    %dma_start3A_177 = arith.constant 1 : i32
    %dma_start3A_178 = arith.constant 1 : i32
    %dma_start3A_179 = arith.constant 128 : i32
    %dma_start3A_180 = arith.constant 0 : i32
    %dma_start3A_181 = tpu.memref_slice %arg13[%dma_start3A_178, %dma_start3A_179, %dma_start3A_180] : memref<4x200x64xf32, #tpu.memory_space<vmem>> -> memref<1x72x64xf32, #tpu.memory_space<vmem>>
    %dma_start3A_182 = tpu.memref_squeeze %dma_start3A_181 : memref<1x72x64xf32, #tpu.memory_space<vmem>> -> memref<72x64xf32, #tpu.memory_space<vmem>>
    %dma_start3A_183 = arith.constant 0 : i32
    %dma_start3A_184 = tpu.memref_slice %arg11[%dma_start3A_177, %dma_start3A_183] : memref<4x72xi32, #tpu.memory_space<vmem>> -> memref<1x72xi32, #tpu.memory_space<vmem>>
    %dma_start3A_185 = tpu.memref_squeeze %dma_start3A_184 : memref<1x72xi32, #tpu.memory_space<vmem>> -> memref<72xi32, #tpu.memory_space<vmem>>
    %dma_start3A_186 = arith.constant 0 : i32
    %dma_start3A_187 = arith.constant 0 : i32
    %dma_start3A_188 = tpu.memref_slice %arg4[%dma_start3A_186, %dma_start3A_187] : memref<1000000x64xf32, #tpu.memory_space<hbm>> -> memref<1000000x64xf32, #tpu.memory_space<hbm>>
    tpu.enqueue_indirect_dma source(%dma_start3A_188 : memref<1000000x64xf32, #tpu.memory_space<hbm>>) target(%dma_start3A_182 : memref<72x64xf32, #tpu.memory_space<vmem>>) offsets(%dma_start3A_185 : memref<72xi32, #tpu.memory_space<vmem>>) semaphore(%arg17 : memref<!tpu.dma_semaphore, #tpu.memory_space<semaphore_mem>>)
    %dma_start3A_189 = arith.constant 2 : i32
    %dma_start3A_190 = arith.constant 2 : i32
    %dma_start3A_191 = arith.constant 0 : i32
    %dma_start3A_192 = arith.constant 0 : i32
    %dma_start3A_193 = tpu.memref_slice %arg13[%dma_start3A_190, %dma_start3A_191, %dma_start3A_192] : memref<4x200x64xf32, #tpu.memory_space<vmem>> -> memref<1x128x64xf32, #tpu.memory_space<vmem>>
    %dma_start3A_194 = tpu.memref_squeeze %dma_start3A_193 : memref<1x128x64xf32, #tpu.memory_space<vmem>> -> memref<128x64xf32, #tpu.memory_space<vmem>>
    %dma_start3A_195 = arith.constant 0 : i32
    %dma_start3A_196 = tpu.memref_slice %arg10[%dma_start3A_189, %dma_start3A_195] : memref<4x128xi32, #tpu.memory_space<vmem>> -> memref<1x128xi32, #tpu.memory_space<vmem>>
    %dma_start3A_197 = tpu.memref_squeeze %dma_start3A_196 : memref<1x128xi32, #tpu.memory_space<vmem>> -> memref<128xi32, #tpu.memory_space<vmem>>
    %dma_start3A_198 = arith.constant 0 : i32
    %dma_start3A_199 = arith.constant 0 : i32
    %dma_start3A_200 = tpu.memref_slice %arg4[%dma_start3A_198, %dma_start3A_199] : memref<1000000x64xf32, #tpu.memory_space<hbm>> -> memref<1000000x64xf32, #tpu.memory_space<hbm>>
    tpu.enqueue_indirect_dma source(%dma_start3A_200 : memref<1000000x64xf32, #tpu.memory_space<hbm>>) target(%dma_start3A_194 : memref<128x64xf32, #tpu.memory_space<vmem>>) offsets(%dma_start3A_197 : memref<128xi32, #tpu.memory_space<vmem>>) semaphore(%arg17 : memref<!tpu.dma_semaphore, #tpu.memory_space<semaphore_mem>>)
    %dma_start3A_201 = arith.constant 2 : i32
    %dma_start3A_202 = arith.constant 2 : i32
    %dma_start3A_203 = arith.constant 128 : i32
    %dma_start3A_204 = arith.constant 0 : i32
    %dma_start3A_205 = tpu.memref_slice %arg13[%dma_start3A_202, %dma_start3A_203, %dma_start3A_204] : memref<4x200x64xf32, #tpu.memory_space<vmem>> -> memref<1x72x64xf32, #tpu.memory_space<vmem>>
    %dma_start3A_206 = tpu.memref_squeeze %dma_start3A_205 : memref<1x72x64xf32, #tpu.memory_space<vmem>> -> memref<72x64xf32, #tpu.memory_space<vmem>>
    %dma_start3A_207 = arith.constant 0 : i32
    %dma_start3A_208 = tpu.memref_slice %arg11[%dma_start3A_201, %dma_start3A_207] : memref<4x72xi32, #tpu.memory_space<vmem>> -> memref<1x72xi32, #tpu.memory_space<vmem>>
    %dma_start3A_209 = tpu.memref_squeeze %dma_start3A_208 : memref<1x72xi32, #tpu.memory_space<vmem>> -> memref<72xi32, #tpu.memory_space<vmem>>
    %dma_start3A_210 = arith.constant 0 : i32
    %dma_start3A_211 = arith.constant 0 : i32
    %dma_start3A_212 = tpu.memref_slice %arg4[%dma_start3A_210, %dma_start3A_211] : memref<1000000x64xf32, #tpu.memory_space<hbm>> -> memref<1000000x64xf32, #tpu.memory_space<hbm>>
    tpu.enqueue_indirect_dma source(%dma_start3A_212 : memref<1000000x64xf32, #tpu.memory_space<hbm>>) target(%dma_start3A_206 : memref<72x64xf32, #tpu.memory_space<vmem>>) offsets(%dma_start3A_209 : memref<72xi32, #tpu.memory_space<vmem>>) semaphore(%arg17 : memref<!tpu.dma_semaphore, #tpu.memory_space<semaphore_mem>>)
    %dma_start3A_213 = arith.constant 3 : i32
    %dma_start3A_214 = arith.constant 3 : i32
    %dma_start3A_215 = arith.constant 0 : i32
    %dma_start3A_216 = arith.constant 0 : i32
    %dma_start3A_217 = tpu.memref_slice %arg13[%dma_start3A_214, %dma_start3A_215, %dma_start3A_216] : memref<4x200x64xf32, #tpu.memory_space<vmem>> -> memref<1x128x64xf32, #tpu.memory_space<vmem>>
    %dma_start3A_218 = tpu.memref_squeeze %dma_start3A_217 : memref<1x128x64xf32, #tpu.memory_space<vmem>> -> memref<128x64xf32, #tpu.memory_space<vmem>>
    %dma_start3A_219 = arith.constant 0 : i32
    %dma_start3A_220 = tpu.memref_slice %arg10[%dma_start3A_213, %dma_start3A_219] : memref<4x128xi32, #tpu.memory_space<vmem>> -> memref<1x128xi32, #tpu.memory_space<vmem>>
    %dma_start3A_221 = tpu.memref_squeeze %dma_start3A_220 : memref<1x128xi32, #tpu.memory_space<vmem>> -> memref<128xi32, #tpu.memory_space<vmem>>
    %dma_start3A_222 = arith.constant 0 : i32
    %dma_start3A_223 = arith.constant 0 : i32
    %dma_start3A_224 = tpu.memref_slice %arg4[%dma_start3A_222, %dma_start3A_223] : memref<1000000x64xf32, #tpu.memory_space<hbm>> -> memref<1000000x64xf32, #tpu.memory_space<hbm>>
    tpu.enqueue_indirect_dma source(%dma_start3A_224 : memref<1000000x64xf32, #tpu.memory_space<hbm>>) target(%dma_start3A_218 : memref<128x64xf32, #tpu.memory_space<vmem>>) offsets(%dma_start3A_221 : memref<128xi32, #tpu.memory_space<vmem>>) semaphore(%arg17 : memref<!tpu.dma_semaphore, #tpu.memory_space<semaphore_mem>>)
    %dma_start3A_225 = arith.constant 3 : i32
    %dma_start3A_226 = arith.constant 3 : i32
    %dma_start3A_227 = arith.constant 128 : i32
    %dma_start3A_228 = arith.constant 0 : i32
    %dma_start3A_229 = tpu.memref_slice %arg13[%dma_start3A_226, %dma_start3A_227, %dma_start3A_228] : memref<4x200x64xf32, #tpu.memory_space<vmem>> -> memref<1x72x64xf32, #tpu.memory_space<vmem>>
    %dma_start3A_230 = tpu.memref_squeeze %dma_start3A_229 : memref<1x72x64xf32, #tpu.memory_space<vmem>> -> memref<72x64xf32, #tpu.memory_space<vmem>>
    %dma_start3A_231 = arith.constant 0 : i32
    %dma_start3A_232 = tpu.memref_slice %arg11[%dma_start3A_225, %dma_start3A_231] : memref<4x72xi32, #tpu.memory_space<vmem>> -> memref<1x72xi32, #tpu.memory_space<vmem>>
    %dma_start3A_233 = tpu.memref_squeeze %dma_start3A_232 : memref<1x72xi32, #tpu.memory_space<vmem>> -> memref<72xi32, #tpu.memory_space<vmem>>
    %dma_start3A_234 = arith.constant 0 : i32
    %dma_start3A_235 = arith.constant 0 : i32
    %dma_start3A_236 = tpu.memref_slice %arg4[%dma_start3A_234, %dma_start3A_235] : memref<1000000x64xf32, #tpu.memory_space<hbm>> -> memref<1000000x64xf32, #tpu.memory_space<hbm>>
    tpu.enqueue_indirect_dma source(%dma_start3A_236 : memref<1000000x64xf32, #tpu.memory_space<hbm>>) target(%dma_start3A_230 : memref<72x64xf32, #tpu.memory_space<vmem>>) offsets(%dma_start3A_233 : memref<72xi32, #tpu.memory_space<vmem>>) semaphore(%arg17 : memref<!tpu.dma_semaphore, #tpu.memory_space<semaphore_mem>>)
    %dma_wait3A_237 = arith.constant 0 : i32
    %dma_wait3A_238 = arith.constant 0 : i32
    %dma_wait3A_239 = arith.constant 0 : i32
    %dma_wait3A_240 = tpu.memref_slice %arg6[%dma_wait3A_237, %dma_wait3A_238, %dma_wait3A_239] : memref<4096x200x64xf32, #tpu.memory_space<hbm>> -> memref<4x200x64xf32, #tpu.memory_space<hbm>>
    %dma_wait3A_241 = arith.constant 0 : i32
    %dma_wait3A_242 = arith.constant 0 : i32
    %dma_wait3A_243 = arith.constant 0 : i32
    %dma_wait3A_244 = tpu.memref_slice %arg6[%dma_wait3A_241, %dma_wait3A_242, %dma_wait3A_243] : memref<4096x200x64xf32, #tpu.memory_space<hbm>> -> memref<4x200x64xf32, #tpu.memory_space<hbm>>
    tpu.wait_dma2 semaphore(%arg16 : memref<!tpu.dma_semaphore, #tpu.memory_space<semaphore_mem>>) src(%dma_wait3A_244 : memref<4x200x64xf32, #tpu.memory_space<hbm>>) dst(%arg12 : memref<4x200x64xf32, #tpu.memory_space<vmem>>)
    %add3A_245 = arith.constant 8 : i32
    %add3A_246 = arith.addi %mul3A_2, %add3A_245 : i32
    %dma_start3A_247 = arith.constant 0 : i32
    %dma_start3A_248 = tpu.memref_slice %arg2[%add3A_246, %dma_start3A_247] : memref<4096x128xi32, #tpu.memory_space<hbm>> -> memref<4x128xi32, #tpu.memory_space<hbm>>
    %dma_start3A_249 = arith.constant 0 : i32
    %dma_start3A_250 = tpu.memref_slice %arg2[%add3A_246, %dma_start3A_249] : memref<4096x128xi32, #tpu.memory_space<hbm>> -> memref<4x128xi32, #tpu.memory_space<hbm>>
    tpu.enqueue_dma source(%dma_start3A_250 : memref<4x128xi32, #tpu.memory_space<hbm>>) target(%arg8 : memref<4x128xi32, #tpu.memory_space<vmem>>) target_semaphore(%arg14 : memref<!tpu.dma_semaphore, #tpu.memory_space<semaphore_mem>>)
    %dma_start3A_251 = arith.constant 0 : i32
    %dma_start3A_252 = tpu.memref_slice %arg3[%add3A_246, %dma_start3A_251] : memref<4096x72xi32, #tpu.memory_space<hbm>> -> memref<4x72xi32, #tpu.memory_space<hbm>>
    %dma_start3A_253 = arith.constant 0 : i32
    %dma_start3A_254 = tpu.memref_slice %arg3[%add3A_246, %dma_start3A_253] : memref<4096x72xi32, #tpu.memory_space<hbm>> -> memref<4x72xi32, #tpu.memory_space<hbm>>
    tpu.enqueue_dma source(%dma_start3A_254 : memref<4x72xi32, #tpu.memory_space<hbm>>) target(%arg9 : memref<4x72xi32, #tpu.memory_space<vmem>>) target_semaphore(%arg14 : memref<!tpu.dma_semaphore, #tpu.memory_space<semaphore_mem>>)
    %parallel_loop3A = arith.constant 0 : i32
    %parallel_loop3A_255 = arith.constant 200 : i32
    %parallel_loop3A_256 = arith.constant 1 : i32
    scf.for %parallel_loop3A_317 = %parallel_loop3A to %parallel_loop3A_255 step %parallel_loop3A_256  : i32 {
      %parallel_loop3A_318 = arith.index_cast %parallel_loop3A_317 : i32 to index
      %parallel_loop3A_319 = arith.constant 0 : index
      %parallel_loop3A_320 = tpu.vector_load %arg7[%parallel_loop3A_318, %parallel_loop3A_319] {strides = array<i32>} : memref<200x64xf32, #tpu.memory_space<vmem>>, vector<1x16xf32>,
      %parallel_loop3A_321 = vector.shape_cast %parallel_loop3A_320 : vector<1x16xf32> to vector<16xf32>
      %parallel_loop3A_322 = arith.constant 0 : i32
      %parallel_loop3A_323 = arith.index_cast %parallel_loop3A_322 : i32 to index
      %parallel_loop3A_324 = arith.index_cast %parallel_loop3A_317 : i32 to index
      %parallel_loop3A_325 = arith.constant 0 : index
      %parallel_loop3A_326 = tpu.vector_load %arg12[%parallel_loop3A_323, %parallel_loop3A_324, %parallel_loop3A_325] {strides = array<i32>} : memref<4x200x64xf32, #tpu.memory_space<vmem>>, vector<1x1x16xf32>,
      %parallel_loop3A_327 = vector.shape_cast %parallel_loop3A_326 : vector<1x1x16xf32> to vector<16xf32>
      %parallel_loop3A_328 = arith.addf %parallel_loop3A_327, %parallel_loop3A_321 : vector<16xf32>
      %parallel_loop3A_329 = arith.constant 0 : i32
      %parallel_loop3A_330 = arith.index_cast %parallel_loop3A_329 : i32 to index
      %parallel_loop3A_331 = arith.index_cast %parallel_loop3A_317 : i32 to index
      %parallel_loop3A_332 = arith.constant 0 : index
      %parallel_loop3A_333 = tpu.vector_load %arg12[%parallel_loop3A_330, %parallel_loop3A_331, %parallel_loop3A_332] {strides = array<i32>} : memref<4x200x64xf32, #tpu.memory_space<vmem>>, vector<1x1x16xf32>,
      %parallel_loop3A_334 = vector.shape_cast %parallel_loop3A_333 : vector<1x1x16xf32> to vector<16xf32>
      %parallel_loop3A_335 = vector.shape_cast %parallel_loop3A_328 : vector<16xf32> to vector<1x1x16xf32>
      tpu.vector_store %arg12[%parallel_loop3A_330, %parallel_loop3A_331, %parallel_loop3A_332], %parallel_loop3A_335 {strides = array<i32>} : memref<4x200x64xf32, #tpu.memory_space<vmem>>, vector<1x1x16xf32>,
      %parallel_loop3A_336 = arith.constant 1 : i32
      %parallel_loop3A_337 = arith.index_cast %parallel_loop3A_336 : i32 to index
      %parallel_loop3A_338 = arith.index_cast %parallel_loop3A_317 : i32 to index
      %parallel_loop3A_339 = arith.constant 0 : index
      %parallel_loop3A_340 = tpu.vector_load %arg12[%parallel_loop3A_337, %parallel_loop3A_338, %parallel_loop3A_339] {strides = array<i32>} : memref<4x200x64xf32, #tpu.memory_space<vmem>>, vector<1x1x16xf32>,
      %parallel_loop3A_341 = vector.shape_cast %parallel_loop3A_340 : vector<1x1x16xf32> to vector<16xf32>
      %parallel_loop3A_342 = arith.addf %parallel_loop3A_341, %parallel_loop3A_321 : vector<16xf32>
      %parallel_loop3A_343 = arith.constant 1 : i32
      %parallel_loop3A_344 = arith.index_cast %parallel_loop3A_343 : i32 to index
      %parallel_loop3A_345 = arith.index_cast %parallel_loop3A_317 : i32 to index
      %parallel_loop3A_346 = arith.constant 0 : index
      %parallel_loop3A_347 = tpu.vector_load %arg12[%parallel_loop3A_344, %parallel_loop3A_345, %parallel_loop3A_346] {strides = array<i32>} : memref<4x200x64xf32, #tpu.memory_space<vmem>>, vector<1x1x16xf32>,
      %parallel_loop3A_348 = vector.shape_cast %parallel_loop3A_347 : vector<1x1x16xf32> to vector<16xf32>
      %parallel_loop3A_349 = vector.shape_cast %parallel_loop3A_342 : vector<16xf32> to vector<1x1x16xf32>
      tpu.vector_store %arg12[%parallel_loop3A_344, %parallel_loop3A_345, %parallel_loop3A_346], %parallel_loop3A_349 {strides = array<i32>} : memref<4x200x64xf32, #tpu.memory_space<vmem>>, vector<1x1x16xf32>,
      %parallel_loop3A_350 = arith.constant 2 : i32
      %parallel_loop3A_351 = arith.index_cast %parallel_loop3A_350 : i32 to index
      %parallel_loop3A_352 = arith.index_cast %parallel_loop3A_317 : i32 to index
      %parallel_loop3A_353 = arith.constant 0 : index
      %parallel_loop3A_354 = tpu.vector_load %arg12[%parallel_loop3A_351, %parallel_loop3A_352, %parallel_loop3A_353] {strides = array<i32>} : memref<4x200x64xf32, #tpu.memory_space<vmem>>, vector<1x1x16xf32>,
      %parallel_loop3A_355 = vector.shape_cast %parallel_loop3A_354 : vector<1x1x16xf32> to vector<16xf32>
      %parallel_loop3A_356 = arith.addf %parallel_loop3A_355, %parallel_loop3A_321 : vector<16xf32>
      %parallel_loop3A_357 = arith.constant 2 : i32
      %parallel_loop3A_358 = arith.index_cast %parallel_loop3A_357 : i32 to index
      %parallel_loop3A_359 = arith.index_cast %parallel_loop3A_317 : i32 to index
      %parallel_loop3A_360 = arith.constant 0 : index
      %parallel_loop3A_361 = tpu.vector_load %arg12[%parallel_loop3A_358, %parallel_loop3A_359, %parallel_loop3A_360] {strides = array<i32>} : memref<4x200x64xf32, #tpu.memory_space<vmem>>, vector<1x1x16xf32>,
      %parallel_loop3A_362 = vector.shape_cast %parallel_loop3A_361 : vector<1x1x16xf32> to vector<16xf32>
      %parallel_loop3A_363 = vector.shape_cast %parallel_loop3A_356 : vector<16xf32> to vector<1x1x16xf32>
      tpu.vector_store %arg12[%parallel_loop3A_358, %parallel_loop3A_359, %parallel_loop3A_360], %parallel_loop3A_363 {strides = array<i32>} : memref<4x200x64xf32, #tpu.memory_space<vmem>>, vector<1x1x16xf32>,
      %parallel_loop3A_364 = arith.constant 3 : i32
      %parallel_loop3A_365 = arith.index_cast %parallel_loop3A_364 : i32 to index
      %parallel_loop3A_366 = arith.index_cast %parallel_loop3A_317 : i32 to index
      %parallel_loop3A_367 = arith.constant 0 : index
      %parallel_loop3A_368 = tpu.vector_load %arg12[%parallel_loop3A_365, %parallel_loop3A_366, %parallel_loop3A_367] {strides = array<i32>} : memref<4x200x64xf32, #tpu.memory_space<vmem>>, vector<1x1x16xf32>,
      %parallel_loop3A_369 = vector.shape_cast %parallel_loop3A_368 : vector<1x1x16xf32> to vector<16xf32>
      %parallel_loop3A_370 = arith.addf %parallel_loop3A_369, %parallel_loop3A_321 : vector<16xf32>
      %parallel_loop3A_371 = arith.constant 3 : i32
      %parallel_loop3A_372 = arith.index_cast %parallel_loop3A_371 : i32 to index
      %parallel_loop3A_373 = arith.index_cast %parallel_loop3A_317 : i32 to index
      %parallel_loop3A_374 = arith.constant 0 : index
      %parallel_loop3A_375 = tpu.vector_load %arg12[%parallel_loop3A_372, %parallel_loop3A_373, %parallel_loop3A_374] {strides = array<i32>} : memref<4x200x64xf32, #tpu.memory_space<vmem>>, vector<1x1x16xf32>,
      %parallel_loop3A_376 = vector.shape_cast %parallel_loop3A_375 : vector<1x1x16xf32> to vector<16xf32>
      %parallel_loop3A_377 = vector.shape_cast %parallel_loop3A_370 : vector<16xf32> to vector<1x1x16xf32>
      tpu.vector_store %arg12[%parallel_loop3A_372, %parallel_loop3A_373, %parallel_loop3A_374], %parallel_loop3A_377 {strides = array<i32>} : memref<4x200x64xf32, #tpu.memory_space<vmem>>, vector<1x1x16xf32>,
      %parallel_loop3A_378 = arith.index_cast %parallel_loop3A_317 : i32 to index
      %parallel_loop3A_379 = arith.constant 16 : index
      %parallel_loop3A_380 = tpu.vector_load %arg7[%parallel_loop3A_378, %parallel_loop3A_379] {strides = array<i32>} : memref<200x64xf32, #tpu.memory_space<vmem>>, vector<1x16xf32>,
      %parallel_loop3A_381 = vector.shape_cast %parallel_loop3A_380 : vector<1x16xf32> to vector<16xf32>
      %parallel_loop3A_382 = arith.constant 0 : i32
      %parallel_loop3A_383 = arith.index_cast %parallel_loop3A_382 : i32 to index
      %parallel_loop3A_384 = arith.index_cast %parallel_loop3A_317 : i32 to index
      %parallel_loop3A_385 = arith.constant 16 : index
      %parallel_loop3A_386 = tpu.vector_load %arg12[%parallel_loop3A_383, %parallel_loop3A_384, %parallel_loop3A_385] {strides = array<i32>} : memref<4x200x64xf32, #tpu.memory_space<vmem>>, vector<1x1x16xf32>,
      %parallel_loop3A_387 = vector.shape_cast %parallel_loop3A_386 : vector<1x1x16xf32> to vector<16xf32>
      %parallel_loop3A_388 = arith.addf %parallel_loop3A_387, %parallel_loop3A_381 : vector<16xf32>
      %parallel_loop3A_389 = arith.constant 0 : i32
      %parallel_loop3A_390 = arith.index_cast %parallel_loop3A_389 : i32 to index
      %parallel_loop3A_391 = arith.index_cast %parallel_loop3A_317 : i32 to index
      %parallel_loop3A_392 = arith.constant 16 : index
      %parallel_loop3A_393 = tpu.vector_load %arg12[%parallel_loop3A_390, %parallel_loop3A_391, %parallel_loop3A_392] {strides = array<i32>} : memref<4x200x64xf32, #tpu.memory_space<vmem>>, vector<1x1x16xf32>,
      %parallel_loop3A_394 = vector.shape_cast %parallel_loop3A_393 : vector<1x1x16xf32> to vector<16xf32>
      %parallel_loop3A_395 = vector.shape_cast %parallel_loop3A_388 : vector<16xf32> to vector<1x1x16xf32>
      tpu.vector_store %arg12[%parallel_loop3A_390, %parallel_loop3A_391, %parallel_loop3A_392], %parallel_loop3A_395 {strides = array<i32>} : memref<4x200x64xf32, #tpu.memory_space<vmem>>, vector<1x1x16xf32>,
      %parallel_loop3A_396 = arith.constant 1 : i32
      %parallel_loop3A_397 = arith.index_cast %parallel_loop3A_396 : i32 to index
      %parallel_loop3A_398 = arith.index_cast %parallel_loop3A_317 : i32 to index
      %parallel_loop3A_399 = arith.constant 16 : index
      %parallel_loop3A_400 = tpu.vector_load %arg12[%parallel_loop3A_397, %parallel_loop3A_398, %parallel_loop3A_399] {strides = array<i32>} : memref<4x200x64xf32, #tpu.memory_space<vmem>>, vector<1x1x16xf32>,
      %parallel_loop3A_401 = vector.shape_cast %parallel_loop3A_400 : vector<1x1x16xf32> to vector<16xf32>
      %parallel_loop3A_402 = arith.addf %parallel_loop3A_401, %parallel_loop3A_381 : vector<16xf32>
      %parallel_loop3A_403 = arith.constant 1 : i32
      %parallel_loop3A_404 = arith.index_cast %parallel_loop3A_403 : i32 to index
      %parallel_loop3A_405 = arith.index_cast %parallel_loop3A_317 : i32 to index
      %parallel_loop3A_406 = arith.constant 16 : index
      %parallel_loop3A_407 = tpu.vector_load %arg12[%parallel_loop3A_404, %parallel_loop3A_405, %parallel_loop3A_406] {strides = array<i32>} : memref<4x200x64xf32, #tpu.memory_space<vmem>>, vector<1x1x16xf32>,
      %parallel_loop3A_408 = vector.shape_cast %parallel_loop3A_407 : vector<1x1x16xf32> to vector<16xf32>
      %parallel_loop3A_409 = vector.shape_cast %parallel_loop3A_402 : vector<16xf32> to vector<1x1x16xf32>
      tpu.vector_store %arg12[%parallel_loop3A_404, %parallel_loop3A_405, %parallel_loop3A_406], %parallel_loop3A_409 {strides = array<i32>} : memref<4x200x64xf32, #tpu.memory_space<vmem>>, vector<1x1x16xf32>,
      %parallel_loop3A_410 = arith.constant 2 : i32
      %parallel_loop3A_411 = arith.index_cast %parallel_loop3A_410 : i32 to index
      %parallel_loop3A_412 = arith.index_cast %parallel_loop3A_317 : i32 to index
      %parallel_loop3A_413 = arith.constant 16 : index
      %parallel_loop3A_414 = tpu.vector_load %arg12[%parallel_loop3A_411, %parallel_loop3A_412, %parallel_loop3A_413] {strides = array<i32>} : memref<4x200x64xf32, #tpu.memory_space<vmem>>, vector<1x1x16xf32>,
      %parallel_loop3A_415 = vector.shape_cast %parallel_loop3A_414 : vector<1x1x16xf32> to vector<16xf32>
      %parallel_loop3A_416 = arith.addf %parallel_loop3A_415, %parallel_loop3A_381 : vector<16xf32>
      %parallel_loop3A_417 = arith.constant 2 : i32
      %parallel_loop3A_418 = arith.index_cast %parallel_loop3A_417 : i32 to index
      %parallel_loop3A_419 = arith.index_cast %parallel_loop3A_317 : i32 to index
      %parallel_loop3A_420 = arith.constant 16 : index
      %parallel_loop3A_421 = tpu.vector_load %arg12[%parallel_loop3A_418, %parallel_loop3A_419, %parallel_loop3A_420] {strides = array<i32>} : memref<4x200x64xf32, #tpu.memory_space<vmem>>, vector<1x1x16xf32>,
      %parallel_loop3A_422 = vector.shape_cast %parallel_loop3A_421 : vector<1x1x16xf32> to vector<16xf32>
      %parallel_loop3A_423 = vector.shape_cast %parallel_loop3A_416 : vector<16xf32> to vector<1x1x16xf32>
      tpu.vector_store %arg12[%parallel_loop3A_418, %parallel_loop3A_419, %parallel_loop3A_420], %parallel_loop3A_423 {strides = array<i32>} : memref<4x200x64xf32, #tpu.memory_space<vmem>>, vector<1x1x16xf32>,
      %parallel_loop3A_424 = arith.constant 3 : i32
      %parallel_loop3A_425 = arith.index_cast %parallel_loop3A_424 : i32 to index
      %parallel_loop3A_426 = arith.index_cast %parallel_loop3A_317 : i32 to index
      %parallel_loop3A_427 = arith.constant 16 : index
      %parallel_loop3A_428 = tpu.vector_load %arg12[%parallel_loop3A_425, %parallel_loop3A_426, %parallel_loop3A_427] {strides = array<i32>} : memref<4x200x64xf32, #tpu.memory_space<vmem>>, vector<1x1x16xf32>,
      %parallel_loop3A_429 = vector.shape_cast %parallel_loop3A_428 : vector<1x1x16xf32> to vector<16xf32>
      %parallel_loop3A_430 = arith.addf %parallel_loop3A_429, %parallel_loop3A_381 : vector<16xf32>
      %parallel_loop3A_431 = arith.constant 3 : i32
      %parallel_loop3A_432 = arith.index_cast %parallel_loop3A_431 : i32 to index
      %parallel_loop3A_433 = arith.index_cast %parallel_loop3A_317 : i32 to index
      %parallel_loop3A_434 = arith.constant 16 : index
      %parallel_loop3A_435 = tpu.vector_load %arg12[%parallel_loop3A_432, %parallel_loop3A_433, %parallel_loop3A_434] {strides = array<i32>} : memref<4x200x64xf32, #tpu.memory_space<vmem>>, vector<1x1x16xf32>,
      %parallel_loop3A_436 = vector.shape_cast %parallel_loop3A_435 : vector<1x1x16xf32> to vector<16xf32>
      %parallel_loop3A_437 = vector.shape_cast %parallel_loop3A_430 : vector<16xf32> to vector<1x1x16xf32>
      tpu.vector_store %arg12[%parallel_loop3A_432, %parallel_loop3A_433, %parallel_loop3A_434], %parallel_loop3A_437 {strides = array<i32>} : memref<4x200x64xf32, #tpu.memory_space<vmem>>, vector<1x1x16xf32>,
      %parallel_loop3A_438 = arith.index_cast %parallel_loop3A_317 : i32 to index
      %parallel_loop3A_439 = arith.constant 32 : index
      %parallel_loop3A_440 = tpu.vector_load %arg7[%parallel_loop3A_438, %parallel_loop3A_439] {strides = array<i32>} : memref<200x64xf32, #tpu.memory_space<vmem>>, vector<1x16xf32>,
      %parallel_loop3A_441 = vector.shape_cast %parallel_loop3A_440 : vector<1x16xf32> to vector<16xf32>
      %parallel_loop3A_442 = arith.constant 0 : i32
      %parallel_loop3A_443 = arith.index_cast %parallel_loop3A_442 : i32 to index
      %parallel_loop3A_444 = arith.index_cast %parallel_loop3A_317 : i32 to index
      %parallel_loop3A_445 = arith.constant 32 : index
      %parallel_loop3A_446 = tpu.vector_load %arg12[%parallel_loop3A_443, %parallel_loop3A_444, %parallel_loop3A_445] {strides = array<i32>} : memref<4x200x64xf32, #tpu.memory_space<vmem>>, vector<1x1x16xf32>,
      %parallel_loop3A_447 = vector.shape_cast %parallel_loop3A_446 : vector<1x1x16xf32> to vector<16xf32>
      %parallel_loop3A_448 = arith.addf %parallel_loop3A_447, %parallel_loop3A_441 : vector<16xf32>
      %parallel_loop3A_449 = arith.constant 0 : i32
      %parallel_loop3A_450 = arith.index_cast %parallel_loop3A_449 : i32 to index
      %parallel_loop3A_451 = arith.index_cast %parallel_loop3A_317 : i32 to index
      %parallel_loop3A_452 = arith.constant 32 : index
      %parallel_loop3A_453 = tpu.vector_load %arg12[%parallel_loop3A_450, %parallel_loop3A_451, %parallel_loop3A_452] {strides = array<i32>} : memref<4x200x64xf32, #tpu.memory_space<vmem>>, vector<1x1x16xf32>,
      %parallel_loop3A_454 = vector.shape_cast %parallel_loop3A_453 : vector<1x1x16xf32> to vector<16xf32>
      %parallel_loop3A_455 = vector.shape_cast %parallel_loop3A_448 : vector<16xf32> to vector<1x1x16xf32>
      tpu.vector_store %arg12[%parallel_loop3A_450, %parallel_loop3A_451, %parallel_loop3A_452], %parallel_loop3A_455 {strides = array<i32>} : memref<4x200x64xf32, #tpu.memory_space<vmem>>, vector<1x1x16xf32>,
      %parallel_loop3A_456 = arith.constant 1 : i32
      %parallel_loop3A_457 = arith.index_cast %parallel_loop3A_456 : i32 to index
      %parallel_loop3A_458 = arith.index_cast %parallel_loop3A_317 : i32 to index
      %parallel_loop3A_459 = arith.constant 32 : index
      %parallel_loop3A_460 = tpu.vector_load %arg12[%parallel_loop3A_457, %parallel_loop3A_458, %parallel_loop3A_459] {strides = array<i32>} : memref<4x200x64xf32, #tpu.memory_space<vmem>>, vector<1x1x16xf32>,
      %parallel_loop3A_461 = vector.shape_cast %parallel_loop3A_460 : vector<1x1x16xf32> to vector<16xf32>
      %parallel_loop3A_462 = arith.addf %parallel_loop3A_461, %parallel_loop3A_441 : vector<16xf32>
      %parallel_loop3A_463 = arith.constant 1 : i32
      %parallel_loop3A_464 = arith.index_cast %parallel_loop3A_463 : i32 to index
      %parallel_loop3A_465 = arith.index_cast %parallel_loop3A_317 : i32 to index
      %parallel_loop3A_466 = arith.constant 32 : index
      %parallel_loop3A_467 = tpu.vector_load %arg12[%parallel_loop3A_464, %parallel_loop3A_465, %parallel_loop3A_466] {strides = array<i32>} : memref<4x200x64xf32, #tpu.memory_space<vmem>>, vector<1x1x16xf32>,
      %parallel_loop3A_468 = vector.shape_cast %parallel_loop3A_467 : vector<1x1x16xf32> to vector<16xf32>
      %parallel_loop3A_469 = vector.shape_cast %parallel_loop3A_462 : vector<16xf32> to vector<1x1x16xf32>
      tpu.vector_store %arg12[%parallel_loop3A_464, %parallel_loop3A_465, %parallel_loop3A_466], %parallel_loop3A_469 {strides = array<i32>} : memref<4x200x64xf32, #tpu.memory_space<vmem>>, vector<1x1x16xf32>,
      %parallel_loop3A_470 = arith.constant 2 : i32
      %parallel_loop3A_471 = arith.index_cast %parallel_loop3A_470 : i32 to index
      %parallel_loop3A_472 = arith.index_cast %parallel_loop3A_317 : i32 to index
      %parallel_loop3A_473 = arith.constant 32 : index
      %parallel_loop3A_474 = tpu.vector_load %arg12[%parallel_loop3A_471, %parallel_loop3A_472, %parallel_loop3A_473] {strides = array<i32>} : memref<4x200x64xf32, #tpu.memory_space<vmem>>, vector<1x1x16xf32>,
      %parallel_loop3A_475 = vector.shape_cast %parallel_loop3A_474 : vector<1x1x16xf32> to vector<16xf32>
      %parallel_loop3A_476 = arith.addf %parallel_loop3A_475, %parallel_loop3A_441 : vector<16xf32>
      %parallel_loop3A_477 = arith.constant 2 : i32
      %parallel_loop3A_478 = arith.index_cast %parallel_loop3A_477 : i32 to index
      %parallel_loop3A_479 = arith.index_cast %parallel_loop3A_317 : i32 to index
      %parallel_loop3A_480 = arith.constant 32 : index
      %parallel_loop3A_481 = tpu.vector_load %arg12[%parallel_loop3A_478, %parallel_loop3A_479, %parallel_loop3A_480] {strides = array<i32>} : memref<4x200x64xf32, #tpu.memory_space<vmem>>, vector<1x1x16xf32>,
      %parallel_loop3A_482 = vector.shape_cast %parallel_loop3A_481 : vector<1x1x16xf32> to vector<16xf32>
      %parallel_loop3A_483 = vector.shape_cast %parallel_loop3A_476 : vector<16xf32> to vector<1x1x16xf32>
      tpu.vector_store %arg12[%parallel_loop3A_478, %parallel_loop3A_479, %parallel_loop3A_480], %parallel_loop3A_483 {strides = array<i32>} : memref<4x200x64xf32, #tpu.memory_space<vmem>>, vector<1x1x16xf32>,
      %parallel_loop3A_484 = arith.constant 3 : i32
      %parallel_loop3A_485 = arith.index_cast %parallel_loop3A_484 : i32 to index
      %parallel_loop3A_486 = arith.index_cast %parallel_loop3A_317 : i32 to index
      %parallel_loop3A_487 = arith.constant 32 : index
      %parallel_loop3A_488 = tpu.vector_load %arg12[%parallel_loop3A_485, %parallel_loop3A_486, %parallel_loop3A_487] {strides = array<i32>} : memref<4x200x64xf32, #tpu.memory_space<vmem>>, vector<1x1x16xf32>,
      %parallel_loop3A_489 = vector.shape_cast %parallel_loop3A_488 : vector<1x1x16xf32> to vector<16xf32>
      %parallel_loop3A_490 = arith.addf %parallel_loop3A_489, %parallel_loop3A_441 : vector<16xf32>
      %parallel_loop3A_491 = arith.constant 3 : i32
      %parallel_loop3A_492 = arith.index_cast %parallel_loop3A_491 : i32 to index
      %parallel_loop3A_493 = arith.index_cast %parallel_loop3A_317 : i32 to index
      %parallel_loop3A_494 = arith.constant 32 : index
      %parallel_loop3A_495 = tpu.vector_load %arg12[%parallel_loop3A_492, %parallel_loop3A_493, %parallel_loop3A_494] {strides = array<i32>} : memref<4x200x64xf32, #tpu.memory_space<vmem>>, vector<1x1x16xf32>,
      %parallel_loop3A_496 = vector.shape_cast %parallel_loop3A_495 : vector<1x1x16xf32> to vector<16xf32>
      %parallel_loop3A_497 = vector.shape_cast %parallel_loop3A_490 : vector<16xf32> to vector<1x1x16xf32>
      tpu.vector_store %arg12[%parallel_loop3A_492, %parallel_loop3A_493, %parallel_loop3A_494], %parallel_loop3A_497 {strides = array<i32>} : memref<4x200x64xf32, #tpu.memory_space<vmem>>, vector<1x1x16xf32>,
      %parallel_loop3A_498 = arith.index_cast %parallel_loop3A_317 : i32 to index
      %parallel_loop3A_499 = arith.constant 48 : index
      %parallel_loop3A_500 = tpu.vector_load %arg7[%parallel_loop3A_498, %parallel_loop3A_499] {strides = array<i32>} : memref<200x64xf32, #tpu.memory_space<vmem>>, vector<1x16xf32>,
      %parallel_loop3A_501 = vector.shape_cast %parallel_loop3A_500 : vector<1x16xf32> to vector<16xf32>
      %parallel_loop3A_502 = arith.constant 0 : i32
      %parallel_loop3A_503 = arith.index_cast %parallel_loop3A_502 : i32 to index
      %parallel_loop3A_504 = arith.index_cast %parallel_loop3A_317 : i32 to index
      %parallel_loop3A_505 = arith.constant 48 : index
      %parallel_loop3A_506 = tpu.vector_load %arg12[%parallel_loop3A_503, %parallel_loop3A_504, %parallel_loop3A_505] {strides = array<i32>} : memref<4x200x64xf32, #tpu.memory_space<vmem>>, vector<1x1x16xf32>,
      %parallel_loop3A_507 = vector.shape_cast %parallel_loop3A_506 : vector<1x1x16xf32> to vector<16xf32>
      %parallel_loop3A_508 = arith.addf %parallel_loop3A_507, %parallel_loop3A_501 : vector<16xf32>
      %parallel_loop3A_509 = arith.constant 0 : i32
      %parallel_loop3A_510 = arith.index_cast %parallel_loop3A_509 : i32 to index
      %parallel_loop3A_511 = arith.index_cast %parallel_loop3A_317 : i32 to index
      %parallel_loop3A_512 = arith.constant 48 : index
      %parallel_loop3A_513 = tpu.vector_load %arg12[%parallel_loop3A_510, %parallel_loop3A_511, %parallel_loop3A_512] {strides = array<i32>} : memref<4x200x64xf32, #tpu.memory_space<vmem>>, vector<1x1x16xf32>,
      %parallel_loop3A_514 = vector.shape_cast %parallel_loop3A_513 : vector<1x1x16xf32> to vector<16xf32>
      %parallel_loop3A_515 = vector.shape_cast %parallel_loop3A_508 : vector<16xf32> to vector<1x1x16xf32>
      tpu.vector_store %arg12[%parallel_loop3A_510, %parallel_loop3A_511, %parallel_loop3A_512], %parallel_loop3A_515 {strides = array<i32>} : memref<4x200x64xf32, #tpu.memory_space<vmem>>, vector<1x1x16xf32>,
      %parallel_loop3A_516 = arith.constant 1 : i32
      %parallel_loop3A_517 = arith.index_cast %parallel_loop3A_516 : i32 to index
      %parallel_loop3A_518 = arith.index_cast %parallel_loop3A_317 : i32 to index
      %parallel_loop3A_519 = arith.constant 48 : index
      %parallel_loop3A_520 = tpu.vector_load %arg12[%parallel_loop3A_517, %parallel_loop3A_518, %parallel_loop3A_519] {strides = array<i32>} : memref<4x200x64xf32, #tpu.memory_space<vmem>>, vector<1x1x16xf32>,
      %parallel_loop3A_521 = vector.shape_cast %parallel_loop3A_520 : vector<1x1x16xf32> to vector<16xf32>
      %parallel_loop3A_522 = arith.addf %parallel_loop3A_521, %parallel_loop3A_501 : vector<16xf32>
      %parallel_loop3A_523 = arith.constant 1 : i32
      %parallel_loop3A_524 = arith.index_cast %parallel_loop3A_523 : i32 to index
      %parallel_loop3A_525 = arith.index_cast %parallel_loop3A_317 : i32 to index
      %parallel_loop3A_526 = arith.constant 48 : index
      %parallel_loop3A_527 = tpu.vector_load %arg12[%parallel_loop3A_524, %parallel_loop3A_525, %parallel_loop3A_526] {strides = array<i32>} : memref<4x200x64xf32, #tpu.memory_space<vmem>>, vector<1x1x16xf32>,
      %parallel_loop3A_528 = vector.shape_cast %parallel_loop3A_527 : vector<1x1x16xf32> to vector<16xf32>
      %parallel_loop3A_529 = vector.shape_cast %parallel_loop3A_522 : vector<16xf32> to vector<1x1x16xf32>
      tpu.vector_store %arg12[%parallel_loop3A_524, %parallel_loop3A_525, %parallel_loop3A_526], %parallel_loop3A_529 {strides = array<i32>} : memref<4x200x64xf32, #tpu.memory_space<vmem>>, vector<1x1x16xf32>,
      %parallel_loop3A_530 = arith.constant 2 : i32
      %parallel_loop3A_531 = arith.index_cast %parallel_loop3A_530 : i32 to index
      %parallel_loop3A_532 = arith.index_cast %parallel_loop3A_317 : i32 to index
      %parallel_loop3A_533 = arith.constant 48 : index
      %parallel_loop3A_534 = tpu.vector_load %arg12[%parallel_loop3A_531, %parallel_loop3A_532, %parallel_loop3A_533] {strides = array<i32>} : memref<4x200x64xf32, #tpu.memory_space<vmem>>, vector<1x1x16xf32>,
      %parallel_loop3A_535 = vector.shape_cast %parallel_loop3A_534 : vector<1x1x16xf32> to vector<16xf32>
      %parallel_loop3A_536 = arith.addf %parallel_loop3A_535, %parallel_loop3A_501 : vector<16xf32>
      %parallel_loop3A_537 = arith.constant 2 : i32
      %parallel_loop3A_538 = arith.index_cast %parallel_loop3A_537 : i32 to index
      %parallel_loop3A_539 = arith.index_cast %parallel_loop3A_317 : i32 to index
      %parallel_loop3A_540 = arith.constant 48 : index
      %parallel_loop3A_541 = tpu.vector_load %arg12[%parallel_loop3A_538, %parallel_loop3A_539, %parallel_loop3A_540] {strides = array<i32>} : memref<4x200x64xf32, #tpu.memory_space<vmem>>, vector<1x1x16xf32>,
      %parallel_loop3A_542 = vector.shape_cast %parallel_loop3A_541 : vector<1x1x16xf32> to vector<16xf32>
      %parallel_loop3A_543 = vector.shape_cast %parallel_loop3A_536 : vector<16xf32> to vector<1x1x16xf32>
      tpu.vector_store %arg12[%parallel_loop3A_538, %parallel_loop3A_539, %parallel_loop3A_540], %parallel_loop3A_543 {strides = array<i32>} : memref<4x200x64xf32, #tpu.memory_space<vmem>>, vector<1x1x16xf32>,
      %parallel_loop3A_544 = arith.constant 3 : i32
      %parallel_loop3A_545 = arith.index_cast %parallel_loop3A_544 : i32 to index
      %parallel_loop3A_546 = arith.index_cast %parallel_loop3A_317 : i32 to index
      %parallel_loop3A_547 = arith.constant 48 : index
      %parallel_loop3A_548 = tpu.vector_load %arg12[%parallel_loop3A_545, %parallel_loop3A_546, %parallel_loop3A_547] {strides = array<i32>} : memref<4x200x64xf32, #tpu.memory_space<vmem>>, vector<1x1x16xf32>,
      %parallel_loop3A_549 = vector.shape_cast %parallel_loop3A_548 : vector<1x1x16xf32> to vector<16xf32>
      %parallel_loop3A_550 = arith.addf %parallel_loop3A_549, %parallel_loop3A_501 : vector<16xf32>
      %parallel_loop3A_551 = arith.constant 3 : i32
      %parallel_loop3A_552 = arith.index_cast %parallel_loop3A_551 : i32 to index
      %parallel_loop3A_553 = arith.index_cast %parallel_loop3A_317 : i32 to index
      %parallel_loop3A_554 = arith.constant 48 : index
      %parallel_loop3A_555 = tpu.vector_load %arg12[%parallel_loop3A_552, %parallel_loop3A_553, %parallel_loop3A_554] {strides = array<i32>} : memref<4x200x64xf32, #tpu.memory_space<vmem>>, vector<1x1x16xf32>,
      %parallel_loop3A_556 = vector.shape_cast %parallel_loop3A_555 : vector<1x1x16xf32> to vector<16xf32>
      %parallel_loop3A_557 = vector.shape_cast %parallel_loop3A_550 : vector<16xf32> to vector<1x1x16xf32>
      tpu.vector_store %arg12[%parallel_loop3A_552, %parallel_loop3A_553, %parallel_loop3A_554], %parallel_loop3A_557 {strides = array<i32>} : memref<4x200x64xf32, #tpu.memory_space<vmem>>, vector<1x1x16xf32>,
    } {sc.loop_unroll_factor = 2 : i64, sc.parallel_access}
    %add3A_257 = arith.constant 0 : i32
    %add3A_258 = arith.addi %mul3A_2, %add3A_257 : i32
    %dma_start3A_259 = arith.constant 0 : i32
    %dma_start3A_260 = arith.constant 0 : i32
    %dma_start3A_261 = tpu.memref_slice %arg6[%add3A_258, %dma_start3A_259, %dma_start3A_260] : memref<4096x200x64xf32, #tpu.memory_space<hbm>> -> memref<4x200x64xf32, #tpu.memory_space<hbm>>
    %dma_start3A_262 = arith.constant 0 : i32
    %dma_start3A_263 = arith.constant 0 : i32
    %dma_start3A_264 = tpu.memref_slice %arg6[%add3A_258, %dma_start3A_262, %dma_start3A_263] : memref<4096x200x64xf32, #tpu.memory_space<hbm>> -> memref<4x200x64xf32, #tpu.memory_space<hbm>>
    tpu.enqueue_dma source(%arg12 : memref<4x200x64xf32, #tpu.memory_space<vmem>>) target(%dma_start3A_264 : memref<4x200x64xf32, #tpu.memory_space<hbm>>) target_semaphore(%arg18 : memref<!tpu.dma_semaphore, #tpu.memory_space<semaphore_mem>>)
    %scan3A = arith.constant 0 : i32
    %scan3A_265 = arith.constant 0 : i32
    %scan3A_266 = arith.constant 15 : i32
    %scan3A_267 = arith.addi %scan3A_265, %scan3A_266 : i32
    %scan3A_268 = arith.constant 1 : i32
    scf.for %scan3A_317 = %scan3A_265 to %scan3A_267 step %scan3A_268  : i32 {
      %mul3A_318 = arith.constant 2 : i32
      %mul3A_319 = arith.muli %mul3A_318, %scan3A_317 : i32
      %add3A_320 = arith.constant 1 : i32
      %add3A_321 = arith.addi %add3A_320, %mul3A_319 : i32
      %dma_wait3A_322 = arith.constant 0 : i32
      %dma_wait3A_323 = arith.constant 0 : i32
      %dma_wait3A_324 = arith.constant 0 : i32
      %dma_wait3A_325 = tpu.memref_slice %arg6[%dma_wait3A_322, %dma_wait3A_323, %dma_wait3A_324] : memref<4096x200x64xf32, #tpu.memory_space<hbm>> -> memref<4x200x64xf32, #tpu.memory_space<hbm>>
      %dma_wait3A_326 = arith.constant 0 : i32
      %dma_wait3A_327 = arith.constant 0 : i32
      %dma_wait3A_328 = arith.constant 0 : i32
      %dma_wait3A_329 = tpu.memref_slice %arg6[%dma_wait3A_326, %dma_wait3A_327, %dma_wait3A_328] : memref<4096x200x64xf32, #tpu.memory_space<hbm>> -> memref<4x200x64xf32, #tpu.memory_space<hbm>>
      tpu.wait_dma2 semaphore(%arg18 : memref<!tpu.dma_semaphore, #tpu.memory_space<semaphore_mem>>) src(%arg12 : memref<4x200x64xf32, #tpu.memory_space<vmem>>) dst(%dma_wait3A_329 : memref<4x200x64xf32, #tpu.memory_space<hbm>>)
      %add3A_330 = arith.constant 1 : i32
      %add3A_331 = arith.addi %add3A_321, %add3A_330 : i32
      %dma_wait3A_332 = arith.constant 0 : i32
      %dma_wait3A_333 = arith.constant 0 : i32
      %dma_wait3A_334 = tpu.memref_slice %arg2[%dma_wait3A_332, %dma_wait3A_333] : memref<4096x128xi32, #tpu.memory_space<hbm>> -> memref<4x128xi32, #tpu.memory_space<hbm>>
      %dma_wait3A_335 = arith.constant 0 : i32
      %dma_wait3A_336 = arith.constant 0 : i32
      %dma_wait3A_337 = tpu.memref_slice %arg2[%dma_wait3A_335, %dma_wait3A_336] : memref<4096x128xi32, #tpu.memory_space<hbm>> -> memref<4x128xi32, #tpu.memory_space<hbm>>
      tpu.wait_dma2 semaphore(%arg14 : memref<!tpu.dma_semaphore, #tpu.memory_space<semaphore_mem>>) src(%dma_wait3A_337 : memref<4x128xi32, #tpu.memory_space<hbm>>) dst(%arg8 : memref<4x128xi32, #tpu.memory_space<vmem>>)
      %dma_wait3A_338 = arith.constant 0 : i32
      %dma_wait3A_339 = arith.constant 0 : i32
      %dma_wait3A_340 = tpu.memref_slice %arg3[%dma_wait3A_338, %dma_wait3A_339] : memref<4096x72xi32, #tpu.memory_space<hbm>> -> memref<4x72xi32, #tpu.memory_space<hbm>>
      %dma_wait3A_341 = arith.constant 0 : i32
      %dma_wait3A_342 = arith.constant 0 : i32
      %dma_wait3A_343 = tpu.memref_slice %arg3[%dma_wait3A_341, %dma_wait3A_342] : memref<4096x72xi32, #tpu.memory_space<hbm>> -> memref<4x72xi32, #tpu.memory_space<hbm>>
      tpu.wait_dma2 semaphore(%arg14 : memref<!tpu.dma_semaphore, #tpu.memory_space<semaphore_mem>>) src(%dma_wait3A_343 : memref<4x72xi32, #tpu.memory_space<hbm>>) dst(%arg9 : memref<4x72xi32, #tpu.memory_space<vmem>>)
      %dma_start3A_344 = arith.constant 0 : i32
      %dma_start3A_345 = arith.constant 0 : i32
      %dma_start3A_346 = arith.constant 0 : i32
      %dma_start3A_347 = arith.constant 0 : i32
      %dma_start3A_348 = tpu.memref_slice %arg12[%dma_start3A_345, %dma_start3A_346, %dma_start3A_347] : memref<4x200x64xf32, #tpu.memory_space<vmem>> -> memref<1x128x64xf32, #tpu.memory_space<vmem>>
      %dma_start3A_349 = tpu.memref_squeeze %dma_start3A_348 : memref<1x128x64xf32, #tpu.memory_space<vmem>> -> memref<128x64xf32, #tpu.memory_space<vmem>>
      %dma_start3A_350 = arith.constant 0 : i32
      %dma_start3A_351 = tpu.memref_slice %arg8[%dma_start3A_344, %dma_start3A_350] : memref<4x128xi32, #tpu.memory_space<vmem>> -> memref<1x128xi32, #tpu.memory_space<vmem>>
      %dma_start3A_352 = tpu.memref_squeeze %dma_start3A_351 : memref<1x128xi32, #tpu.memory_space<vmem>> -> memref<128xi32, #tpu.memory_space<vmem>>
      %dma_start3A_353 = arith.constant 0 : i32
      %dma_start3A_354 = arith.constant 0 : i32
      %dma_start3A_355 = tpu.memref_slice %arg4[%dma_start3A_353, %dma_start3A_354] : memref<1000000x64xf32, #tpu.memory_space<hbm>> -> memref<1000000x64xf32, #tpu.memory_space<hbm>>
      tpu.enqueue_indirect_dma source(%dma_start3A_355 : memref<1000000x64xf32, #tpu.memory_space<hbm>>) target(%dma_start3A_349 : memref<128x64xf32, #tpu.memory_space<vmem>>) offsets(%dma_start3A_352 : memref<128xi32, #tpu.memory_space<vmem>>) semaphore(%arg16 : memref<!tpu.dma_semaphore, #tpu.memory_space<semaphore_mem>>)
      %dma_start3A_356 = arith.constant 0 : i32
      %dma_start3A_357 = arith.constant 0 : i32
      %dma_start3A_358 = arith.constant 128 : i32
      %dma_start3A_359 = arith.constant 0 : i32
      %dma_start3A_360 = tpu.memref_slice %arg12[%dma_start3A_357, %dma_start3A_358, %dma_start3A_359] : memref<4x200x64xf32, #tpu.memory_space<vmem>> -> memref<1x72x64xf32, #tpu.memory_space<vmem>>
      %dma_start3A_361 = tpu.memref_squeeze %dma_start3A_360 : memref<1x72x64xf32, #tpu.memory_space<vmem>> -> memref<72x64xf32, #tpu.memory_space<vmem>>
      %dma_start3A_362 = arith.constant 0 : i32
      %dma_start3A_363 = tpu.memref_slice %arg9[%dma_start3A_356, %dma_start3A_362] : memref<4x72xi32, #tpu.memory_space<vmem>> -> memref<1x72xi32, #tpu.memory_space<vmem>>
      %dma_start3A_364 = tpu.memref_squeeze %dma_start3A_363 : memref<1x72xi32, #tpu.memory_space<vmem>> -> memref<72xi32, #tpu.memory_space<vmem>>
      %dma_start3A_365 = arith.constant 0 : i32
      %dma_start3A_366 = arith.constant 0 : i32
      %dma_start3A_367 = tpu.memref_slice %arg4[%dma_start3A_365, %dma_start3A_366] : memref<1000000x64xf32, #tpu.memory_space<hbm>> -> memref<1000000x64xf32, #tpu.memory_space<hbm>>
      tpu.enqueue_indirect_dma source(%dma_start3A_367 : memref<1000000x64xf32, #tpu.memory_space<hbm>>) target(%dma_start3A_361 : memref<72x64xf32, #tpu.memory_space<vmem>>) offsets(%dma_start3A_364 : memref<72xi32, #tpu.memory_space<vmem>>) semaphore(%arg16 : memref<!tpu.dma_semaphore, #tpu.memory_space<semaphore_mem>>)
      %dma_start3A_368 = arith.constant 1 : i32
      %dma_start3A_369 = arith.constant 1 : i32
      %dma_start3A_370 = arith.constant 0 : i32
      %dma_start3A_371 = arith.constant 0 : i32
      %dma_start3A_372 = tpu.memref_slice %arg12[%dma_start3A_369, %dma_start3A_370, %dma_start3A_371] : memref<4x200x64xf32, #tpu.memory_space<vmem>> -> memref<1x128x64xf32, #tpu.memory_space<vmem>>
      %dma_start3A_373 = tpu.memref_squeeze %dma_start3A_372 : memref<1x128x64xf32, #tpu.memory_space<vmem>> -> memref<128x64xf32, #tpu.memory_space<vmem>>
      %dma_start3A_374 = arith.constant 0 : i32
      %dma_start3A_375 = tpu.memref_slice %arg8[%dma_start3A_368, %dma_start3A_374] : memref<4x128xi32, #tpu.memory_space<vmem>> -> memref<1x128xi32, #tpu.memory_space<vmem>>
      %dma_start3A_376 = tpu.memref_squeeze %dma_start3A_375 : memref<1x128xi32, #tpu.memory_space<vmem>> -> memref<128xi32, #tpu.memory_space<vmem>>
      %dma_start3A_377 = arith.constant 0 : i32
      %dma_start3A_378 = arith.constant 0 : i32
      %dma_start3A_379 = tpu.memref_slice %arg4[%dma_start3A_377, %dma_start3A_378] : memref<1000000x64xf32, #tpu.memory_space<hbm>> -> memref<1000000x64xf32, #tpu.memory_space<hbm>>
      tpu.enqueue_indirect_dma source(%dma_start3A_379 : memref<1000000x64xf32, #tpu.memory_space<hbm>>) target(%dma_start3A_373 : memref<128x64xf32, #tpu.memory_space<vmem>>) offsets(%dma_start3A_376 : memref<128xi32, #tpu.memory_space<vmem>>) semaphore(%arg16 : memref<!tpu.dma_semaphore, #tpu.memory_space<semaphore_mem>>)
      %dma_start3A_380 = arith.constant 1 : i32
      %dma_start3A_381 = arith.constant 1 : i32
      %dma_start3A_382 = arith.constant 128 : i32
      %dma_start3A_383 = arith.constant 0 : i32
      %dma_start3A_384 = tpu.memref_slice %arg12[%dma_start3A_381, %dma_start3A_382, %dma_start3A_383] : memref<4x200x64xf32, #tpu.memory_space<vmem>> -> memref<1x72x64xf32, #tpu.memory_space<vmem>>
      %dma_start3A_385 = tpu.memref_squeeze %dma_start3A_384 : memref<1x72x64xf32, #tpu.memory_space<vmem>> -> memref<72x64xf32, #tpu.memory_space<vmem>>
      %dma_start3A_386 = arith.constant 0 : i32
      %dma_start3A_387 = tpu.memref_slice %arg9[%dma_start3A_380, %dma_start3A_386] : memref<4x72xi32, #tpu.memory_space<vmem>> -> memref<1x72xi32, #tpu.memory_space<vmem>>
      %dma_start3A_388 = tpu.memref_squeeze %dma_start3A_387 : memref<1x72xi32, #tpu.memory_space<vmem>> -> memref<72xi32, #tpu.memory_space<vmem>>
      %dma_start3A_389 = arith.constant 0 : i32
      %dma_start3A_390 = arith.constant 0 : i32
      %dma_start3A_391 = tpu.memref_slice %arg4[%dma_start3A_389, %dma_start3A_390] : memref<1000000x64xf32, #tpu.memory_space<hbm>> -> memref<1000000x64xf32, #tpu.memory_space<hbm>>
      tpu.enqueue_indirect_dma source(%dma_start3A_391 : memref<1000000x64xf32, #tpu.memory_space<hbm>>) target(%dma_start3A_385 : memref<72x64xf32, #tpu.memory_space<vmem>>) offsets(%dma_start3A_388 : memref<72xi32, #tpu.memory_space<vmem>>) semaphore(%arg16 : memref<!tpu.dma_semaphore, #tpu.memory_space<semaphore_mem>>)
      %dma_start3A_392 = arith.constant 2 : i32
      %dma_start3A_393 = arith.constant 2 : i32
      %dma_start3A_394 = arith.constant 0 : i32
      %dma_start3A_395 = arith.constant 0 : i32
      %dma_start3A_396 = tpu.memref_slice %arg12[%dma_start3A_393, %dma_start3A_394, %dma_start3A_395] : memref<4x200x64xf32, #tpu.memory_space<vmem>> -> memref<1x128x64xf32, #tpu.memory_space<vmem>>
      %dma_start3A_397 = tpu.memref_squeeze %dma_start3A_396 : memref<1x128x64xf32, #tpu.memory_space<vmem>> -> memref<128x64xf32, #tpu.memory_space<vmem>>
      %dma_start3A_398 = arith.constant 0 : i32
      %dma_start3A_399 = tpu.memref_slice %arg8[%dma_start3A_392, %dma_start3A_398] : memref<4x128xi32, #tpu.memory_space<vmem>> -> memref<1x128xi32, #tpu.memory_space<vmem>>
      %dma_start3A_400 = tpu.memref_squeeze %dma_start3A_399 : memref<1x128xi32, #tpu.memory_space<vmem>> -> memref<128xi32, #tpu.memory_space<vmem>>
      %dma_start3A_401 = arith.constant 0 : i32
      %dma_start3A_402 = arith.constant 0 : i32
      %dma_start3A_403 = tpu.memref_slice %arg4[%dma_start3A_401, %dma_start3A_402] : memref<1000000x64xf32, #tpu.memory_space<hbm>> -> memref<1000000x64xf32, #tpu.memory_space<hbm>>
      tpu.enqueue_indirect_dma source(%dma_start3A_403 : memref<1000000x64xf32, #tpu.memory_space<hbm>>) target(%dma_start3A_397 : memref<128x64xf32, #tpu.memory_space<vmem>>) offsets(%dma_start3A_400 : memref<128xi32, #tpu.memory_space<vmem>>) semaphore(%arg16 : memref<!tpu.dma_semaphore, #tpu.memory_space<semaphore_mem>>)
      %dma_start3A_404 = arith.constant 2 : i32
      %dma_start3A_405 = arith.constant 2 : i32
      %dma_start3A_406 = arith.constant 128 : i32
      %dma_start3A_407 = arith.constant 0 : i32
      %dma_start3A_408 = tpu.memref_slice %arg12[%dma_start3A_405, %dma_start3A_406, %dma_start3A_407] : memref<4x200x64xf32, #tpu.memory_space<vmem>> -> memref<1x72x64xf32, #tpu.memory_space<vmem>>
      %dma_start3A_409 = tpu.memref_squeeze %dma_start3A_408 : memref<1x72x64xf32, #tpu.memory_space<vmem>> -> memref<72x64xf32, #tpu.memory_space<vmem>>
      %dma_start3A_410 = arith.constant 0 : i32
      %dma_start3A_411 = tpu.memref_slice %arg9[%dma_start3A_404, %dma_start3A_410] : memref<4x72xi32, #tpu.memory_space<vmem>> -> memref<1x72xi32, #tpu.memory_space<vmem>>
      %dma_start3A_412 = tpu.memref_squeeze %dma_start3A_411 : memref<1x72xi32, #tpu.memory_space<vmem>> -> memref<72xi32, #tpu.memory_space<vmem>>
      %dma_start3A_413 = arith.constant 0 : i32
      %dma_start3A_414 = arith.constant 0 : i32
      %dma_start3A_415 = tpu.memref_slice %arg4[%dma_start3A_413, %dma_start3A_414] : memref<1000000x64xf32, #tpu.memory_space<hbm>> -> memref<1000000x64xf32, #tpu.memory_space<hbm>>
      tpu.enqueue_indirect_dma source(%dma_start3A_415 : memref<1000000x64xf32, #tpu.memory_space<hbm>>) target(%dma_start3A_409 : memref<72x64xf32, #tpu.memory_space<vmem>>) offsets(%dma_start3A_412 : memref<72xi32, #tpu.memory_space<vmem>>) semaphore(%arg16 : memref<!tpu.dma_semaphore, #tpu.memory_space<semaphore_mem>>)
      %dma_start3A_416 = arith.constant 3 : i32
      %dma_start3A_417 = arith.constant 3 : i32
      %dma_start3A_418 = arith.constant 0 : i32
      %dma_start3A_419 = arith.constant 0 : i32
      %dma_start3A_420 = tpu.memref_slice %arg12[%dma_start3A_417, %dma_start3A_418, %dma_start3A_419] : memref<4x200x64xf32, #tpu.memory_space<vmem>> -> memref<1x128x64xf32, #tpu.memory_space<vmem>>
      %dma_start3A_421 = tpu.memref_squeeze %dma_start3A_420 : memref<1x128x64xf32, #tpu.memory_space<vmem>> -> memref<128x64xf32, #tpu.memory_space<vmem>>
      %dma_start3A_422 = arith.constant 0 : i32
      %dma_start3A_423 = tpu.memref_slice %arg8[%dma_start3A_416, %dma_start3A_422] : memref<4x128xi32, #tpu.memory_space<vmem>> -> memref<1x128xi32, #tpu.memory_space<vmem>>
      %dma_start3A_424 = tpu.memref_squeeze %dma_start3A_423 : memref<1x128xi32, #tpu.memory_space<vmem>> -> memref<128xi32, #tpu.memory_space<vmem>>
      %dma_start3A_425 = arith.constant 0 : i32
      %dma_start3A_426 = arith.constant 0 : i32
      %dma_start3A_427 = tpu.memref_slice %arg4[%dma_start3A_425, %dma_start3A_426] : memref<1000000x64xf32, #tpu.memory_space<hbm>> -> memref<1000000x64xf32, #tpu.memory_space<hbm>>
      tpu.enqueue_indirect_dma source(%dma_start3A_427 : memref<1000000x64xf32, #tpu.memory_space<hbm>>) target(%dma_start3A_421 : memref<128x64xf32, #tpu.memory_space<vmem>>) offsets(%dma_start3A_424 : memref<128xi32, #tpu.memory_space<vmem>>) semaphore(%arg16 : memref<!tpu.dma_semaphore, #tpu.memory_space<semaphore_mem>>)
      %dma_start3A_428 = arith.constant 3 : i32
      %dma_start3A_429 = arith.constant 3 : i32
      %dma_start3A_430 = arith.constant 128 : i32
      %dma_start3A_431 = arith.constant 0 : i32
      %dma_start3A_432 = tpu.memref_slice %arg12[%dma_start3A_429, %dma_start3A_430, %dma_start3A_431] : memref<4x200x64xf32, #tpu.memory_space<vmem>> -> memref<1x72x64xf32, #tpu.memory_space<vmem>>
      %dma_start3A_433 = tpu.memref_squeeze %dma_start3A_432 : memref<1x72x64xf32, #tpu.memory_space<vmem>> -> memref<72x64xf32, #tpu.memory_space<vmem>>
      %dma_start3A_434 = arith.constant 0 : i32
      %dma_start3A_435 = tpu.memref_slice %arg9[%dma_start3A_428, %dma_start3A_434] : memref<4x72xi32, #tpu.memory_space<vmem>> -> memref<1x72xi32, #tpu.memory_space<vmem>>
      %dma_start3A_436 = tpu.memref_squeeze %dma_start3A_435 : memref<1x72xi32, #tpu.memory_space<vmem>> -> memref<72xi32, #tpu.memory_space<vmem>>
      %dma_start3A_437 = arith.constant 0 : i32
      %dma_start3A_438 = arith.constant 0 : i32
      %dma_start3A_439 = tpu.memref_slice %arg4[%dma_start3A_437, %dma_start3A_438] : memref<1000000x64xf32, #tpu.memory_space<hbm>> -> memref<1000000x64xf32, #tpu.memory_space<hbm>>
      tpu.enqueue_indirect_dma source(%dma_start3A_439 : memref<1000000x64xf32, #tpu.memory_space<hbm>>) target(%dma_start3A_433 : memref<72x64xf32, #tpu.memory_space<vmem>>) offsets(%dma_start3A_436 : memref<72xi32, #tpu.memory_space<vmem>>) semaphore(%arg16 : memref<!tpu.dma_semaphore, #tpu.memory_space<semaphore_mem>>)
      %dma_wait3A_440 = arith.constant 0 : i32
      %dma_wait3A_441 = arith.constant 0 : i32
      %dma_wait3A_442 = arith.constant 0 : i32
      %dma_wait3A_443 = tpu.memref_slice %arg6[%dma_wait3A_440, %dma_wait3A_441, %dma_wait3A_442] : memref<4096x200x64xf32, #tpu.memory_space<hbm>> -> memref<4x200x64xf32, #tpu.memory_space<hbm>>
      %dma_wait3A_444 = arith.constant 0 : i32
      %dma_wait3A_445 = arith.constant 0 : i32
      %dma_wait3A_446 = arith.constant 0 : i32
      %dma_wait3A_447 = tpu.memref_slice %arg6[%dma_wait3A_444, %dma_wait3A_445, %dma_wait3A_446] : memref<4096x200x64xf32, #tpu.memory_space<hbm>> -> memref<4x200x64xf32, #tpu.memory_space<hbm>>
      tpu.wait_dma2 semaphore(%arg17 : memref<!tpu.dma_semaphore, #tpu.memory_space<semaphore_mem>>) src(%dma_wait3A_447 : memref<4x200x64xf32, #tpu.memory_space<hbm>>) dst(%arg13 : memref<4x200x64xf32, #tpu.memory_space<vmem>>)
      %add3A_448 = arith.constant 2 : i32
      %add3A_449 = arith.addi %add3A_321, %add3A_448 : i32
      %mul3A_450 = arith.constant 4 : i32
      %mul3A_451 = arith.muli %add3A_449, %mul3A_450 : i32
      %add3A_452 = arith.addi %mul3A_2, %mul3A_451 : i32
      %dma_start3A_453 = arith.constant 0 : i32
      %dma_start3A_454 = tpu.memref_slice %arg2[%add3A_452, %dma_start3A_453] : memref<4096x128xi32, #tpu.memory_space<hbm>> -> memref<4x128xi32, #tpu.memory_space<hbm>>
      %dma_start3A_455 = arith.constant 0 : i32
      %dma_start3A_456 = tpu.memref_slice %arg2[%add3A_452, %dma_start3A_455] : memref<4096x128xi32, #tpu.memory_space<hbm>> -> memref<4x128xi32, #tpu.memory_space<hbm>>
      tpu.enqueue_dma source(%dma_start3A_456 : memref<4x128xi32, #tpu.memory_space<hbm>>) target(%arg10 : memref<4x128xi32, #tpu.memory_space<vmem>>) target_semaphore(%arg15 : memref<!tpu.dma_semaphore, #tpu.memory_space<semaphore_mem>>)
      %dma_start3A_457 = arith.constant 0 : i32
      %dma_start3A_458 = tpu.memref_slice %arg3[%add3A_452, %dma_start3A_457] : memref<4096x72xi32, #tpu.memory_space<hbm>> -> memref<4x72xi32, #tpu.memory_space<hbm>>
      %dma_start3A_459 = arith.constant 0 : i32
      %dma_start3A_460 = tpu.memref_slice %arg3[%add3A_452, %dma_start3A_459] : memref<4096x72xi32, #tpu.memory_space<hbm>> -> memref<4x72xi32, #tpu.memory_space<hbm>>
      tpu.enqueue_dma source(%dma_start3A_460 : memref<4x72xi32, #tpu.memory_space<hbm>>) target(%arg11 : memref<4x72xi32, #tpu.memory_space<vmem>>) target_semaphore(%arg15 : memref<!tpu.dma_semaphore, #tpu.memory_space<semaphore_mem>>)
      %parallel_loop3A_461 = arith.constant 0 : i32
      %parallel_loop3A_462 = arith.constant 200 : i32
      %parallel_loop3A_463 = arith.constant 1 : i32
      scf.for %parallel_loop3A_627 = %parallel_loop3A_461 to %parallel_loop3A_462 step %parallel_loop3A_463  : i32 {
        %parallel_loop3A_628 = arith.index_cast %parallel_loop3A_627 : i32 to index
        %parallel_loop3A_629 = arith.constant 0 : index
        %parallel_loop3A_630 = tpu.vector_load %arg7[%parallel_loop3A_628, %parallel_loop3A_629] {strides = array<i32>} : memref<200x64xf32, #tpu.memory_space<vmem>>, vector<1x16xf32>,
        %parallel_loop3A_631 = vector.shape_cast %parallel_loop3A_630 : vector<1x16xf32> to vector<16xf32>
        %parallel_loop3A_632 = arith.constant 0 : i32
        %parallel_loop3A_633 = arith.index_cast %parallel_loop3A_632 : i32 to index
        %parallel_loop3A_634 = arith.index_cast %parallel_loop3A_627 : i32 to index
        %parallel_loop3A_635 = arith.constant 0 : index
        %parallel_loop3A_636 = tpu.vector_load %arg13[%parallel_loop3A_633, %parallel_loop3A_634, %parallel_loop3A_635] {strides = array<i32>} : memref<4x200x64xf32, #tpu.memory_space<vmem>>, vector<1x1x16xf32>,
        %parallel_loop3A_637 = vector.shape_cast %parallel_loop3A_636 : vector<1x1x16xf32> to vector<16xf32>
        %parallel_loop3A_638 = arith.addf %parallel_loop3A_637, %parallel_loop3A_631 : vector<16xf32>
        %parallel_loop3A_639 = arith.constant 0 : i32
        %parallel_loop3A_640 = arith.index_cast %parallel_loop3A_639 : i32 to index
        %parallel_loop3A_641 = arith.index_cast %parallel_loop3A_627 : i32 to index
        %parallel_loop3A_642 = arith.constant 0 : index
        %parallel_loop3A_643 = tpu.vector_load %arg13[%parallel_loop3A_640, %parallel_loop3A_641, %parallel_loop3A_642] {strides = array<i32>} : memref<4x200x64xf32, #tpu.memory_space<vmem>>, vector<1x1x16xf32>,
        %parallel_loop3A_644 = vector.shape_cast %parallel_loop3A_643 : vector<1x1x16xf32> to vector<16xf32>
        %parallel_loop3A_645 = vector.shape_cast %parallel_loop3A_638 : vector<16xf32> to vector<1x1x16xf32>
        tpu.vector_store %arg13[%parallel_loop3A_640, %parallel_loop3A_641, %parallel_loop3A_642], %parallel_loop3A_645 {strides = array<i32>} : memref<4x200x64xf32, #tpu.memory_space<vmem>>, vector<1x1x16xf32>,
        %parallel_loop3A_646 = arith.constant 1 : i32
        %parallel_loop3A_647 = arith.index_cast %parallel_loop3A_646 : i32 to index
        %parallel_loop3A_648 = arith.index_cast %parallel_loop3A_627 : i32 to index
        %parallel_loop3A_649 = arith.constant 0 : index
        %parallel_loop3A_650 = tpu.vector_load %arg13[%parallel_loop3A_647, %parallel_loop3A_648, %parallel_loop3A_649] {strides = array<i32>} : memref<4x200x64xf32, #tpu.memory_space<vmem>>, vector<1x1x16xf32>,
        %parallel_loop3A_651 = vector.shape_cast %parallel_loop3A_650 : vector<1x1x16xf32> to vector<16xf32>
        %parallel_loop3A_652 = arith.addf %parallel_loop3A_651, %parallel_loop3A_631 : vector<16xf32>
        %parallel_loop3A_653 = arith.constant 1 : i32
        %parallel_loop3A_654 = arith.index_cast %parallel_loop3A_653 : i32 to index
        %parallel_loop3A_655 = arith.index_cast %parallel_loop3A_627 : i32 to index
        %parallel_loop3A_656 = arith.constant 0 : index
        %parallel_loop3A_657 = tpu.vector_load %arg13[%parallel_loop3A_654, %parallel_loop3A_655, %parallel_loop3A_656] {strides = array<i32>} : memref<4x200x64xf32, #tpu.memory_space<vmem>>, vector<1x1x16xf32>,
        %parallel_loop3A_658 = vector.shape_cast %parallel_loop3A_657 : vector<1x1x16xf32> to vector<16xf32>
        %parallel_loop3A_659 = vector.shape_cast %parallel_loop3A_652 : vector<16xf32> to vector<1x1x16xf32>
        tpu.vector_store %arg13[%parallel_loop3A_654, %parallel_loop3A_655, %parallel_loop3A_656], %parallel_loop3A_659 {strides = array<i32>} : memref<4x200x64xf32, #tpu.memory_space<vmem>>, vector<1x1x16xf32>,
        %parallel_loop3A_660 = arith.constant 2 : i32
        %parallel_loop3A_661 = arith.index_cast %parallel_loop3A_660 : i32 to index
        %parallel_loop3A_662 = arith.index_cast %parallel_loop3A_627 : i32 to index
        %parallel_loop3A_663 = arith.constant 0 : index
        %parallel_loop3A_664 = tpu.vector_load %arg13[%parallel_loop3A_661, %parallel_loop3A_662, %parallel_loop3A_663] {strides = array<i32>} : memref<4x200x64xf32, #tpu.memory_space<vmem>>, vector<1x1x16xf32>,
        %parallel_loop3A_665 = vector.shape_cast %parallel_loop3A_664 : vector<1x1x16xf32> to vector<16xf32>
        %parallel_loop3A_666 = arith.addf %parallel_loop3A_665, %parallel_loop3A_631 : vector<16xf32>
        %parallel_loop3A_667 = arith.constant 2 : i32
        %parallel_loop3A_668 = arith.index_cast %parallel_loop3A_667 : i32 to index
        %parallel_loop3A_669 = arith.index_cast %parallel_loop3A_627 : i32 to index
        %parallel_loop3A_670 = arith.constant 0 : index
        %parallel_loop3A_671 = tpu.vector_load %arg13[%parallel_loop3A_668, %parallel_loop3A_669, %parallel_loop3A_670] {strides = array<i32>} : memref<4x200x64xf32, #tpu.memory_space<vmem>>, vector<1x1x16xf32>,
        %parallel_loop3A_672 = vector.shape_cast %parallel_loop3A_671 : vector<1x1x16xf32> to vector<16xf32>
        %parallel_loop3A_673 = vector.shape_cast %parallel_loop3A_666 : vector<16xf32> to vector<1x1x16xf32>
        tpu.vector_store %arg13[%parallel_loop3A_668, %parallel_loop3A_669, %parallel_loop3A_670], %parallel_loop3A_673 {strides = array<i32>} : memref<4x200x64xf32, #tpu.memory_space<vmem>>, vector<1x1x16xf32>,
        %parallel_loop3A_674 = arith.constant 3 : i32
        %parallel_loop3A_675 = arith.index_cast %parallel_loop3A_674 : i32 to index
        %parallel_loop3A_676 = arith.index_cast %parallel_loop3A_627 : i32 to index
        %parallel_loop3A_677 = arith.constant 0 : index
        %parallel_loop3A_678 = tpu.vector_load %arg13[%parallel_loop3A_675, %parallel_loop3A_676, %parallel_loop3A_677] {strides = array<i32>} : memref<4x200x64xf32, #tpu.memory_space<vmem>>, vector<1x1x16xf32>,
        %parallel_loop3A_679 = vector.shape_cast %parallel_loop3A_678 : vector<1x1x16xf32> to vector<16xf32>
        %parallel_loop3A_680 = arith.addf %parallel_loop3A_679, %parallel_loop3A_631 : vector<16xf32>
        %parallel_loop3A_681 = arith.constant 3 : i32
        %parallel_loop3A_682 = arith.index_cast %parallel_loop3A_681 : i32 to index
        %parallel_loop3A_683 = arith.index_cast %parallel_loop3A_627 : i32 to index
        %parallel_loop3A_684 = arith.constant 0 : index
        %parallel_loop3A_685 = tpu.vector_load %arg13[%parallel_loop3A_682, %parallel_loop3A_683, %parallel_loop3A_684] {strides = array<i32>} : memref<4x200x64xf32, #tpu.memory_space<vmem>>, vector<1x1x16xf32>,
        %parallel_loop3A_686 = vector.shape_cast %parallel_loop3A_685 : vector<1x1x16xf32> to vector<16xf32>
        %parallel_loop3A_687 = vector.shape_cast %parallel_loop3A_680 : vector<16xf32> to vector<1x1x16xf32>
        tpu.vector_store %arg13[%parallel_loop3A_682, %parallel_loop3A_683, %parallel_loop3A_684], %parallel_loop3A_687 {strides = array<i32>} : memref<4x200x64xf32, #tpu.memory_space<vmem>>, vector<1x1x16xf32>,
        %parallel_loop3A_688 = arith.index_cast %parallel_loop3A_627 : i32 to index
        %parallel_loop3A_689 = arith.constant 16 : index
        %parallel_loop3A_690 = tpu.vector_load %arg7[%parallel_loop3A_688, %parallel_loop3A_689] {strides = array<i32>} : memref<200x64xf32, #tpu.memory_space<vmem>>, vector<1x16xf32>,
        %parallel_loop3A_691 = vector.shape_cast %parallel_loop3A_690 : vector<1x16xf32> to vector<16xf32>
        %parallel_loop3A_692 = arith.constant 0 : i32
        %parallel_loop3A_693 = arith.index_cast %parallel_loop3A_692 : i32 to index
        %parallel_loop3A_694 = arith.index_cast %parallel_loop3A_627 : i32 to index
        %parallel_loop3A_695 = arith.constant 16 : index
        %parallel_loop3A_696 = tpu.vector_load %arg13[%parallel_loop3A_693, %parallel_loop3A_694, %parallel_loop3A_695] {strides = array<i32>} : memref<4x200x64xf32, #tpu.memory_space<vmem>>, vector<1x1x16xf32>,
        %parallel_loop3A_697 = vector.shape_cast %parallel_loop3A_696 : vector<1x1x16xf32> to vector<16xf32>
        %parallel_loop3A_698 = arith.addf %parallel_loop3A_697, %parallel_loop3A_691 : vector<16xf32>
        %parallel_loop3A_699 = arith.constant 0 : i32
        %parallel_loop3A_700 = arith.index_cast %parallel_loop3A_699 : i32 to index
        %parallel_loop3A_701 = arith.index_cast %parallel_loop3A_627 : i32 to index
        %parallel_loop3A_702 = arith.constant 16 : index
        %parallel_loop3A_703 = tpu.vector_load %arg13[%parallel_loop3A_700, %parallel_loop3A_701, %parallel_loop3A_702] {strides = array<i32>} : memref<4x200x64xf32, #tpu.memory_space<vmem>>, vector<1x1x16xf32>,
        %parallel_loop3A_704 = vector.shape_cast %parallel_loop3A_703 : vector<1x1x16xf32> to vector<16xf32>
        %parallel_loop3A_705 = vector.shape_cast %parallel_loop3A_698 : vector<16xf32> to vector<1x1x16xf32>
        tpu.vector_store %arg13[%parallel_loop3A_700, %parallel_loop3A_701, %parallel_loop3A_702], %parallel_loop3A_705 {strides = array<i32>} : memref<4x200x64xf32, #tpu.memory_space<vmem>>, vector<1x1x16xf32>,
        %parallel_loop3A_706 = arith.constant 1 : i32
        %parallel_loop3A_707 = arith.index_cast %parallel_loop3A_706 : i32 to index
        %parallel_loop3A_708 = arith.index_cast %parallel_loop3A_627 : i32 to index
        %parallel_loop3A_709 = arith.constant 16 : index
        %parallel_loop3A_710 = tpu.vector_load %arg13[%parallel_loop3A_707, %parallel_loop3A_708, %parallel_loop3A_709] {strides = array<i32>} : memref<4x200x64xf32, #tpu.memory_space<vmem>>, vector<1x1x16xf32>,
        %parallel_loop3A_711 = vector.shape_cast %parallel_loop3A_710 : vector<1x1x16xf32> to vector<16xf32>
        %parallel_loop3A_712 = arith.addf %parallel_loop3A_711, %parallel_loop3A_691 : vector<16xf32>
        %parallel_loop3A_713 = arith.constant 1 : i32
        %parallel_loop3A_714 = arith.index_cast %parallel_loop3A_713 : i32 to index
        %parallel_loop3A_715 = arith.index_cast %parallel_loop3A_627 : i32 to index
        %parallel_loop3A_716 = arith.constant 16 : index
        %parallel_loop3A_717 = tpu.vector_load %arg13[%parallel_loop3A_714, %parallel_loop3A_715, %parallel_loop3A_716] {strides = array<i32>} : memref<4x200x64xf32, #tpu.memory_space<vmem>>, vector<1x1x16xf32>,
        %parallel_loop3A_718 = vector.shape_cast %parallel_loop3A_717 : vector<1x1x16xf32> to vector<16xf32>
        %parallel_loop3A_719 = vector.shape_cast %parallel_loop3A_712 : vector<16xf32> to vector<1x1x16xf32>
        tpu.vector_store %arg13[%parallel_loop3A_714, %parallel_loop3A_715, %parallel_loop3A_716], %parallel_loop3A_719 {strides = array<i32>} : memref<4x200x64xf32, #tpu.memory_space<vmem>>, vector<1x1x16xf32>,
        %parallel_loop3A_720 = arith.constant 2 : i32
        %parallel_loop3A_721 = arith.index_cast %parallel_loop3A_720 : i32 to index
        %parallel_loop3A_722 = arith.index_cast %parallel_loop3A_627 : i32 to index
        %parallel_loop3A_723 = arith.constant 16 : index
        %parallel_loop3A_724 = tpu.vector_load %arg13[%parallel_loop3A_721, %parallel_loop3A_722, %parallel_loop3A_723] {strides = array<i32>} : memref<4x200x64xf32, #tpu.memory_space<vmem>>, vector<1x1x16xf32>,
        %parallel_loop3A_725 = vector.shape_cast %parallel_loop3A_724 : vector<1x1x16xf32> to vector<16xf32>
        %parallel_loop3A_726 = arith.addf %parallel_loop3A_725, %parallel_loop3A_691 : vector<16xf32>
        %parallel_loop3A_727 = arith.constant 2 : i32
        %parallel_loop3A_728 = arith.index_cast %parallel_loop3A_727 : i32 to index
        %parallel_loop3A_729 = arith.index_cast %parallel_loop3A_627 : i32 to index
        %parallel_loop3A_730 = arith.constant 16 : index
        %parallel_loop3A_731 = tpu.vector_load %arg13[%parallel_loop3A_728, %parallel_loop3A_729, %parallel_loop3A_730] {strides = array<i32>} : memref<4x200x64xf32, #tpu.memory_space<vmem>>, vector<1x1x16xf32>,
        %parallel_loop3A_732 = vector.shape_cast %parallel_loop3A_731 : vector<1x1x16xf32> to vector<16xf32>
        %parallel_loop3A_733 = vector.shape_cast %parallel_loop3A_726 : vector<16xf32> to vector<1x1x16xf32>
        tpu.vector_store %arg13[%parallel_loop3A_728, %parallel_loop3A_729, %parallel_loop3A_730], %parallel_loop3A_733 {strides = array<i32>} : memref<4x200x64xf32, #tpu.memory_space<vmem>>, vector<1x1x16xf32>,
        %parallel_loop3A_734 = arith.constant 3 : i32
        %parallel_loop3A_735 = arith.index_cast %parallel_loop3A_734 : i32 to index
        %parallel_loop3A_736 = arith.index_cast %parallel_loop3A_627 : i32 to index
        %parallel_loop3A_737 = arith.constant 16 : index
        %parallel_loop3A_738 = tpu.vector_load %arg13[%parallel_loop3A_735, %parallel_loop3A_736, %parallel_loop3A_737] {strides = array<i32>} : memref<4x200x64xf32, #tpu.memory_space<vmem>>, vector<1x1x16xf32>,
        %parallel_loop3A_739 = vector.shape_cast %parallel_loop3A_738 : vector<1x1x16xf32> to vector<16xf32>
        %parallel_loop3A_740 = arith.addf %parallel_loop3A_739, %parallel_loop3A_691 : vector<16xf32>
        %parallel_loop3A_741 = arith.constant 3 : i32
        %parallel_loop3A_742 = arith.index_cast %parallel_loop3A_741 : i32 to index
        %parallel_loop3A_743 = arith.index_cast %parallel_loop3A_627 : i32 to index
        %parallel_loop3A_744 = arith.constant 16 : index
        %parallel_loop3A_745 = tpu.vector_load %arg13[%parallel_loop3A_742, %parallel_loop3A_743, %parallel_loop3A_744] {strides = array<i32>} : memref<4x200x64xf32, #tpu.memory_space<vmem>>, vector<1x1x16xf32>,
        %parallel_loop3A_746 = vector.shape_cast %parallel_loop3A_745 : vector<1x1x16xf32> to vector<16xf32>
        %parallel_loop3A_747 = vector.shape_cast %parallel_loop3A_740 : vector<16xf32> to vector<1x1x16xf32>
        tpu.vector_store %arg13[%parallel_loop3A_742, %parallel_loop3A_743, %parallel_loop3A_744], %parallel_loop3A_747 {strides = array<i32>} : memref<4x200x64xf32, #tpu.memory_space<vmem>>, vector<1x1x16xf32>,
        %parallel_loop3A_748 = arith.index_cast %parallel_loop3A_627 : i32 to index
        %parallel_loop3A_749 = arith.constant 32 : index
        %parallel_loop3A_750 = tpu.vector_load %arg7[%parallel_loop3A_748, %parallel_loop3A_749] {strides = array<i32>} : memref<200x64xf32, #tpu.memory_space<vmem>>, vector<1x16xf32>,
        %parallel_loop3A_751 = vector.shape_cast %parallel_loop3A_750 : vector<1x16xf32> to vector<16xf32>
        %parallel_loop3A_752 = arith.constant 0 : i32
        %parallel_loop3A_753 = arith.index_cast %parallel_loop3A_752 : i32 to index
        %parallel_loop3A_754 = arith.index_cast %parallel_loop3A_627 : i32 to index
        %parallel_loop3A_755 = arith.constant 32 : index
        %parallel_loop3A_756 = tpu.vector_load %arg13[%parallel_loop3A_753, %parallel_loop3A_754, %parallel_loop3A_755] {strides = array<i32>} : memref<4x200x64xf32, #tpu.memory_space<vmem>>, vector<1x1x16xf32>,
        %parallel_loop3A_757 = vector.shape_cast %parallel_loop3A_756 : vector<1x1x16xf32> to vector<16xf32>
        %parallel_loop3A_758 = arith.addf %parallel_loop3A_757, %parallel_loop3A_751 : vector<16xf32>
        %parallel_loop3A_759 = arith.constant 0 : i32
        %parallel_loop3A_760 = arith.index_cast %parallel_loop3A_759 : i32 to index
        %parallel_loop3A_761 = arith.index_cast %parallel_loop3A_627 : i32 to index
        %parallel_loop3A_762 = arith.constant 32 : index
        %parallel_loop3A_763 = tpu.vector_load %arg13[%parallel_loop3A_760, %parallel_loop3A_761, %parallel_loop3A_762] {strides = array<i32>} : memref<4x200x64xf32, #tpu.memory_space<vmem>>, vector<1x1x16xf32>,
        %parallel_loop3A_764 = vector.shape_cast %parallel_loop3A_763 : vector<1x1x16xf32> to vector<16xf32>
        %parallel_loop3A_765 = vector.shape_cast %parallel_loop3A_758 : vector<16xf32> to vector<1x1x16xf32>
        tpu.vector_store %arg13[%parallel_loop3A_760, %parallel_loop3A_761, %parallel_loop3A_762], %parallel_loop3A_765 {strides = array<i32>} : memref<4x200x64xf32, #tpu.memory_space<vmem>>, vector<1x1x16xf32>,
        %parallel_loop3A_766 = arith.constant 1 : i32
        %parallel_loop3A_767 = arith.index_cast %parallel_loop3A_766 : i32 to index
        %parallel_loop3A_768 = arith.index_cast %parallel_loop3A_627 : i32 to index
        %parallel_loop3A_769 = arith.constant 32 : index
        %parallel_loop3A_770 = tpu.vector_load %arg13[%parallel_loop3A_767, %parallel_loop3A_768, %parallel_loop3A_769] {strides = array<i32>} : memref<4x200x64xf32, #tpu.memory_space<vmem>>, vector<1x1x16xf32>,
        %parallel_loop3A_771 = vector.shape_cast %parallel_loop3A_770 : vector<1x1x16xf32> to vector<16xf32>
        %parallel_loop3A_772 = arith.addf %parallel_loop3A_771, %parallel_loop3A_751 : vector<16xf32>
        %parallel_loop3A_773 = arith.constant 1 : i32
        %parallel_loop3A_774 = arith.index_cast %parallel_loop3A_773 : i32 to index
        %parallel_loop3A_775 = arith.index_cast %parallel_loop3A_627 : i32 to index
        %parallel_loop3A_776 = arith.constant 32 : index
        %parallel_loop3A_777 = tpu.vector_load %arg13[%parallel_loop3A_774, %parallel_loop3A_775, %parallel_loop3A_776] {strides = array<i32>} : memref<4x200x64xf32, #tpu.memory_space<vmem>>, vector<1x1x16xf32>,
        %parallel_loop3A_778 = vector.shape_cast %parallel_loop3A_777 : vector<1x1x16xf32> to vector<16xf32>
        %parallel_loop3A_779 = vector.shape_cast %parallel_loop3A_772 : vector<16xf32> to vector<1x1x16xf32>
        tpu.vector_store %arg13[%parallel_loop3A_774, %parallel_loop3A_775, %parallel_loop3A_776], %parallel_loop3A_779 {strides = array<i32>} : memref<4x200x64xf32, #tpu.memory_space<vmem>>, vector<1x1x16xf32>,
        %parallel_loop3A_780 = arith.constant 2 : i32
        %parallel_loop3A_781 = arith.index_cast %parallel_loop3A_780 : i32 to index
        %parallel_loop3A_782 = arith.index_cast %parallel_loop3A_627 : i32 to index
        %parallel_loop3A_783 = arith.constant 32 : index
        %parallel_loop3A_784 = tpu.vector_load %arg13[%parallel_loop3A_781, %parallel_loop3A_782, %parallel_loop3A_783] {strides = array<i32>} : memref<4x200x64xf32, #tpu.memory_space<vmem>>, vector<1x1x16xf32>,
        %parallel_loop3A_785 = vector.shape_cast %parallel_loop3A_784 : vector<1x1x16xf32> to vector<16xf32>
        %parallel_loop3A_786 = arith.addf %parallel_loop3A_785, %parallel_loop3A_751 : vector<16xf32>
        %parallel_loop3A_787 = arith.constant 2 : i32
        %parallel_loop3A_788 = arith.index_cast %parallel_loop3A_787 : i32 to index
        %parallel_loop3A_789 = arith.index_cast %parallel_loop3A_627 : i32 to index
        %parallel_loop3A_790 = arith.constant 32 : index
        %parallel_loop3A_791 = tpu.vector_load %arg13[%parallel_loop3A_788, %parallel_loop3A_789, %parallel_loop3A_790] {strides = array<i32>} : memref<4x200x64xf32, #tpu.memory_space<vmem>>, vector<1x1x16xf32>,
        %parallel_loop3A_792 = vector.shape_cast %parallel_loop3A_791 : vector<1x1x16xf32> to vector<16xf32>
        %parallel_loop3A_793 = vector.shape_cast %parallel_loop3A_786 : vector<16xf32> to vector<1x1x16xf32>
        tpu.vector_store %arg13[%parallel_loop3A_788, %parallel_loop3A_789, %parallel_loop3A_790], %parallel_loop3A_793 {strides = array<i32>} : memref<4x200x64xf32, #tpu.memory_space<vmem>>, vector<1x1x16xf32>,
        %parallel_loop3A_794 = arith.constant 3 : i32
        %parallel_loop3A_795 = arith.index_cast %parallel_loop3A_794 : i32 to index
        %parallel_loop3A_796 = arith.index_cast %parallel_loop3A_627 : i32 to index
        %parallel_loop3A_797 = arith.constant 32 : index
        %parallel_loop3A_798 = tpu.vector_load %arg13[%parallel_loop3A_795, %parallel_loop3A_796, %parallel_loop3A_797] {strides = array<i32>} : memref<4x200x64xf32, #tpu.memory_space<vmem>>, vector<1x1x16xf32>,
        %parallel_loop3A_799 = vector.shape_cast %parallel_loop3A_798 : vector<1x1x16xf32> to vector<16xf32>
        %parallel_loop3A_800 = arith.addf %parallel_loop3A_799, %parallel_loop3A_751 : vector<16xf32>
        %parallel_loop3A_801 = arith.constant 3 : i32
        %parallel_loop3A_802 = arith.index_cast %parallel_loop3A_801 : i32 to index
        %parallel_loop3A_803 = arith.index_cast %parallel_loop3A_627 : i32 to index
        %parallel_loop3A_804 = arith.constant 32 : index
        %parallel_loop3A_805 = tpu.vector_load %arg13[%parallel_loop3A_802, %parallel_loop3A_803, %parallel_loop3A_804] {strides = array<i32>} : memref<4x200x64xf32, #tpu.memory_space<vmem>>, vector<1x1x16xf32>,
        %parallel_loop3A_806 = vector.shape_cast %parallel_loop3A_805 : vector<1x1x16xf32> to vector<16xf32>
        %parallel_loop3A_807 = vector.shape_cast %parallel_loop3A_800 : vector<16xf32> to vector<1x1x16xf32>
        tpu.vector_store %arg13[%parallel_loop3A_802, %parallel_loop3A_803, %parallel_loop3A_804], %parallel_loop3A_807 {strides = array<i32>} : memref<4x200x64xf32, #tpu.memory_space<vmem>>, vector<1x1x16xf32>,
        %parallel_loop3A_808 = arith.index_cast %parallel_loop3A_627 : i32 to index
        %parallel_loop3A_809 = arith.constant 48 : index
        %parallel_loop3A_810 = tpu.vector_load %arg7[%parallel_loop3A_808, %parallel_loop3A_809] {strides = array<i32>} : memref<200x64xf32, #tpu.memory_space<vmem>>, vector<1x16xf32>,
        %parallel_loop3A_811 = vector.shape_cast %parallel_loop3A_810 : vector<1x16xf32> to vector<16xf32>
        %parallel_loop3A_812 = arith.constant 0 : i32
        %parallel_loop3A_813 = arith.index_cast %parallel_loop3A_812 : i32 to index
        %parallel_loop3A_814 = arith.index_cast %parallel_loop3A_627 : i32 to index
        %parallel_loop3A_815 = arith.constant 48 : index
        %parallel_loop3A_816 = tpu.vector_load %arg13[%parallel_loop3A_813, %parallel_loop3A_814, %parallel_loop3A_815] {strides = array<i32>} : memref<4x200x64xf32, #tpu.memory_space<vmem>>, vector<1x1x16xf32>,
        %parallel_loop3A_817 = vector.shape_cast %parallel_loop3A_816 : vector<1x1x16xf32> to vector<16xf32>
        %parallel_loop3A_818 = arith.addf %parallel_loop3A_817, %parallel_loop3A_811 : vector<16xf32>
        %parallel_loop3A_819 = arith.constant 0 : i32
        %parallel_loop3A_820 = arith.index_cast %parallel_loop3A_819 : i32 to index
        %parallel_loop3A_821 = arith.index_cast %parallel_loop3A_627 : i32 to index
        %parallel_loop3A_822 = arith.constant 48 : index
        %parallel_loop3A_823 = tpu.vector_load %arg13[%parallel_loop3A_820, %parallel_loop3A_821, %parallel_loop3A_822] {strides = array<i32>} : memref<4x200x64xf32, #tpu.memory_space<vmem>>, vector<1x1x16xf32>,
        %parallel_loop3A_824 = vector.shape_cast %parallel_loop3A_823 : vector<1x1x16xf32> to vector<16xf32>
        %parallel_loop3A_825 = vector.shape_cast %parallel_loop3A_818 : vector<16xf32> to vector<1x1x16xf32>
        tpu.vector_store %arg13[%parallel_loop3A_820, %parallel_loop3A_821, %parallel_loop3A_822], %parallel_loop3A_825 {strides = array<i32>} : memref<4x200x64xf32, #tpu.memory_space<vmem>>, vector<1x1x16xf32>,
        %parallel_loop3A_826 = arith.constant 1 : i32
        %parallel_loop3A_827 = arith.index_cast %parallel_loop3A_826 : i32 to index
        %parallel_loop3A_828 = arith.index_cast %parallel_loop3A_627 : i32 to index
        %parallel_loop3A_829 = arith.constant 48 : index
        %parallel_loop3A_830 = tpu.vector_load %arg13[%parallel_loop3A_827, %parallel_loop3A_828, %parallel_loop3A_829] {strides = array<i32>} : memref<4x200x64xf32, #tpu.memory_space<vmem>>, vector<1x1x16xf32>,
        %parallel_loop3A_831 = vector.shape_cast %parallel_loop3A_830 : vector<1x1x16xf32> to vector<16xf32>
        %parallel_loop3A_832 = arith.addf %parallel_loop3A_831, %parallel_loop3A_811 : vector<16xf32>
        %parallel_loop3A_833 = arith.constant 1 : i32
        %parallel_loop3A_834 = arith.index_cast %parallel_loop3A_833 : i32 to index
        %parallel_loop3A_835 = arith.index_cast %parallel_loop3A_627 : i32 to index
        %parallel_loop3A_836 = arith.constant 48 : index
        %parallel_loop3A_837 = tpu.vector_load %arg13[%parallel_loop3A_834, %parallel_loop3A_835, %parallel_loop3A_836] {strides = array<i32>} : memref<4x200x64xf32, #tpu.memory_space<vmem>>, vector<1x1x16xf32>,
        %parallel_loop3A_838 = vector.shape_cast %parallel_loop3A_837 : vector<1x1x16xf32> to vector<16xf32>
        %parallel_loop3A_839 = vector.shape_cast %parallel_loop3A_832 : vector<16xf32> to vector<1x1x16xf32>
        tpu.vector_store %arg13[%parallel_loop3A_834, %parallel_loop3A_835, %parallel_loop3A_836], %parallel_loop3A_839 {strides = array<i32>} : memref<4x200x64xf32, #tpu.memory_space<vmem>>, vector<1x1x16xf32>,
        %parallel_loop3A_840 = arith.constant 2 : i32
        %parallel_loop3A_841 = arith.index_cast %parallel_loop3A_840 : i32 to index
        %parallel_loop3A_842 = arith.index_cast %parallel_loop3A_627 : i32 to index
        %parallel_loop3A_843 = arith.constant 48 : index
        %parallel_loop3A_844 = tpu.vector_load %arg13[%parallel_loop3A_841, %parallel_loop3A_842, %parallel_loop3A_843] {strides = array<i32>} : memref<4x200x64xf32, #tpu.memory_space<vmem>>, vector<1x1x16xf32>,
        %parallel_loop3A_845 = vector.shape_cast %parallel_loop3A_844 : vector<1x1x16xf32> to vector<16xf32>
        %parallel_loop3A_846 = arith.addf %parallel_loop3A_845, %parallel_loop3A_811 : vector<16xf32>
        %parallel_loop3A_847 = arith.constant 2 : i32
        %parallel_loop3A_848 = arith.index_cast %parallel_loop3A_847 : i32 to index
        %parallel_loop3A_849 = arith.index_cast %parallel_loop3A_627 : i32 to index
        %parallel_loop3A_850 = arith.constant 48 : index
        %parallel_loop3A_851 = tpu.vector_load %arg13[%parallel_loop3A_848, %parallel_loop3A_849, %parallel_loop3A_850] {strides = array<i32>} : memref<4x200x64xf32, #tpu.memory_space<vmem>>, vector<1x1x16xf32>,
        %parallel_loop3A_852 = vector.shape_cast %parallel_loop3A_851 : vector<1x1x16xf32> to vector<16xf32>
        %parallel_loop3A_853 = vector.shape_cast %parallel_loop3A_846 : vector<16xf32> to vector<1x1x16xf32>
        tpu.vector_store %arg13[%parallel_loop3A_848, %parallel_loop3A_849, %parallel_loop3A_850], %parallel_loop3A_853 {strides = array<i32>} : memref<4x200x64xf32, #tpu.memory_space<vmem>>, vector<1x1x16xf32>,
        %parallel_loop3A_854 = arith.constant 3 : i32
        %parallel_loop3A_855 = arith.index_cast %parallel_loop3A_854 : i32 to index
        %parallel_loop3A_856 = arith.index_cast %parallel_loop3A_627 : i32 to index
        %parallel_loop3A_857 = arith.constant 48 : index
        %parallel_loop3A_858 = tpu.vector_load %arg13[%parallel_loop3A_855, %parallel_loop3A_856, %parallel_loop3A_857] {strides = array<i32>} : memref<4x200x64xf32, #tpu.memory_space<vmem>>, vector<1x1x16xf32>,
        %parallel_loop3A_859 = vector.shape_cast %parallel_loop3A_858 : vector<1x1x16xf32> to vector<16xf32>
        %parallel_loop3A_860 = arith.addf %parallel_loop3A_859, %parallel_loop3A_811 : vector<16xf32>
        %parallel_loop3A_861 = arith.constant 3 : i32
        %parallel_loop3A_862 = arith.index_cast %parallel_loop3A_861 : i32 to index
        %parallel_loop3A_863 = arith.index_cast %parallel_loop3A_627 : i32 to index
        %parallel_loop3A_864 = arith.constant 48 : index
        %parallel_loop3A_865 = tpu.vector_load %arg13[%parallel_loop3A_862, %parallel_loop3A_863, %parallel_loop3A_864] {strides = array<i32>} : memref<4x200x64xf32, #tpu.memory_space<vmem>>, vector<1x1x16xf32>,
        %parallel_loop3A_866 = vector.shape_cast %parallel_loop3A_865 : vector<1x1x16xf32> to vector<16xf32>
        %parallel_loop3A_867 = vector.shape_cast %parallel_loop3A_860 : vector<16xf32> to vector<1x1x16xf32>
        tpu.vector_store %arg13[%parallel_loop3A_862, %parallel_loop3A_863, %parallel_loop3A_864], %parallel_loop3A_867 {strides = array<i32>} : memref<4x200x64xf32, #tpu.memory_space<vmem>>, vector<1x1x16xf32>,
      } {sc.loop_unroll_factor = 2 : i64, sc.parallel_access}
      %mul3A_464 = arith.constant 4 : i32
      %mul3A_465 = arith.muli %add3A_321, %mul3A_464 : i32
      %add3A_466 = arith.addi %mul3A_2, %mul3A_465 : i32
      %dma_start3A_467 = arith.constant 0 : i32
      %dma_start3A_468 = arith.constant 0 : i32
      %dma_start3A_469 = tpu.memref_slice %arg6[%add3A_466, %dma_start3A_467, %dma_start3A_468] : memref<4096x200x64xf32, #tpu.memory_space<hbm>> -> memref<4x200x64xf32, #tpu.memory_space<hbm>>
      %dma_start3A_470 = arith.constant 0 : i32
      %dma_start3A_471 = arith.constant 0 : i32
      %dma_start3A_472 = tpu.memref_slice %arg6[%add3A_466, %dma_start3A_470, %dma_start3A_471] : memref<4096x200x64xf32, #tpu.memory_space<hbm>> -> memref<4x200x64xf32, #tpu.memory_space<hbm>>
      tpu.enqueue_dma source(%arg13 : memref<4x200x64xf32, #tpu.memory_space<vmem>>) target(%dma_start3A_472 : memref<4x200x64xf32, #tpu.memory_space<hbm>>) target_semaphore(%arg18 : memref<!tpu.dma_semaphore, #tpu.memory_space<semaphore_mem>>)
      %dma_wait3A_473 = arith.constant 0 : i32
      %dma_wait3A_474 = arith.constant 0 : i32
      %dma_wait3A_475 = arith.constant 0 : i32
      %dma_wait3A_476 = tpu.memref_slice %arg6[%dma_wait3A_473, %dma_wait3A_474, %dma_wait3A_475] : memref<4096x200x64xf32, #tpu.memory_space<hbm>> -> memref<4x200x64xf32, #tpu.memory_space<hbm>>
      %dma_wait3A_477 = arith.constant 0 : i32
      %dma_wait3A_478 = arith.constant 0 : i32
      %dma_wait3A_479 = arith.constant 0 : i32
      %dma_wait3A_480 = tpu.memref_slice %arg6[%dma_wait3A_477, %dma_wait3A_478, %dma_wait3A_479] : memref<4096x200x64xf32, #tpu.memory_space<hbm>> -> memref<4x200x64xf32, #tpu.memory_space<hbm>>
      tpu.wait_dma2 semaphore(%arg18 : memref<!tpu.dma_semaphore, #tpu.memory_space<semaphore_mem>>) src(%arg12 : memref<4x200x64xf32, #tpu.memory_space<vmem>>) dst(%dma_wait3A_480 : memref<4x200x64xf32, #tpu.memory_space<hbm>>)
      %add3A_481 = arith.constant 2 : i32
      %add3A_482 = arith.addi %add3A_321, %add3A_481 : i32
      %dma_wait3A_483 = arith.constant 0 : i32
      %dma_wait3A_484 = arith.constant 0 : i32
      %dma_wait3A_485 = tpu.memref_slice %arg2[%dma_wait3A_483, %dma_wait3A_484] : memref<4096x128xi32, #tpu.memory_space<hbm>> -> memref<4x128xi32, #tpu.memory_space<hbm>>
      %dma_wait3A_486 = arith.constant 0 : i32
      %dma_wait3A_487 = arith.constant 0 : i32
      %dma_wait3A_488 = tpu.memref_slice %arg2[%dma_wait3A_486, %dma_wait3A_487] : memref<4096x128xi32, #tpu.memory_space<hbm>> -> memref<4x128xi32, #tpu.memory_space<hbm>>
      tpu.wait_dma2 semaphore(%arg15 : memref<!tpu.dma_semaphore, #tpu.memory_space<semaphore_mem>>) src(%dma_wait3A_488 : memref<4x128xi32, #tpu.memory_space<hbm>>) dst(%arg10 : memref<4x128xi32, #tpu.memory_space<vmem>>)
      %dma_wait3A_489 = arith.constant 0 : i32
      %dma_wait3A_490 = arith.constant 0 : i32
      %dma_wait3A_491 = tpu.memref_slice %arg3[%dma_wait3A_489, %dma_wait3A_490] : memref<4096x72xi32, #tpu.memory_space<hbm>> -> memref<4x72xi32, #tpu.memory_space<hbm>>
      %dma_wait3A_492 = arith.constant 0 : i32
      %dma_wait3A_493 = arith.constant 0 : i32
      %dma_wait3A_494 = tpu.memref_slice %arg3[%dma_wait3A_492, %dma_wait3A_493] : memref<4096x72xi32, #tpu.memory_space<hbm>> -> memref<4x72xi32, #tpu.memory_space<hbm>>
      tpu.wait_dma2 semaphore(%arg15 : memref<!tpu.dma_semaphore, #tpu.memory_space<semaphore_mem>>) src(%dma_wait3A_494 : memref<4x72xi32, #tpu.memory_space<hbm>>) dst(%arg11 : memref<4x72xi32, #tpu.memory_space<vmem>>)
      %dma_start3A_495 = arith.constant 0 : i32
      %dma_start3A_496 = arith.constant 0 : i32
      %dma_start3A_497 = arith.constant 0 : i32
      %dma_start3A_498 = arith.constant 0 : i32
      %dma_start3A_499 = tpu.memref_slice %arg13[%dma_start3A_496, %dma_start3A_497, %dma_start3A_498] : memref<4x200x64xf32, #tpu.memory_space<vmem>> -> memref<1x128x64xf32, #tpu.memory_space<vmem>>
      %dma_start3A_500 = tpu.memref_squeeze %dma_start3A_499 : memref<1x128x64xf32, #tpu.memory_space<vmem>> -> memref<128x64xf32, #tpu.memory_space<vmem>>
      %dma_start3A_501 = arith.constant 0 : i32
      %dma_start3A_502 = tpu.memref_slice %arg10[%dma_start3A_495, %dma_start3A_501] : memref<4x128xi32, #tpu.memory_space<vmem>> -> memref<1x128xi32, #tpu.memory_space<vmem>>
      %dma_start3A_503 = tpu.memref_squeeze %dma_start3A_502 : memref<1x128xi32, #tpu.memory_space<vmem>> -> memref<128xi32, #tpu.memory_space<vmem>>
      %dma_start3A_504 = arith.constant 0 : i32
      %dma_start3A_505 = arith.constant 0 : i32
      %dma_start3A_506 = tpu.memref_slice %arg4[%dma_start3A_504, %dma_start3A_505] : memref<1000000x64xf32, #tpu.memory_space<hbm>> -> memref<1000000x64xf32, #tpu.memory_space<hbm>>
      tpu.enqueue_indirect_dma source(%dma_start3A_506 : memref<1000000x64xf32, #tpu.memory_space<hbm>>) target(%dma_start3A_500 : memref<128x64xf32, #tpu.memory_space<vmem>>) offsets(%dma_start3A_503 : memref<128xi32, #tpu.memory_space<vmem>>) semaphore(%arg17 : memref<!tpu.dma_semaphore, #tpu.memory_space<semaphore_mem>>)
      %dma_start3A_507 = arith.constant 0 : i32
      %dma_start3A_508 = arith.constant 0 : i32
      %dma_start3A_509 = arith.constant 128 : i32
      %dma_start3A_510 = arith.constant 0 : i32
      %dma_start3A_511 = tpu.memref_slice %arg13[%dma_start3A_508, %dma_start3A_509, %dma_start3A_510] : memref<4x200x64xf32, #tpu.memory_space<vmem>> -> memref<1x72x64xf32, #tpu.memory_space<vmem>>
      %dma_start3A_512 = tpu.memref_squeeze %dma_start3A_511 : memref<1x72x64xf32, #tpu.memory_space<vmem>> -> memref<72x64xf32, #tpu.memory_space<vmem>>
      %dma_start3A_513 = arith.constant 0 : i32
      %dma_start3A_514 = tpu.memref_slice %arg11[%dma_start3A_507, %dma_start3A_513] : memref<4x72xi32, #tpu.memory_space<vmem>> -> memref<1x72xi32, #tpu.memory_space<vmem>>
      %dma_start3A_515 = tpu.memref_squeeze %dma_start3A_514 : memref<1x72xi32, #tpu.memory_space<vmem>> -> memref<72xi32, #tpu.memory_space<vmem>>
      %dma_start3A_516 = arith.constant 0 : i32
      %dma_start3A_517 = arith.constant 0 : i32
      %dma_start3A_518 = tpu.memref_slice %arg4[%dma_start3A_516, %dma_start3A_517] : memref<1000000x64xf32, #tpu.memory_space<hbm>> -> memref<1000000x64xf32, #tpu.memory_space<hbm>>
      tpu.enqueue_indirect_dma source(%dma_start3A_518 : memref<1000000x64xf32, #tpu.memory_space<hbm>>) target(%dma_start3A_512 : memref<72x64xf32, #tpu.memory_space<vmem>>) offsets(%dma_start3A_515 : memref<72xi32, #tpu.memory_space<vmem>>) semaphore(%arg17 : memref<!tpu.dma_semaphore, #tpu.memory_space<semaphore_mem>>)
      %dma_start3A_519 = arith.constant 1 : i32
      %dma_start3A_520 = arith.constant 1 : i32
      %dma_start3A_521 = arith.constant 0 : i32
      %dma_start3A_522 = arith.constant 0 : i32
      %dma_start3A_523 = tpu.memref_slice %arg13[%dma_start3A_520, %dma_start3A_521, %dma_start3A_522] : memref<4x200x64xf32, #tpu.memory_space<vmem>> -> memref<1x128x64xf32, #tpu.memory_space<vmem>>
      %dma_start3A_524 = tpu.memref_squeeze %dma_start3A_523 : memref<1x128x64xf32, #tpu.memory_space<vmem>> -> memref<128x64xf32, #tpu.memory_space<vmem>>
      %dma_start3A_525 = arith.constant 0 : i32
      %dma_start3A_526 = tpu.memref_slice %arg10[%dma_start3A_519, %dma_start3A_525] : memref<4x128xi32, #tpu.memory_space<vmem>> -> memref<1x128xi32, #tpu.memory_space<vmem>>
      %dma_start3A_527 = tpu.memref_squeeze %dma_start3A_526 : memref<1x128xi32, #tpu.memory_space<vmem>> -> memref<128xi32, #tpu.memory_space<vmem>>
      %dma_start3A_528 = arith.constant 0 : i32
      %dma_start3A_529 = arith.constant 0 : i32
      %dma_start3A_530 = tpu.memref_slice %arg4[%dma_start3A_528, %dma_start3A_529] : memref<1000000x64xf32, #tpu.memory_space<hbm>> -> memref<1000000x64xf32, #tpu.memory_space<hbm>>
      tpu.enqueue_indirect_dma source(%dma_start3A_530 : memref<1000000x64xf32, #tpu.memory_space<hbm>>) target(%dma_start3A_524 : memref<128x64xf32, #tpu.memory_space<vmem>>) offsets(%dma_start3A_527 : memref<128xi32, #tpu.memory_space<vmem>>) semaphore(%arg17 : memref<!tpu.dma_semaphore, #tpu.memory_space<semaphore_mem>>)
      %dma_start3A_531 = arith.constant 1 : i32
      %dma_start3A_532 = arith.constant 1 : i32
      %dma_start3A_533 = arith.constant 128 : i32
      %dma_start3A_534 = arith.constant 0 : i32
      %dma_start3A_535 = tpu.memref_slice %arg13[%dma_start3A_532, %dma_start3A_533, %dma_start3A_534] : memref<4x200x64xf32, #tpu.memory_space<vmem>> -> memref<1x72x64xf32, #tpu.memory_space<vmem>>
      %dma_start3A_536 = tpu.memref_squeeze %dma_start3A_535 : memref<1x72x64xf32, #tpu.memory_space<vmem>> -> memref<72x64xf32, #tpu.memory_space<vmem>>
      %dma_start3A_537 = arith.constant 0 : i32
      %dma_start3A_538 = tpu.memref_slice %arg11[%dma_start3A_531, %dma_start3A_537] : memref<4x72xi32, #tpu.memory_space<vmem>> -> memref<1x72xi32, #tpu.memory_space<vmem>>
      %dma_start3A_539 = tpu.memref_squeeze %dma_start3A_538 : memref<1x72xi32, #tpu.memory_space<vmem>> -> memref<72xi32, #tpu.memory_space<vmem>>
      %dma_start3A_540 = arith.constant 0 : i32
      %dma_start3A_541 = arith.constant 0 : i32
      %dma_start3A_542 = tpu.memref_slice %arg4[%dma_start3A_540, %dma_start3A_541] : memref<1000000x64xf32, #tpu.memory_space<hbm>> -> memref<1000000x64xf32, #tpu.memory_space<hbm>>
      tpu.enqueue_indirect_dma source(%dma_start3A_542 : memref<1000000x64xf32, #tpu.memory_space<hbm>>) target(%dma_start3A_536 : memref<72x64xf32, #tpu.memory_space<vmem>>) offsets(%dma_start3A_539 : memref<72xi32, #tpu.memory_space<vmem>>) semaphore(%arg17 : memref<!tpu.dma_semaphore, #tpu.memory_space<semaphore_mem>>)
      %dma_start3A_543 = arith.constant 2 : i32
      %dma_start3A_544 = arith.constant 2 : i32
      %dma_start3A_545 = arith.constant 0 : i32
      %dma_start3A_546 = arith.constant 0 : i32
      %dma_start3A_547 = tpu.memref_slice %arg13[%dma_start3A_544, %dma_start3A_545, %dma_start3A_546] : memref<4x200x64xf32, #tpu.memory_space<vmem>> -> memref<1x128x64xf32, #tpu.memory_space<vmem>>
      %dma_start3A_548 = tpu.memref_squeeze %dma_start3A_547 : memref<1x128x64xf32, #tpu.memory_space<vmem>> -> memref<128x64xf32, #tpu.memory_space<vmem>>
      %dma_start3A_549 = arith.constant 0 : i32
      %dma_start3A_550 = tpu.memref_slice %arg10[%dma_start3A_543, %dma_start3A_549] : memref<4x128xi32, #tpu.memory_space<vmem>> -> memref<1x128xi32, #tpu.memory_space<vmem>>
      %dma_start3A_551 = tpu.memref_squeeze %dma_start3A_550 : memref<1x128xi32, #tpu.memory_space<vmem>> -> memref<128xi32, #tpu.memory_space<vmem>>
      %dma_start3A_552 = arith.constant 0 : i32
      %dma_start3A_553 = arith.constant 0 : i32
      %dma_start3A_554 = tpu.memref_slice %arg4[%dma_start3A_552, %dma_start3A_553] : memref<1000000x64xf32, #tpu.memory_space<hbm>> -> memref<1000000x64xf32, #tpu.memory_space<hbm>>
      tpu.enqueue_indirect_dma source(%dma_start3A_554 : memref<1000000x64xf32, #tpu.memory_space<hbm>>) target(%dma_start3A_548 : memref<128x64xf32, #tpu.memory_space<vmem>>) offsets(%dma_start3A_551 : memref<128xi32, #tpu.memory_space<vmem>>) semaphore(%arg17 : memref<!tpu.dma_semaphore, #tpu.memory_space<semaphore_mem>>)
      %dma_start3A_555 = arith.constant 2 : i32
      %dma_start3A_556 = arith.constant 2 : i32
      %dma_start3A_557 = arith.constant 128 : i32
      %dma_start3A_558 = arith.constant 0 : i32
      %dma_start3A_559 = tpu.memref_slice %arg13[%dma_start3A_556, %dma_start3A_557, %dma_start3A_558] : memref<4x200x64xf32, #tpu.memory_space<vmem>> -> memref<1x72x64xf32, #tpu.memory_space<vmem>>
      %dma_start3A_560 = tpu.memref_squeeze %dma_start3A_559 : memref<1x72x64xf32, #tpu.memory_space<vmem>> -> memref<72x64xf32, #tpu.memory_space<vmem>>
      %dma_start3A_561 = arith.constant 0 : i32
      %dma_start3A_562 = tpu.memref_slice %arg11[%dma_start3A_555, %dma_start3A_561] : memref<4x72xi32, #tpu.memory_space<vmem>> -> memref<1x72xi32, #tpu.memory_space<vmem>>
      %dma_start3A_563 = tpu.memref_squeeze %dma_start3A_562 : memref<1x72xi32, #tpu.memory_space<vmem>> -> memref<72xi32, #tpu.memory_space<vmem>>
      %dma_start3A_564 = arith.constant 0 : i32
      %dma_start3A_565 = arith.constant 0 : i32
      %dma_start3A_566 = tpu.memref_slice %arg4[%dma_start3A_564, %dma_start3A_565] : memref<1000000x64xf32, #tpu.memory_space<hbm>> -> memref<1000000x64xf32, #tpu.memory_space<hbm>>
      tpu.enqueue_indirect_dma source(%dma_start3A_566 : memref<1000000x64xf32, #tpu.memory_space<hbm>>) target(%dma_start3A_560 : memref<72x64xf32, #tpu.memory_space<vmem>>) offsets(%dma_start3A_563 : memref<72xi32, #tpu.memory_space<vmem>>) semaphore(%arg17 : memref<!tpu.dma_semaphore, #tpu.memory_space<semaphore_mem>>)
      %dma_start3A_567 = arith.constant 3 : i32
      %dma_start3A_568 = arith.constant 3 : i32
      %dma_start3A_569 = arith.constant 0 : i32
      %dma_start3A_570 = arith.constant 0 : i32
      %dma_start3A_571 = tpu.memref_slice %arg13[%dma_start3A_568, %dma_start3A_569, %dma_start3A_570] : memref<4x200x64xf32, #tpu.memory_space<vmem>> -> memref<1x128x64xf32, #tpu.memory_space<vmem>>
      %dma_start3A_572 = tpu.memref_squeeze %dma_start3A_571 : memref<1x128x64xf32, #tpu.memory_space<vmem>> -> memref<128x64xf32, #tpu.memory_space<vmem>>
      %dma_start3A_573 = arith.constant 0 : i32
      %dma_start3A_574 = tpu.memref_slice %arg10[%dma_start3A_567, %dma_start3A_573] : memref<4x128xi32, #tpu.memory_space<vmem>> -> memref<1x128xi32, #tpu.memory_space<vmem>>
      %dma_start3A_575 = tpu.memref_squeeze %dma_start3A_574 : memref<1x128xi32, #tpu.memory_space<vmem>> -> memref<128xi32, #tpu.memory_space<vmem>>
      %dma_start3A_576 = arith.constant 0 : i32
      %dma_start3A_577 = arith.constant 0 : i32
      %dma_start3A_578 = tpu.memref_slice %arg4[%dma_start3A_576, %dma_start3A_577] : memref<1000000x64xf32, #tpu.memory_space<hbm>> -> memref<1000000x64xf32, #tpu.memory_space<hbm>>
      tpu.enqueue_indirect_dma source(%dma_start3A_578 : memref<1000000x64xf32, #tpu.memory_space<hbm>>) target(%dma_start3A_572 : memref<128x64xf32, #tpu.memory_space<vmem>>) offsets(%dma_start3A_575 : memref<128xi32, #tpu.memory_space<vmem>>) semaphore(%arg17 : memref<!tpu.dma_semaphore, #tpu.memory_space<semaphore_mem>>)
      %dma_start3A_579 = arith.constant 3 : i32
      %dma_start3A_580 = arith.constant 3 : i32
      %dma_start3A_581 = arith.constant 128 : i32
      %dma_start3A_582 = arith.constant 0 : i32
      %dma_start3A_583 = tpu.memref_slice %arg13[%dma_start3A_580, %dma_start3A_581, %dma_start3A_582] : memref<4x200x64xf32, #tpu.memory_space<vmem>> -> memref<1x72x64xf32, #tpu.memory_space<vmem>>
      %dma_start3A_584 = tpu.memref_squeeze %dma_start3A_583 : memref<1x72x64xf32, #tpu.memory_space<vmem>> -> memref<72x64xf32, #tpu.memory_space<vmem>>
      %dma_start3A_585 = arith.constant 0 : i32
      %dma_start3A_586 = tpu.memref_slice %arg11[%dma_start3A_579, %dma_start3A_585] : memref<4x72xi32, #tpu.memory_space<vmem>> -> memref<1x72xi32, #tpu.memory_space<vmem>>
      %dma_start3A_587 = tpu.memref_squeeze %dma_start3A_586 : memref<1x72xi32, #tpu.memory_space<vmem>> -> memref<72xi32, #tpu.memory_space<vmem>>
      %dma_start3A_588 = arith.constant 0 : i32
      %dma_start3A_589 = arith.constant 0 : i32
      %dma_start3A_590 = tpu.memref_slice %arg4[%dma_start3A_588, %dma_start3A_589] : memref<1000000x64xf32, #tpu.memory_space<hbm>> -> memref<1000000x64xf32, #tpu.memory_space<hbm>>
      tpu.enqueue_indirect_dma source(%dma_start3A_590 : memref<1000000x64xf32, #tpu.memory_space<hbm>>) target(%dma_start3A_584 : memref<72x64xf32, #tpu.memory_space<vmem>>) offsets(%dma_start3A_587 : memref<72xi32, #tpu.memory_space<vmem>>) semaphore(%arg17 : memref<!tpu.dma_semaphore, #tpu.memory_space<semaphore_mem>>)
      %dma_wait3A_591 = arith.constant 0 : i32
      %dma_wait3A_592 = arith.constant 0 : i32
      %dma_wait3A_593 = arith.constant 0 : i32
      %dma_wait3A_594 = tpu.memref_slice %arg6[%dma_wait3A_591, %dma_wait3A_592, %dma_wait3A_593] : memref<4096x200x64xf32, #tpu.memory_space<hbm>> -> memref<4x200x64xf32, #tpu.memory_space<hbm>>
      %dma_wait3A_595 = arith.constant 0 : i32
      %dma_wait3A_596 = arith.constant 0 : i32
      %dma_wait3A_597 = arith.constant 0 : i32
      %dma_wait3A_598 = tpu.memref_slice %arg6[%dma_wait3A_595, %dma_wait3A_596, %dma_wait3A_597] : memref<4096x200x64xf32, #tpu.memory_space<hbm>> -> memref<4x200x64xf32, #tpu.memory_space<hbm>>
      tpu.wait_dma2 semaphore(%arg16 : memref<!tpu.dma_semaphore, #tpu.memory_space<semaphore_mem>>) src(%dma_wait3A_598 : memref<4x200x64xf32, #tpu.memory_space<hbm>>) dst(%arg12 : memref<4x200x64xf32, #tpu.memory_space<vmem>>)
      %add3A_599 = arith.constant 3 : i32
      %add3A_600 = arith.addi %add3A_321, %add3A_599 : i32
      %min3A = arith.constant 31 : i32
      %min3A_601 = arith.minsi %add3A_600, %min3A : i32
      %mul3A_602 = arith.constant 4 : i32
      %mul3A_603 = arith.muli %min3A_601, %mul3A_602 : i32
      %add3A_604 = arith.addi %mul3A_2, %mul3A_603 : i32
      %dma_start3A_605 = arith.constant 0 : i32
      %dma_start3A_606 = tpu.memref_slice %arg2[%add3A_604, %dma_start3A_605] : memref<4096x128xi32, #tpu.memory_space<hbm>> -> memref<4x128xi32, #tpu.memory_space<hbm>>
      %dma_start3A_607 = arith.constant 0 : i32
      %dma_start3A_608 = tpu.memref_slice %arg2[%add3A_604, %dma_start3A_607] : memref<4096x128xi32, #tpu.memory_space<hbm>> -> memref<4x128xi32, #tpu.memory_space<hbm>>
      tpu.enqueue_dma source(%dma_start3A_608 : memref<4x128xi32, #tpu.memory_space<hbm>>) target(%arg8 : memref<4x128xi32, #tpu.memory_space<vmem>>) target_semaphore(%arg14 : memref<!tpu.dma_semaphore, #tpu.memory_space<semaphore_mem>>)
      %dma_start3A_609 = arith.constant 0 : i32
      %dma_start3A_610 = tpu.memref_slice %arg3[%add3A_604, %dma_start3A_609] : memref<4096x72xi32, #tpu.memory_space<hbm>> -> memref<4x72xi32, #tpu.memory_space<hbm>>
      %dma_start3A_611 = arith.constant 0 : i32
      %dma_start3A_612 = tpu.memref_slice %arg3[%add3A_604, %dma_start3A_611] : memref<4096x72xi32, #tpu.memory_space<hbm>> -> memref<4x72xi32, #tpu.memory_space<hbm>>
      tpu.enqueue_dma source(%dma_start3A_612 : memref<4x72xi32, #tpu.memory_space<hbm>>) target(%arg9 : memref<4x72xi32, #tpu.memory_space<vmem>>) target_semaphore(%arg14 : memref<!tpu.dma_semaphore, #tpu.memory_space<semaphore_mem>>)
      %parallel_loop3A_613 = arith.constant 0 : i32
      %parallel_loop3A_614 = arith.constant 200 : i32
      %parallel_loop3A_615 = arith.constant 1 : i32
      scf.for %parallel_loop3A_627 = %parallel_loop3A_613 to %parallel_loop3A_614 step %parallel_loop3A_615  : i32 {
        %parallel_loop3A_628 = arith.index_cast %parallel_loop3A_627 : i32 to index
        %parallel_loop3A_629 = arith.constant 0 : index
        %parallel_loop3A_630 = tpu.vector_load %arg7[%parallel_loop3A_628, %parallel_loop3A_629] {strides = array<i32>} : memref<200x64xf32, #tpu.memory_space<vmem>>, vector<1x16xf32>,
        %parallel_loop3A_631 = vector.shape_cast %parallel_loop3A_630 : vector<1x16xf32> to vector<16xf32>
        %parallel_loop3A_632 = arith.constant 0 : i32
        %parallel_loop3A_633 = arith.index_cast %parallel_loop3A_632 : i32 to index
        %parallel_loop3A_634 = arith.index_cast %parallel_loop3A_627 : i32 to index
        %parallel_loop3A_635 = arith.constant 0 : index
        %parallel_loop3A_636 = tpu.vector_load %arg12[%parallel_loop3A_633, %parallel_loop3A_634, %parallel_loop3A_635] {strides = array<i32>} : memref<4x200x64xf32, #tpu.memory_space<vmem>>, vector<1x1x16xf32>,
        %parallel_loop3A_637 = vector.shape_cast %parallel_loop3A_636 : vector<1x1x16xf32> to vector<16xf32>
        %parallel_loop3A_638 = arith.addf %parallel_loop3A_637, %parallel_loop3A_631 : vector<16xf32>
        %parallel_loop3A_639 = arith.constant 0 : i32
        %parallel_loop3A_640 = arith.index_cast %parallel_loop3A_639 : i32 to index
        %parallel_loop3A_641 = arith.index_cast %parallel_loop3A_627 : i32 to index
        %parallel_loop3A_642 = arith.constant 0 : index
        %parallel_loop3A_643 = tpu.vector_load %arg12[%parallel_loop3A_640, %parallel_loop3A_641, %parallel_loop3A_642] {strides = array<i32>} : memref<4x200x64xf32, #tpu.memory_space<vmem>>, vector<1x1x16xf32>,
        %parallel_loop3A_644 = vector.shape_cast %parallel_loop3A_643 : vector<1x1x16xf32> to vector<16xf32>
        %parallel_loop3A_645 = vector.shape_cast %parallel_loop3A_638 : vector<16xf32> to vector<1x1x16xf32>
        tpu.vector_store %arg12[%parallel_loop3A_640, %parallel_loop3A_641, %parallel_loop3A_642], %parallel_loop3A_645 {strides = array<i32>} : memref<4x200x64xf32, #tpu.memory_space<vmem>>, vector<1x1x16xf32>,
        %parallel_loop3A_646 = arith.constant 1 : i32
        %parallel_loop3A_647 = arith.index_cast %parallel_loop3A_646 : i32 to index
        %parallel_loop3A_648 = arith.index_cast %parallel_loop3A_627 : i32 to index
        %parallel_loop3A_649 = arith.constant 0 : index
        %parallel_loop3A_650 = tpu.vector_load %arg12[%parallel_loop3A_647, %parallel_loop3A_648, %parallel_loop3A_649] {strides = array<i32>} : memref<4x200x64xf32, #tpu.memory_space<vmem>>, vector<1x1x16xf32>,
        %parallel_loop3A_651 = vector.shape_cast %parallel_loop3A_650 : vector<1x1x16xf32> to vector<16xf32>
        %parallel_loop3A_652 = arith.addf %parallel_loop3A_651, %parallel_loop3A_631 : vector<16xf32>
        %parallel_loop3A_653 = arith.constant 1 : i32
        %parallel_loop3A_654 = arith.index_cast %parallel_loop3A_653 : i32 to index
        %parallel_loop3A_655 = arith.index_cast %parallel_loop3A_627 : i32 to index
        %parallel_loop3A_656 = arith.constant 0 : index
        %parallel_loop3A_657 = tpu.vector_load %arg12[%parallel_loop3A_654, %parallel_loop3A_655, %parallel_loop3A_656] {strides = array<i32>} : memref<4x200x64xf32, #tpu.memory_space<vmem>>, vector<1x1x16xf32>,
        %parallel_loop3A_658 = vector.shape_cast %parallel_loop3A_657 : vector<1x1x16xf32> to vector<16xf32>
        %parallel_loop3A_659 = vector.shape_cast %parallel_loop3A_652 : vector<16xf32> to vector<1x1x16xf32>
        tpu.vector_store %arg12[%parallel_loop3A_654, %parallel_loop3A_655, %parallel_loop3A_656], %parallel_loop3A_659 {strides = array<i32>} : memref<4x200x64xf32, #tpu.memory_space<vmem>>, vector<1x1x16xf32>,
        %parallel_loop3A_660 = arith.constant 2 : i32
        %parallel_loop3A_661 = arith.index_cast %parallel_loop3A_660 : i32 to index
        %parallel_loop3A_662 = arith.index_cast %parallel_loop3A_627 : i32 to index
        %parallel_loop3A_663 = arith.constant 0 : index
        %parallel_loop3A_664 = tpu.vector_load %arg12[%parallel_loop3A_661, %parallel_loop3A_662, %parallel_loop3A_663] {strides = array<i32>} : memref<4x200x64xf32, #tpu.memory_space<vmem>>, vector<1x1x16xf32>,
        %parallel_loop3A_665 = vector.shape_cast %parallel_loop3A_664 : vector<1x1x16xf32> to vector<16xf32>
        %parallel_loop3A_666 = arith.addf %parallel_loop3A_665, %parallel_loop3A_631 : vector<16xf32>
        %parallel_loop3A_667 = arith.constant 2 : i32
        %parallel_loop3A_668 = arith.index_cast %parallel_loop3A_667 : i32 to index
        %parallel_loop3A_669 = arith.index_cast %parallel_loop3A_627 : i32 to index
        %parallel_loop3A_670 = arith.constant 0 : index
        %parallel_loop3A_671 = tpu.vector_load %arg12[%parallel_loop3A_668, %parallel_loop3A_669, %parallel_loop3A_670] {strides = array<i32>} : memref<4x200x64xf32, #tpu.memory_space<vmem>>, vector<1x1x16xf32>,
        %parallel_loop3A_672 = vector.shape_cast %parallel_loop3A_671 : vector<1x1x16xf32> to vector<16xf32>
        %parallel_loop3A_673 = vector.shape_cast %parallel_loop3A_666 : vector<16xf32> to vector<1x1x16xf32>
        tpu.vector_store %arg12[%parallel_loop3A_668, %parallel_loop3A_669, %parallel_loop3A_670], %parallel_loop3A_673 {strides = array<i32>} : memref<4x200x64xf32, #tpu.memory_space<vmem>>, vector<1x1x16xf32>,
        %parallel_loop3A_674 = arith.constant 3 : i32
        %parallel_loop3A_675 = arith.index_cast %parallel_loop3A_674 : i32 to index
        %parallel_loop3A_676 = arith.index_cast %parallel_loop3A_627 : i32 to index
        %parallel_loop3A_677 = arith.constant 0 : index
        %parallel_loop3A_678 = tpu.vector_load %arg12[%parallel_loop3A_675, %parallel_loop3A_676, %parallel_loop3A_677] {strides = array<i32>} : memref<4x200x64xf32, #tpu.memory_space<vmem>>, vector<1x1x16xf32>,
        %parallel_loop3A_679 = vector.shape_cast %parallel_loop3A_678 : vector<1x1x16xf32> to vector<16xf32>
        %parallel_loop3A_680 = arith.addf %parallel_loop3A_679, %parallel_loop3A_631 : vector<16xf32>
        %parallel_loop3A_681 = arith.constant 3 : i32
        %parallel_loop3A_682 = arith.index_cast %parallel_loop3A_681 : i32 to index
        %parallel_loop3A_683 = arith.index_cast %parallel_loop3A_627 : i32 to index
        %parallel_loop3A_684 = arith.constant 0 : index
        %parallel_loop3A_685 = tpu.vector_load %arg12[%parallel_loop3A_682, %parallel_loop3A_683, %parallel_loop3A_684] {strides = array<i32>} : memref<4x200x64xf32, #tpu.memory_space<vmem>>, vector<1x1x16xf32>,
        %parallel_loop3A_686 = vector.shape_cast %parallel_loop3A_685 : vector<1x1x16xf32> to vector<16xf32>
        %parallel_loop3A_687 = vector.shape_cast %parallel_loop3A_680 : vector<16xf32> to vector<1x1x16xf32>
        tpu.vector_store %arg12[%parallel_loop3A_682, %parallel_loop3A_683, %parallel_loop3A_684], %parallel_loop3A_687 {strides = array<i32>} : memref<4x200x64xf32, #tpu.memory_space<vmem>>, vector<1x1x16xf32>,
        %parallel_loop3A_688 = arith.index_cast %parallel_loop3A_627 : i32 to index
        %parallel_loop3A_689 = arith.constant 16 : index
        %parallel_loop3A_690 = tpu.vector_load %arg7[%parallel_loop3A_688, %parallel_loop3A_689] {strides = array<i32>} : memref<200x64xf32, #tpu.memory_space<vmem>>, vector<1x16xf32>,
        %parallel_loop3A_691 = vector.shape_cast %parallel_loop3A_690 : vector<1x16xf32> to vector<16xf32>
        %parallel_loop3A_692 = arith.constant 0 : i32
        %parallel_loop3A_693 = arith.index_cast %parallel_loop3A_692 : i32 to index
        %parallel_loop3A_694 = arith.index_cast %parallel_loop3A_627 : i32 to index
        %parallel_loop3A_695 = arith.constant 16 : index
        %parallel_loop3A_696 = tpu.vector_load %arg12[%parallel_loop3A_693, %parallel_loop3A_694, %parallel_loop3A_695] {strides = array<i32>} : memref<4x200x64xf32, #tpu.memory_space<vmem>>, vector<1x1x16xf32>,
        %parallel_loop3A_697 = vector.shape_cast %parallel_loop3A_696 : vector<1x1x16xf32> to vector<16xf32>
        %parallel_loop3A_698 = arith.addf %parallel_loop3A_697, %parallel_loop3A_691 : vector<16xf32>
        %parallel_loop3A_699 = arith.constant 0 : i32
        %parallel_loop3A_700 = arith.index_cast %parallel_loop3A_699 : i32 to index
        %parallel_loop3A_701 = arith.index_cast %parallel_loop3A_627 : i32 to index
        %parallel_loop3A_702 = arith.constant 16 : index
        %parallel_loop3A_703 = tpu.vector_load %arg12[%parallel_loop3A_700, %parallel_loop3A_701, %parallel_loop3A_702] {strides = array<i32>} : memref<4x200x64xf32, #tpu.memory_space<vmem>>, vector<1x1x16xf32>,
        %parallel_loop3A_704 = vector.shape_cast %parallel_loop3A_703 : vector<1x1x16xf32> to vector<16xf32>
        %parallel_loop3A_705 = vector.shape_cast %parallel_loop3A_698 : vector<16xf32> to vector<1x1x16xf32>
        tpu.vector_store %arg12[%parallel_loop3A_700, %parallel_loop3A_701, %parallel_loop3A_702], %parallel_loop3A_705 {strides = array<i32>} : memref<4x200x64xf32, #tpu.memory_space<vmem>>, vector<1x1x16xf32>,
        %parallel_loop3A_706 = arith.constant 1 : i32
        %parallel_loop3A_707 = arith.index_cast %parallel_loop3A_706 : i32 to index
        %parallel_loop3A_708 = arith.index_cast %parallel_loop3A_627 : i32 to index
        %parallel_loop3A_709 = arith.constant 16 : index
        %parallel_loop3A_710 = tpu.vector_load %arg12[%parallel_loop3A_707, %parallel_loop3A_708, %parallel_loop3A_709] {strides = array<i32>} : memref<4x200x64xf32, #tpu.memory_space<vmem>>, vector<1x1x16xf32>,
        %parallel_loop3A_711 = vector.shape_cast %parallel_loop3A_710 : vector<1x1x16xf32> to vector<16xf32>
        %parallel_loop3A_712 = arith.addf %parallel_loop3A_711, %parallel_loop3A_691 : vector<16xf32>
        %parallel_loop3A_713 = arith.constant 1 : i32
        %parallel_loop3A_714 = arith.index_cast %parallel_loop3A_713 : i32 to index
        %parallel_loop3A_715 = arith.index_cast %parallel_loop3A_627 : i32 to index
        %parallel_loop3A_716 = arith.constant 16 : index
        %parallel_loop3A_717 = tpu.vector_load %arg12[%parallel_loop3A_714, %parallel_loop3A_715, %parallel_loop3A_716] {strides = array<i32>} : memref<4x200x64xf32, #tpu.memory_space<vmem>>, vector<1x1x16xf32>,
        %parallel_loop3A_718 = vector.shape_cast %parallel_loop3A_717 : vector<1x1x16xf32> to vector<16xf32>
        %parallel_loop3A_719 = vector.shape_cast %parallel_loop3A_712 : vector<16xf32> to vector<1x1x16xf32>
        tpu.vector_store %arg12[%parallel_loop3A_714, %parallel_loop3A_715, %parallel_loop3A_716], %parallel_loop3A_719 {strides = array<i32>} : memref<4x200x64xf32, #tpu.memory_space<vmem>>, vector<1x1x16xf32>,
        %parallel_loop3A_720 = arith.constant 2 : i32
        %parallel_loop3A_721 = arith.index_cast %parallel_loop3A_720 : i32 to index
        %parallel_loop3A_722 = arith.index_cast %parallel_loop3A_627 : i32 to index
        %parallel_loop3A_723 = arith.constant 16 : index
        %parallel_loop3A_724 = tpu.vector_load %arg12[%parallel_loop3A_721, %parallel_loop3A_722, %parallel_loop3A_723] {strides = array<i32>} : memref<4x200x64xf32, #tpu.memory_space<vmem>>, vector<1x1x16xf32>,
        %parallel_loop3A_725 = vector.shape_cast %parallel_loop3A_724 : vector<1x1x16xf32> to vector<16xf32>
        %parallel_loop3A_726 = arith.addf %parallel_loop3A_725, %parallel_loop3A_691 : vector<16xf32>
        %parallel_loop3A_727 = arith.constant 2 : i32
        %parallel_loop3A_728 = arith.index_cast %parallel_loop3A_727 : i32 to index
        %parallel_loop3A_729 = arith.index_cast %parallel_loop3A_627 : i32 to index
        %parallel_loop3A_730 = arith.constant 16 : index
        %parallel_loop3A_731 = tpu.vector_load %arg12[%parallel_loop3A_728, %parallel_loop3A_729, %parallel_loop3A_730] {strides = array<i32>} : memref<4x200x64xf32, #tpu.memory_space<vmem>>, vector<1x1x16xf32>,
        %parallel_loop3A_732 = vector.shape_cast %parallel_loop3A_731 : vector<1x1x16xf32> to vector<16xf32>
        %parallel_loop3A_733 = vector.shape_cast %parallel_loop3A_726 : vector<16xf32> to vector<1x1x16xf32>
        tpu.vector_store %arg12[%parallel_loop3A_728, %parallel_loop3A_729, %parallel_loop3A_730], %parallel_loop3A_733 {strides = array<i32>} : memref<4x200x64xf32, #tpu.memory_space<vmem>>, vector<1x1x16xf32>,
        %parallel_loop3A_734 = arith.constant 3 : i32
        %parallel_loop3A_735 = arith.index_cast %parallel_loop3A_734 : i32 to index
        %parallel_loop3A_736 = arith.index_cast %parallel_loop3A_627 : i32 to index
        %parallel_loop3A_737 = arith.constant 16 : index
        %parallel_loop3A_738 = tpu.vector_load %arg12[%parallel_loop3A_735, %parallel_loop3A_736, %parallel_loop3A_737] {strides = array<i32>} : memref<4x200x64xf32, #tpu.memory_space<vmem>>, vector<1x1x16xf32>,
        %parallel_loop3A_739 = vector.shape_cast %parallel_loop3A_738 : vector<1x1x16xf32> to vector<16xf32>
        %parallel_loop3A_740 = arith.addf %parallel_loop3A_739, %parallel_loop3A_691 : vector<16xf32>
        %parallel_loop3A_741 = arith.constant 3 : i32
        %parallel_loop3A_742 = arith.index_cast %parallel_loop3A_741 : i32 to index
        %parallel_loop3A_743 = arith.index_cast %parallel_loop3A_627 : i32 to index
        %parallel_loop3A_744 = arith.constant 16 : index
        %parallel_loop3A_745 = tpu.vector_load %arg12[%parallel_loop3A_742, %parallel_loop3A_743, %parallel_loop3A_744] {strides = array<i32>} : memref<4x200x64xf32, #tpu.memory_space<vmem>>, vector<1x1x16xf32>,
        %parallel_loop3A_746 = vector.shape_cast %parallel_loop3A_745 : vector<1x1x16xf32> to vector<16xf32>
        %parallel_loop3A_747 = vector.shape_cast %parallel_loop3A_740 : vector<16xf32> to vector<1x1x16xf32>
        tpu.vector_store %arg12[%parallel_loop3A_742, %parallel_loop3A_743, %parallel_loop3A_744], %parallel_loop3A_747 {strides = array<i32>} : memref<4x200x64xf32, #tpu.memory_space<vmem>>, vector<1x1x16xf32>,
        %parallel_loop3A_748 = arith.index_cast %parallel_loop3A_627 : i32 to index
        %parallel_loop3A_749 = arith.constant 32 : index
        %parallel_loop3A_750 = tpu.vector_load %arg7[%parallel_loop3A_748, %parallel_loop3A_749] {strides = array<i32>} : memref<200x64xf32, #tpu.memory_space<vmem>>, vector<1x16xf32>,
        %parallel_loop3A_751 = vector.shape_cast %parallel_loop3A_750 : vector<1x16xf32> to vector<16xf32>
        %parallel_loop3A_752 = arith.constant 0 : i32
        %parallel_loop3A_753 = arith.index_cast %parallel_loop3A_752 : i32 to index
        %parallel_loop3A_754 = arith.index_cast %parallel_loop3A_627 : i32 to index
        %parallel_loop3A_755 = arith.constant 32 : index
        %parallel_loop3A_756 = tpu.vector_load %arg12[%parallel_loop3A_753, %parallel_loop3A_754, %parallel_loop3A_755] {strides = array<i32>} : memref<4x200x64xf32, #tpu.memory_space<vmem>>, vector<1x1x16xf32>,
        %parallel_loop3A_757 = vector.shape_cast %parallel_loop3A_756 : vector<1x1x16xf32> to vector<16xf32>
        %parallel_loop3A_758 = arith.addf %parallel_loop3A_757, %parallel_loop3A_751 : vector<16xf32>
        %parallel_loop3A_759 = arith.constant 0 : i32
        %parallel_loop3A_760 = arith.index_cast %parallel_loop3A_759 : i32 to index
        %parallel_loop3A_761 = arith.index_cast %parallel_loop3A_627 : i32 to index
        %parallel_loop3A_762 = arith.constant 32 : index
        %parallel_loop3A_763 = tpu.vector_load %arg12[%parallel_loop3A_760, %parallel_loop3A_761, %parallel_loop3A_762] {strides = array<i32>} : memref<4x200x64xf32, #tpu.memory_space<vmem>>, vector<1x1x16xf32>,
        %parallel_loop3A_764 = vector.shape_cast %parallel_loop3A_763 : vector<1x1x16xf32> to vector<16xf32>
        %parallel_loop3A_765 = vector.shape_cast %parallel_loop3A_758 : vector<16xf32> to vector<1x1x16xf32>
        tpu.vector_store %arg12[%parallel_loop3A_760, %parallel_loop3A_761, %parallel_loop3A_762], %parallel_loop3A_765 {strides = array<i32>} : memref<4x200x64xf32, #tpu.memory_space<vmem>>, vector<1x1x16xf32>,
        %parallel_loop3A_766 = arith.constant 1 : i32
        %parallel_loop3A_767 = arith.index_cast %parallel_loop3A_766 : i32 to index
        %parallel_loop3A_768 = arith.index_cast %parallel_loop3A_627 : i32 to index
        %parallel_loop3A_769 = arith.constant 32 : index
        %parallel_loop3A_770 = tpu.vector_load %arg12[%parallel_loop3A_767, %parallel_loop3A_768, %parallel_loop3A_769] {strides = array<i32>} : memref<4x200x64xf32, #tpu.memory_space<vmem>>, vector<1x1x16xf32>,
        %parallel_loop3A_771 = vector.shape_cast %parallel_loop3A_770 : vector<1x1x16xf32> to vector<16xf32>
        %parallel_loop3A_772 = arith.addf %parallel_loop3A_771, %parallel_loop3A_751 : vector<16xf32>
        %parallel_loop3A_773 = arith.constant 1 : i32
        %parallel_loop3A_774 = arith.index_cast %parallel_loop3A_773 : i32 to index
        %parallel_loop3A_775 = arith.index_cast %parallel_loop3A_627 : i32 to index
        %parallel_loop3A_776 = arith.constant 32 : index
        %parallel_loop3A_777 = tpu.vector_load %arg12[%parallel_loop3A_774, %parallel_loop3A_775, %parallel_loop3A_776] {strides = array<i32>} : memref<4x200x64xf32, #tpu.memory_space<vmem>>, vector<1x1x16xf32>,
        %parallel_loop3A_778 = vector.shape_cast %parallel_loop3A_777 : vector<1x1x16xf32> to vector<16xf32>
        %parallel_loop3A_779 = vector.shape_cast %parallel_loop3A_772 : vector<16xf32> to vector<1x1x16xf32>
        tpu.vector_store %arg12[%parallel_loop3A_774, %parallel_loop3A_775, %parallel_loop3A_776], %parallel_loop3A_779 {strides = array<i32>} : memref<4x200x64xf32, #tpu.memory_space<vmem>>, vector<1x1x16xf32>,
        %parallel_loop3A_780 = arith.constant 2 : i32
        %parallel_loop3A_781 = arith.index_cast %parallel_loop3A_780 : i32 to index
        %parallel_loop3A_782 = arith.index_cast %parallel_loop3A_627 : i32 to index
        %parallel_loop3A_783 = arith.constant 32 : index
        %parallel_loop3A_784 = tpu.vector_load %arg12[%parallel_loop3A_781, %parallel_loop3A_782, %parallel_loop3A_783] {strides = array<i32>} : memref<4x200x64xf32, #tpu.memory_space<vmem>>, vector<1x1x16xf32>,
        %parallel_loop3A_785 = vector.shape_cast %parallel_loop3A_784 : vector<1x1x16xf32> to vector<16xf32>
        %parallel_loop3A_786 = arith.addf %parallel_loop3A_785, %parallel_loop3A_751 : vector<16xf32>
        %parallel_loop3A_787 = arith.constant 2 : i32
        %parallel_loop3A_788 = arith.index_cast %parallel_loop3A_787 : i32 to index
        %parallel_loop3A_789 = arith.index_cast %parallel_loop3A_627 : i32 to index
        %parallel_loop3A_790 = arith.constant 32 : index
        %parallel_loop3A_791 = tpu.vector_load %arg12[%parallel_loop3A_788, %parallel_loop3A_789, %parallel_loop3A_790] {strides = array<i32>} : memref<4x200x64xf32, #tpu.memory_space<vmem>>, vector<1x1x16xf32>,
        %parallel_loop3A_792 = vector.shape_cast %parallel_loop3A_791 : vector<1x1x16xf32> to vector<16xf32>
        %parallel_loop3A_793 = vector.shape_cast %parallel_loop3A_786 : vector<16xf32> to vector<1x1x16xf32>
        tpu.vector_store %arg12[%parallel_loop3A_788, %parallel_loop3A_789, %parallel_loop3A_790], %parallel_loop3A_793 {strides = array<i32>} : memref<4x200x64xf32, #tpu.memory_space<vmem>>, vector<1x1x16xf32>,
        %parallel_loop3A_794 = arith.constant 3 : i32
        %parallel_loop3A_795 = arith.index_cast %parallel_loop3A_794 : i32 to index
        %parallel_loop3A_796 = arith.index_cast %parallel_loop3A_627 : i32 to index
        %parallel_loop3A_797 = arith.constant 32 : index
        %parallel_loop3A_798 = tpu.vector_load %arg12[%parallel_loop3A_795, %parallel_loop3A_796, %parallel_loop3A_797] {strides = array<i32>} : memref<4x200x64xf32, #tpu.memory_space<vmem>>, vector<1x1x16xf32>,
        %parallel_loop3A_799 = vector.shape_cast %parallel_loop3A_798 : vector<1x1x16xf32> to vector<16xf32>
        %parallel_loop3A_800 = arith.addf %parallel_loop3A_799, %parallel_loop3A_751 : vector<16xf32>
        %parallel_loop3A_801 = arith.constant 3 : i32
        %parallel_loop3A_802 = arith.index_cast %parallel_loop3A_801 : i32 to index
        %parallel_loop3A_803 = arith.index_cast %parallel_loop3A_627 : i32 to index
        %parallel_loop3A_804 = arith.constant 32 : index
        %parallel_loop3A_805 = tpu.vector_load %arg12[%parallel_loop3A_802, %parallel_loop3A_803, %parallel_loop3A_804] {strides = array<i32>} : memref<4x200x64xf32, #tpu.memory_space<vmem>>, vector<1x1x16xf32>,
        %parallel_loop3A_806 = vector.shape_cast %parallel_loop3A_805 : vector<1x1x16xf32> to vector<16xf32>
        %parallel_loop3A_807 = vector.shape_cast %parallel_loop3A_800 : vector<16xf32> to vector<1x1x16xf32>
        tpu.vector_store %arg12[%parallel_loop3A_802, %parallel_loop3A_803, %parallel_loop3A_804], %parallel_loop3A_807 {strides = array<i32>} : memref<4x200x64xf32, #tpu.memory_space<vmem>>, vector<1x1x16xf32>,
        %parallel_loop3A_808 = arith.index_cast %parallel_loop3A_627 : i32 to index
        %parallel_loop3A_809 = arith.constant 48 : index
        %parallel_loop3A_810 = tpu.vector_load %arg7[%parallel_loop3A_808, %parallel_loop3A_809] {strides = array<i32>} : memref<200x64xf32, #tpu.memory_space<vmem>>, vector<1x16xf32>,
        %parallel_loop3A_811 = vector.shape_cast %parallel_loop3A_810 : vector<1x16xf32> to vector<16xf32>
        %parallel_loop3A_812 = arith.constant 0 : i32
        %parallel_loop3A_813 = arith.index_cast %parallel_loop3A_812 : i32 to index
        %parallel_loop3A_814 = arith.index_cast %parallel_loop3A_627 : i32 to index
        %parallel_loop3A_815 = arith.constant 48 : index
        %parallel_loop3A_816 = tpu.vector_load %arg12[%parallel_loop3A_813, %parallel_loop3A_814, %parallel_loop3A_815] {strides = array<i32>} : memref<4x200x64xf32, #tpu.memory_space<vmem>>, vector<1x1x16xf32>,
        %parallel_loop3A_817 = vector.shape_cast %parallel_loop3A_816 : vector<1x1x16xf32> to vector<16xf32>
        %parallel_loop3A_818 = arith.addf %parallel_loop3A_817, %parallel_loop3A_811 : vector<16xf32>
        %parallel_loop3A_819 = arith.constant 0 : i32
        %parallel_loop3A_820 = arith.index_cast %parallel_loop3A_819 : i32 to index
        %parallel_loop3A_821 = arith.index_cast %parallel_loop3A_627 : i32 to index
        %parallel_loop3A_822 = arith.constant 48 : index
        %parallel_loop3A_823 = tpu.vector_load %arg12[%parallel_loop3A_820, %parallel_loop3A_821, %parallel_loop3A_822] {strides = array<i32>} : memref<4x200x64xf32, #tpu.memory_space<vmem>>, vector<1x1x16xf32>,
        %parallel_loop3A_824 = vector.shape_cast %parallel_loop3A_823 : vector<1x1x16xf32> to vector<16xf32>
        %parallel_loop3A_825 = vector.shape_cast %parallel_loop3A_818 : vector<16xf32> to vector<1x1x16xf32>
        tpu.vector_store %arg12[%parallel_loop3A_820, %parallel_loop3A_821, %parallel_loop3A_822], %parallel_loop3A_825 {strides = array<i32>} : memref<4x200x64xf32, #tpu.memory_space<vmem>>, vector<1x1x16xf32>,
        %parallel_loop3A_826 = arith.constant 1 : i32
        %parallel_loop3A_827 = arith.index_cast %parallel_loop3A_826 : i32 to index
        %parallel_loop3A_828 = arith.index_cast %parallel_loop3A_627 : i32 to index
        %parallel_loop3A_829 = arith.constant 48 : index
        %parallel_loop3A_830 = tpu.vector_load %arg12[%parallel_loop3A_827, %parallel_loop3A_828, %parallel_loop3A_829] {strides = array<i32>} : memref<4x200x64xf32, #tpu.memory_space<vmem>>, vector<1x1x16xf32>,
        %parallel_loop3A_831 = vector.shape_cast %parallel_loop3A_830 : vector<1x1x16xf32> to vector<16xf32>
        %parallel_loop3A_832 = arith.addf %parallel_loop3A_831, %parallel_loop3A_811 : vector<16xf32>
        %parallel_loop3A_833 = arith.constant 1 : i32
        %parallel_loop3A_834 = arith.index_cast %parallel_loop3A_833 : i32 to index
        %parallel_loop3A_835 = arith.index_cast %parallel_loop3A_627 : i32 to index
        %parallel_loop3A_836 = arith.constant 48 : index
        %parallel_loop3A_837 = tpu.vector_load %arg12[%parallel_loop3A_834, %parallel_loop3A_835, %parallel_loop3A_836] {strides = array<i32>} : memref<4x200x64xf32, #tpu.memory_space<vmem>>, vector<1x1x16xf32>,
        %parallel_loop3A_838 = vector.shape_cast %parallel_loop3A_837 : vector<1x1x16xf32> to vector<16xf32>
        %parallel_loop3A_839 = vector.shape_cast %parallel_loop3A_832 : vector<16xf32> to vector<1x1x16xf32>
        tpu.vector_store %arg12[%parallel_loop3A_834, %parallel_loop3A_835, %parallel_loop3A_836], %parallel_loop3A_839 {strides = array<i32>} : memref<4x200x64xf32, #tpu.memory_space<vmem>>, vector<1x1x16xf32>,
        %parallel_loop3A_840 = arith.constant 2 : i32
        %parallel_loop3A_841 = arith.index_cast %parallel_loop3A_840 : i32 to index
        %parallel_loop3A_842 = arith.index_cast %parallel_loop3A_627 : i32 to index
        %parallel_loop3A_843 = arith.constant 48 : index
        %parallel_loop3A_844 = tpu.vector_load %arg12[%parallel_loop3A_841, %parallel_loop3A_842, %parallel_loop3A_843] {strides = array<i32>} : memref<4x200x64xf32, #tpu.memory_space<vmem>>, vector<1x1x16xf32>,
        %parallel_loop3A_845 = vector.shape_cast %parallel_loop3A_844 : vector<1x1x16xf32> to vector<16xf32>
        %parallel_loop3A_846 = arith.addf %parallel_loop3A_845, %parallel_loop3A_811 : vector<16xf32>
        %parallel_loop3A_847 = arith.constant 2 : i32
        %parallel_loop3A_848 = arith.index_cast %parallel_loop3A_847 : i32 to index
        %parallel_loop3A_849 = arith.index_cast %parallel_loop3A_627 : i32 to index
        %parallel_loop3A_850 = arith.constant 48 : index
        %parallel_loop3A_851 = tpu.vector_load %arg12[%parallel_loop3A_848, %parallel_loop3A_849, %parallel_loop3A_850] {strides = array<i32>} : memref<4x200x64xf32, #tpu.memory_space<vmem>>, vector<1x1x16xf32>,
        %parallel_loop3A_852 = vector.shape_cast %parallel_loop3A_851 : vector<1x1x16xf32> to vector<16xf32>
        %parallel_loop3A_853 = vector.shape_cast %parallel_loop3A_846 : vector<16xf32> to vector<1x1x16xf32>
        tpu.vector_store %arg12[%parallel_loop3A_848, %parallel_loop3A_849, %parallel_loop3A_850], %parallel_loop3A_853 {strides = array<i32>} : memref<4x200x64xf32, #tpu.memory_space<vmem>>, vector<1x1x16xf32>,
        %parallel_loop3A_854 = arith.constant 3 : i32
        %parallel_loop3A_855 = arith.index_cast %parallel_loop3A_854 : i32 to index
        %parallel_loop3A_856 = arith.index_cast %parallel_loop3A_627 : i32 to index
        %parallel_loop3A_857 = arith.constant 48 : index
        %parallel_loop3A_858 = tpu.vector_load %arg12[%parallel_loop3A_855, %parallel_loop3A_856, %parallel_loop3A_857] {strides = array<i32>} : memref<4x200x64xf32, #tpu.memory_space<vmem>>, vector<1x1x16xf32>,
        %parallel_loop3A_859 = vector.shape_cast %parallel_loop3A_858 : vector<1x1x16xf32> to vector<16xf32>
        %parallel_loop3A_860 = arith.addf %parallel_loop3A_859, %parallel_loop3A_811 : vector<16xf32>
        %parallel_loop3A_861 = arith.constant 3 : i32
        %parallel_loop3A_862 = arith.index_cast %parallel_loop3A_861 : i32 to index
        %parallel_loop3A_863 = arith.index_cast %parallel_loop3A_627 : i32 to index
        %parallel_loop3A_864 = arith.constant 48 : index
        %parallel_loop3A_865 = tpu.vector_load %arg12[%parallel_loop3A_862, %parallel_loop3A_863, %parallel_loop3A_864] {strides = array<i32>} : memref<4x200x64xf32, #tpu.memory_space<vmem>>, vector<1x1x16xf32>,
        %parallel_loop3A_866 = vector.shape_cast %parallel_loop3A_865 : vector<1x1x16xf32> to vector<16xf32>
        %parallel_loop3A_867 = vector.shape_cast %parallel_loop3A_860 : vector<16xf32> to vector<1x1x16xf32>
        tpu.vector_store %arg12[%parallel_loop3A_862, %parallel_loop3A_863, %parallel_loop3A_864], %parallel_loop3A_867 {strides = array<i32>} : memref<4x200x64xf32, #tpu.memory_space<vmem>>, vector<1x1x16xf32>,
      } {sc.loop_unroll_factor = 2 : i64, sc.parallel_access}
      %add3A_616 = arith.constant 1 : i32
      %add3A_617 = arith.addi %add3A_321, %add3A_616 : i32
      %mul3A_618 = arith.constant 4 : i32
      %mul3A_619 = arith.muli %add3A_617, %mul3A_618 : i32
      %add3A_620 = arith.addi %mul3A_2, %mul3A_619 : i32
      %dma_start3A_621 = arith.constant 0 : i32
      %dma_start3A_622 = arith.constant 0 : i32
      %dma_start3A_623 = tpu.memref_slice %arg6[%add3A_620, %dma_start3A_621, %dma_start3A_622] : memref<4096x200x64xf32, #tpu.memory_space<hbm>> -> memref<4x200x64xf32, #tpu.memory_space<hbm>>
      %dma_start3A_624 = arith.constant 0 : i32
      %dma_start3A_625 = arith.constant 0 : i32
      %dma_start3A_626 = tpu.memref_slice %arg6[%add3A_620, %dma_start3A_624, %dma_start3A_625] : memref<4096x200x64xf32, #tpu.memory_space<hbm>> -> memref<4x200x64xf32, #tpu.memory_space<hbm>>
      tpu.enqueue_dma source(%arg12 : memref<4x200x64xf32, #tpu.memory_space<vmem>>) target(%dma_start3A_626 : memref<4x200x64xf32, #tpu.memory_space<hbm>>) target_semaphore(%arg18 : memref<!tpu.dma_semaphore, #tpu.memory_space<semaphore_mem>>)
    }
    %scan3A_269 = arith.constant 15 : i32
    %dma_wait3A_270 = arith.constant 0 : i32
    %dma_wait3A_271 = arith.constant 0 : i32
    %dma_wait3A_272 = arith.constant 0 : i32
    %dma_wait3A_273 = tpu.memref_slice %arg6[%dma_wait3A_270, %dma_wait3A_271, %dma_wait3A_272] : memref<4096x200x64xf32, #tpu.memory_space<hbm>> -> memref<4x200x64xf32, #tpu.memory_space<hbm>>
    %dma_wait3A_274 = arith.constant 0 : i32
    %dma_wait3A_275 = arith.constant 0 : i32
    %dma_wait3A_276 = arith.constant 0 : i32
    %dma_wait3A_277 = tpu.memref_slice %arg6[%dma_wait3A_274, %dma_wait3A_275, %dma_wait3A_276] : memref<4096x200x64xf32, #tpu.memory_space<hbm>> -> memref<4x200x64xf32, #tpu.memory_space<hbm>>
    tpu.wait_dma2 semaphore(%arg17 : memref<!tpu.dma_semaphore, #tpu.memory_space<semaphore_mem>>) src(%dma_wait3A_277 : memref<4x200x64xf32, #tpu.memory_space<hbm>>) dst(%arg13 : memref<4x200x64xf32, #tpu.memory_space<vmem>>)
    %parallel_loop3A_278 = arith.constant 0 : i32
    %parallel_loop3A_279 = arith.constant 200 : i32
    %parallel_loop3A_280 = arith.constant 1 : i32
    scf.for %parallel_loop3A_317 = %parallel_loop3A_278 to %parallel_loop3A_279 step %parallel_loop3A_280  : i32 {
      %parallel_loop3A_318 = arith.index_cast %parallel_loop3A_317 : i32 to index
      %parallel_loop3A_319 = arith.constant 0 : index
      %parallel_loop3A_320 = tpu.vector_load %arg7[%parallel_loop3A_318, %parallel_loop3A_319] {strides = array<i32>} : memref<200x64xf32, #tpu.memory_space<vmem>>, vector<1x16xf32>,
      %parallel_loop3A_321 = vector.shape_cast %parallel_loop3A_320 : vector<1x16xf32> to vector<16xf32>
      %parallel_loop3A_322 = arith.constant 0 : i32
      %parallel_loop3A_323 = arith.index_cast %parallel_loop3A_322 : i32 to index
      %parallel_loop3A_324 = arith.index_cast %parallel_loop3A_317 : i32 to index
      %parallel_loop3A_325 = arith.constant 0 : index
      %parallel_loop3A_326 = tpu.vector_load %arg13[%parallel_loop3A_323, %parallel_loop3A_324, %parallel_loop3A_325] {strides = array<i32>} : memref<4x200x64xf32, #tpu.memory_space<vmem>>, vector<1x1x16xf32>,
      %parallel_loop3A_327 = vector.shape_cast %parallel_loop3A_326 : vector<1x1x16xf32> to vector<16xf32>
      %parallel_loop3A_328 = arith.addf %parallel_loop3A_327, %parallel_loop3A_321 : vector<16xf32>
      %parallel_loop3A_329 = arith.constant 0 : i32
      %parallel_loop3A_330 = arith.index_cast %parallel_loop3A_329 : i32 to index
      %parallel_loop3A_331 = arith.index_cast %parallel_loop3A_317 : i32 to index
      %parallel_loop3A_332 = arith.constant 0 : index
      %parallel_loop3A_333 = tpu.vector_load %arg13[%parallel_loop3A_330, %parallel_loop3A_331, %parallel_loop3A_332] {strides = array<i32>} : memref<4x200x64xf32, #tpu.memory_space<vmem>>, vector<1x1x16xf32>,
      %parallel_loop3A_334 = vector.shape_cast %parallel_loop3A_333 : vector<1x1x16xf32> to vector<16xf32>
      %parallel_loop3A_335 = vector.shape_cast %parallel_loop3A_328 : vector<16xf32> to vector<1x1x16xf32>
      tpu.vector_store %arg13[%parallel_loop3A_330, %parallel_loop3A_331, %parallel_loop3A_332], %parallel_loop3A_335 {strides = array<i32>} : memref<4x200x64xf32, #tpu.memory_space<vmem>>, vector<1x1x16xf32>,
      %parallel_loop3A_336 = arith.constant 1 : i32
      %parallel_loop3A_337 = arith.index_cast %parallel_loop3A_336 : i32 to index
      %parallel_loop3A_338 = arith.index_cast %parallel_loop3A_317 : i32 to index
      %parallel_loop3A_339 = arith.constant 0 : index
      %parallel_loop3A_340 = tpu.vector_load %arg13[%parallel_loop3A_337, %parallel_loop3A_338, %parallel_loop3A_339] {strides = array<i32>} : memref<4x200x64xf32, #tpu.memory_space<vmem>>, vector<1x1x16xf32>,
      %parallel_loop3A_341 = vector.shape_cast %parallel_loop3A_340 : vector<1x1x16xf32> to vector<16xf32>
      %parallel_loop3A_342 = arith.addf %parallel_loop3A_341, %parallel_loop3A_321 : vector<16xf32>
      %parallel_loop3A_343 = arith.constant 1 : i32
      %parallel_loop3A_344 = arith.index_cast %parallel_loop3A_343 : i32 to index
      %parallel_loop3A_345 = arith.index_cast %parallel_loop3A_317 : i32 to index
      %parallel_loop3A_346 = arith.constant 0 : index
      %parallel_loop3A_347 = tpu.vector_load %arg13[%parallel_loop3A_344, %parallel_loop3A_345, %parallel_loop3A_346] {strides = array<i32>} : memref<4x200x64xf32, #tpu.memory_space<vmem>>, vector<1x1x16xf32>,
      %parallel_loop3A_348 = vector.shape_cast %parallel_loop3A_347 : vector<1x1x16xf32> to vector<16xf32>
      %parallel_loop3A_349 = vector.shape_cast %parallel_loop3A_342 : vector<16xf32> to vector<1x1x16xf32>
      tpu.vector_store %arg13[%parallel_loop3A_344, %parallel_loop3A_345, %parallel_loop3A_346], %parallel_loop3A_349 {strides = array<i32>} : memref<4x200x64xf32, #tpu.memory_space<vmem>>, vector<1x1x16xf32>,
      %parallel_loop3A_350 = arith.constant 2 : i32
      %parallel_loop3A_351 = arith.index_cast %parallel_loop3A_350 : i32 to index
      %parallel_loop3A_352 = arith.index_cast %parallel_loop3A_317 : i32 to index
      %parallel_loop3A_353 = arith.constant 0 : index
      %parallel_loop3A_354 = tpu.vector_load %arg13[%parallel_loop3A_351, %parallel_loop3A_352, %parallel_loop3A_353] {strides = array<i32>} : memref<4x200x64xf32, #tpu.memory_space<vmem>>, vector<1x1x16xf32>,
      %parallel_loop3A_355 = vector.shape_cast %parallel_loop3A_354 : vector<1x1x16xf32> to vector<16xf32>
      %parallel_loop3A_356 = arith.addf %parallel_loop3A_355, %parallel_loop3A_321 : vector<16xf32>
      %parallel_loop3A_357 = arith.constant 2 : i32
      %parallel_loop3A_358 = arith.index_cast %parallel_loop3A_357 : i32 to index
      %parallel_loop3A_359 = arith.index_cast %parallel_loop3A_317 : i32 to index
      %parallel_loop3A_360 = arith.constant 0 : index
      %parallel_loop3A_361 = tpu.vector_load %arg13[%parallel_loop3A_358, %parallel_loop3A_359, %parallel_loop3A_360] {strides = array<i32>} : memref<4x200x64xf32, #tpu.memory_space<vmem>>, vector<1x1x16xf32>,
      %parallel_loop3A_362 = vector.shape_cast %parallel_loop3A_361 : vector<1x1x16xf32> to vector<16xf32>
      %parallel_loop3A_363 = vector.shape_cast %parallel_loop3A_356 : vector<16xf32> to vector<1x1x16xf32>
      tpu.vector_store %arg13[%parallel_loop3A_358, %parallel_loop3A_359, %parallel_loop3A_360], %parallel_loop3A_363 {strides = array<i32>} : memref<4x200x64xf32, #tpu.memory_space<vmem>>, vector<1x1x16xf32>,
      %parallel_loop3A_364 = arith.constant 3 : i32
      %parallel_loop3A_365 = arith.index_cast %parallel_loop3A_364 : i32 to index
      %parallel_loop3A_366 = arith.index_cast %parallel_loop3A_317 : i32 to index
      %parallel_loop3A_367 = arith.constant 0 : index
      %parallel_loop3A_368 = tpu.vector_load %arg13[%parallel_loop3A_365, %parallel_loop3A_366, %parallel_loop3A_367] {strides = array<i32>} : memref<4x200x64xf32, #tpu.memory_space<vmem>>, vector<1x1x16xf32>,
      %parallel_loop3A_369 = vector.shape_cast %parallel_loop3A_368 : vector<1x1x16xf32> to vector<16xf32>
      %parallel_loop3A_370 = arith.addf %parallel_loop3A_369, %parallel_loop3A_321 : vector<16xf32>
      %parallel_loop3A_371 = arith.constant 3 : i32
      %parallel_loop3A_372 = arith.index_cast %parallel_loop3A_371 : i32 to index
      %parallel_loop3A_373 = arith.index_cast %parallel_loop3A_317 : i32 to index
      %parallel_loop3A_374 = arith.constant 0 : index
      %parallel_loop3A_375 = tpu.vector_load %arg13[%parallel_loop3A_372, %parallel_loop3A_373, %parallel_loop3A_374] {strides = array<i32>} : memref<4x200x64xf32, #tpu.memory_space<vmem>>, vector<1x1x16xf32>,
      %parallel_loop3A_376 = vector.shape_cast %parallel_loop3A_375 : vector<1x1x16xf32> to vector<16xf32>
      %parallel_loop3A_377 = vector.shape_cast %parallel_loop3A_370 : vector<16xf32> to vector<1x1x16xf32>
      tpu.vector_store %arg13[%parallel_loop3A_372, %parallel_loop3A_373, %parallel_loop3A_374], %parallel_loop3A_377 {strides = array<i32>} : memref<4x200x64xf32, #tpu.memory_space<vmem>>, vector<1x1x16xf32>,
      %parallel_loop3A_378 = arith.index_cast %parallel_loop3A_317 : i32 to index
      %parallel_loop3A_379 = arith.constant 16 : index
      %parallel_loop3A_380 = tpu.vector_load %arg7[%parallel_loop3A_378, %parallel_loop3A_379] {strides = array<i32>} : memref<200x64xf32, #tpu.memory_space<vmem>>, vector<1x16xf32>,
      %parallel_loop3A_381 = vector.shape_cast %parallel_loop3A_380 : vector<1x16xf32> to vector<16xf32>
      %parallel_loop3A_382 = arith.constant 0 : i32
      %parallel_loop3A_383 = arith.index_cast %parallel_loop3A_382 : i32 to index
      %parallel_loop3A_384 = arith.index_cast %parallel_loop3A_317 : i32 to index
      %parallel_loop3A_385 = arith.constant 16 : index
      %parallel_loop3A_386 = tpu.vector_load %arg13[%parallel_loop3A_383, %parallel_loop3A_384, %parallel_loop3A_385] {strides = array<i32>} : memref<4x200x64xf32, #tpu.memory_space<vmem>>, vector<1x1x16xf32>,
      %parallel_loop3A_387 = vector.shape_cast %parallel_loop3A_386 : vector<1x1x16xf32> to vector<16xf32>
      %parallel_loop3A_388 = arith.addf %parallel_loop3A_387, %parallel_loop3A_381 : vector<16xf32>
      %parallel_loop3A_389 = arith.constant 0 : i32
      %parallel_loop3A_390 = arith.index_cast %parallel_loop3A_389 : i32 to index
      %parallel_loop3A_391 = arith.index_cast %parallel_loop3A_317 : i32 to index
      %parallel_loop3A_392 = arith.constant 16 : index
      %parallel_loop3A_393 = tpu.vector_load %arg13[%parallel_loop3A_390, %parallel_loop3A_391, %parallel_loop3A_392] {strides = array<i32>} : memref<4x200x64xf32, #tpu.memory_space<vmem>>, vector<1x1x16xf32>,
      %parallel_loop3A_394 = vector.shape_cast %parallel_loop3A_393 : vector<1x1x16xf32> to vector<16xf32>
      %parallel_loop3A_395 = vector.shape_cast %parallel_loop3A_388 : vector<16xf32> to vector<1x1x16xf32>
      tpu.vector_store %arg13[%parallel_loop3A_390, %parallel_loop3A_391, %parallel_loop3A_392], %parallel_loop3A_395 {strides = array<i32>} : memref<4x200x64xf32, #tpu.memory_space<vmem>>, vector<1x1x16xf32>,
      %parallel_loop3A_396 = arith.constant 1 : i32
      %parallel_loop3A_397 = arith.index_cast %parallel_loop3A_396 : i32 to index
      %parallel_loop3A_398 = arith.index_cast %parallel_loop3A_317 : i32 to index
      %parallel_loop3A_399 = arith.constant 16 : index
      %parallel_loop3A_400 = tpu.vector_load %arg13[%parallel_loop3A_397, %parallel_loop3A_398, %parallel_loop3A_399] {strides = array<i32>} : memref<4x200x64xf32, #tpu.memory_space<vmem>>, vector<1x1x16xf32>,
      %parallel_loop3A_401 = vector.shape_cast %parallel_loop3A_400 : vector<1x1x16xf32> to vector<16xf32>
      %parallel_loop3A_402 = arith.addf %parallel_loop3A_401, %parallel_loop3A_381 : vector<16xf32>
      %parallel_loop3A_403 = arith.constant 1 : i32
      %parallel_loop3A_404 = arith.index_cast %parallel_loop3A_403 : i32 to index
      %parallel_loop3A_405 = arith.index_cast %parallel_loop3A_317 : i32 to index
      %parallel_loop3A_406 = arith.constant 16 : index
      %parallel_loop3A_407 = tpu.vector_load %arg13[%parallel_loop3A_404, %parallel_loop3A_405, %parallel_loop3A_406] {strides = array<i32>} : memref<4x200x64xf32, #tpu.memory_space<vmem>>, vector<1x1x16xf32>,
      %parallel_loop3A_408 = vector.shape_cast %parallel_loop3A_407 : vector<1x1x16xf32> to vector<16xf32>
      %parallel_loop3A_409 = vector.shape_cast %parallel_loop3A_402 : vector<16xf32> to vector<1x1x16xf32>
      tpu.vector_store %arg13[%parallel_loop3A_404, %parallel_loop3A_405, %parallel_loop3A_406], %parallel_loop3A_409 {strides = array<i32>} : memref<4x200x64xf32, #tpu.memory_space<vmem>>, vector<1x1x16xf32>,
      %parallel_loop3A_410 = arith.constant 2 : i32
      %parallel_loop3A_411 = arith.index_cast %parallel_loop3A_410 : i32 to index
      %parallel_loop3A_412 = arith.index_cast %parallel_loop3A_317 : i32 to index
      %parallel_loop3A_413 = arith.constant 16 : index
      %parallel_loop3A_414 = tpu.vector_load %arg13[%parallel_loop3A_411, %parallel_loop3A_412, %parallel_loop3A_413] {strides = array<i32>} : memref<4x200x64xf32, #tpu.memory_space<vmem>>, vector<1x1x16xf32>,
      %parallel_loop3A_415 = vector.shape_cast %parallel_loop3A_414 : vector<1x1x16xf32> to vector<16xf32>
      %parallel_loop3A_416 = arith.addf %parallel_loop3A_415, %parallel_loop3A_381 : vector<16xf32>
      %parallel_loop3A_417 = arith.constant 2 : i32
      %parallel_loop3A_418 = arith.index_cast %parallel_loop3A_417 : i32 to index
      %parallel_loop3A_419 = arith.index_cast %parallel_loop3A_317 : i32 to index
      %parallel_loop3A_420 = arith.constant 16 : index
      %parallel_loop3A_421 = tpu.vector_load %arg13[%parallel_loop3A_418, %parallel_loop3A_419, %parallel_loop3A_420] {strides = array<i32>} : memref<4x200x64xf32, #tpu.memory_space<vmem>>, vector<1x1x16xf32>,
      %parallel_loop3A_422 = vector.shape_cast %parallel_loop3A_421 : vector<1x1x16xf32> to vector<16xf32>
      %parallel_loop3A_423 = vector.shape_cast %parallel_loop3A_416 : vector<16xf32> to vector<1x1x16xf32>
      tpu.vector_store %arg13[%parallel_loop3A_418, %parallel_loop3A_419, %parallel_loop3A_420], %parallel_loop3A_423 {strides = array<i32>} : memref<4x200x64xf32, #tpu.memory_space<vmem>>, vector<1x1x16xf32>,
      %parallel_loop3A_424 = arith.constant 3 : i32
      %parallel_loop3A_425 = arith.index_cast %parallel_loop3A_424 : i32 to index
      %parallel_loop3A_426 = arith.index_cast %parallel_loop3A_317 : i32 to index
      %parallel_loop3A_427 = arith.constant 16 : index
      %parallel_loop3A_428 = tpu.vector_load %arg13[%parallel_loop3A_425, %parallel_loop3A_426, %parallel_loop3A_427] {strides = array<i32>} : memref<4x200x64xf32, #tpu.memory_space<vmem>>, vector<1x1x16xf32>,
      %parallel_loop3A_429 = vector.shape_cast %parallel_loop3A_428 : vector<1x1x16xf32> to vector<16xf32>
      %parallel_loop3A_430 = arith.addf %parallel_loop3A_429, %parallel_loop3A_381 : vector<16xf32>
      %parallel_loop3A_431 = arith.constant 3 : i32
      %parallel_loop3A_432 = arith.index_cast %parallel_loop3A_431 : i32 to index
      %parallel_loop3A_433 = arith.index_cast %parallel_loop3A_317 : i32 to index
      %parallel_loop3A_434 = arith.constant 16 : index
      %parallel_loop3A_435 = tpu.vector_load %arg13[%parallel_loop3A_432, %parallel_loop3A_433, %parallel_loop3A_434] {strides = array<i32>} : memref<4x200x64xf32, #tpu.memory_space<vmem>>, vector<1x1x16xf32>,
      %parallel_loop3A_436 = vector.shape_cast %parallel_loop3A_435 : vector<1x1x16xf32> to vector<16xf32>
      %parallel_loop3A_437 = vector.shape_cast %parallel_loop3A_430 : vector<16xf32> to vector<1x1x16xf32>
      tpu.vector_store %arg13[%parallel_loop3A_432, %parallel_loop3A_433, %parallel_loop3A_434], %parallel_loop3A_437 {strides = array<i32>} : memref<4x200x64xf32, #tpu.memory_space<vmem>>, vector<1x1x16xf32>,
      %parallel_loop3A_438 = arith.index_cast %parallel_loop3A_317 : i32 to index
      %parallel_loop3A_439 = arith.constant 32 : index
      %parallel_loop3A_440 = tpu.vector_load %arg7[%parallel_loop3A_438, %parallel_loop3A_439] {strides = array<i32>} : memref<200x64xf32, #tpu.memory_space<vmem>>, vector<1x16xf32>,
      %parallel_loop3A_441 = vector.shape_cast %parallel_loop3A_440 : vector<1x16xf32> to vector<16xf32>
      %parallel_loop3A_442 = arith.constant 0 : i32
      %parallel_loop3A_443 = arith.index_cast %parallel_loop3A_442 : i32 to index
      %parallel_loop3A_444 = arith.index_cast %parallel_loop3A_317 : i32 to index
      %parallel_loop3A_445 = arith.constant 32 : index
      %parallel_loop3A_446 = tpu.vector_load %arg13[%parallel_loop3A_443, %parallel_loop3A_444, %parallel_loop3A_445] {strides = array<i32>} : memref<4x200x64xf32, #tpu.memory_space<vmem>>, vector<1x1x16xf32>,
      %parallel_loop3A_447 = vector.shape_cast %parallel_loop3A_446 : vector<1x1x16xf32> to vector<16xf32>
      %parallel_loop3A_448 = arith.addf %parallel_loop3A_447, %parallel_loop3A_441 : vector<16xf32>
      %parallel_loop3A_449 = arith.constant 0 : i32
      %parallel_loop3A_450 = arith.index_cast %parallel_loop3A_449 : i32 to index
      %parallel_loop3A_451 = arith.index_cast %parallel_loop3A_317 : i32 to index
      %parallel_loop3A_452 = arith.constant 32 : index
      %parallel_loop3A_453 = tpu.vector_load %arg13[%parallel_loop3A_450, %parallel_loop3A_451, %parallel_loop3A_452] {strides = array<i32>} : memref<4x200x64xf32, #tpu.memory_space<vmem>>, vector<1x1x16xf32>,
      %parallel_loop3A_454 = vector.shape_cast %parallel_loop3A_453 : vector<1x1x16xf32> to vector<16xf32>
      %parallel_loop3A_455 = vector.shape_cast %parallel_loop3A_448 : vector<16xf32> to vector<1x1x16xf32>
      tpu.vector_store %arg13[%parallel_loop3A_450, %parallel_loop3A_451, %parallel_loop3A_452], %parallel_loop3A_455 {strides = array<i32>} : memref<4x200x64xf32, #tpu.memory_space<vmem>>, vector<1x1x16xf32>,
      %parallel_loop3A_456 = arith.constant 1 : i32
      %parallel_loop3A_457 = arith.index_cast %parallel_loop3A_456 : i32 to index
      %parallel_loop3A_458 = arith.index_cast %parallel_loop3A_317 : i32 to index
      %parallel_loop3A_459 = arith.constant 32 : index
      %parallel_loop3A_460 = tpu.vector_load %arg13[%parallel_loop3A_457, %parallel_loop3A_458, %parallel_loop3A_459] {strides = array<i32>} : memref<4x200x64xf32, #tpu.memory_space<vmem>>, vector<1x1x16xf32>,
      %parallel_loop3A_461 = vector.shape_cast %parallel_loop3A_460 : vector<1x1x16xf32> to vector<16xf32>
      %parallel_loop3A_462 = arith.addf %parallel_loop3A_461, %parallel_loop3A_441 : vector<16xf32>
      %parallel_loop3A_463 = arith.constant 1 : i32
      %parallel_loop3A_464 = arith.index_cast %parallel_loop3A_463 : i32 to index
      %parallel_loop3A_465 = arith.index_cast %parallel_loop3A_317 : i32 to index
      %parallel_loop3A_466 = arith.constant 32 : index
      %parallel_loop3A_467 = tpu.vector_load %arg13[%parallel_loop3A_464, %parallel_loop3A_465, %parallel_loop3A_466] {strides = array<i32>} : memref<4x200x64xf32, #tpu.memory_space<vmem>>, vector<1x1x16xf32>,
      %parallel_loop3A_468 = vector.shape_cast %parallel_loop3A_467 : vector<1x1x16xf32> to vector<16xf32>
      %parallel_loop3A_469 = vector.shape_cast %parallel_loop3A_462 : vector<16xf32> to vector<1x1x16xf32>
      tpu.vector_store %arg13[%parallel_loop3A_464, %parallel_loop3A_465, %parallel_loop3A_466], %parallel_loop3A_469 {strides = array<i32>} : memref<4x200x64xf32, #tpu.memory_space<vmem>>, vector<1x1x16xf32>,
      %parallel_loop3A_470 = arith.constant 2 : i32
      %parallel_loop3A_471 = arith.index_cast %parallel_loop3A_470 : i32 to index
      %parallel_loop3A_472 = arith.index_cast %parallel_loop3A_317 : i32 to index
      %parallel_loop3A_473 = arith.constant 32 : index
      %parallel_loop3A_474 = tpu.vector_load %arg13[%parallel_loop3A_471, %parallel_loop3A_472, %parallel_loop3A_473] {strides = array<i32>} : memref<4x200x64xf32, #tpu.memory_space<vmem>>, vector<1x1x16xf32>,
      %parallel_loop3A_475 = vector.shape_cast %parallel_loop3A_474 : vector<1x1x16xf32> to vector<16xf32>
      %parallel_loop3A_476 = arith.addf %parallel_loop3A_475, %parallel_loop3A_441 : vector<16xf32>
      %parallel_loop3A_477 = arith.constant 2 : i32
      %parallel_loop3A_478 = arith.index_cast %parallel_loop3A_477 : i32 to index
      %parallel_loop3A_479 = arith.index_cast %parallel_loop3A_317 : i32 to index
      %parallel_loop3A_480 = arith.constant 32 : index
      %parallel_loop3A_481 = tpu.vector_load %arg13[%parallel_loop3A_478, %parallel_loop3A_479, %parallel_loop3A_480] {strides = array<i32>} : memref<4x200x64xf32, #tpu.memory_space<vmem>>, vector<1x1x16xf32>,
      %parallel_loop3A_482 = vector.shape_cast %parallel_loop3A_481 : vector<1x1x16xf32> to vector<16xf32>
      %parallel_loop3A_483 = vector.shape_cast %parallel_loop3A_476 : vector<16xf32> to vector<1x1x16xf32>
      tpu.vector_store %arg13[%parallel_loop3A_478, %parallel_loop3A_479, %parallel_loop3A_480], %parallel_loop3A_483 {strides = array<i32>} : memref<4x200x64xf32, #tpu.memory_space<vmem>>, vector<1x1x16xf32>,
      %parallel_loop3A_484 = arith.constant 3 : i32
      %parallel_loop3A_485 = arith.index_cast %parallel_loop3A_484 : i32 to index
      %parallel_loop3A_486 = arith.index_cast %parallel_loop3A_317 : i32 to index
      %parallel_loop3A_487 = arith.constant 32 : index
      %parallel_loop3A_488 = tpu.vector_load %arg13[%parallel_loop3A_485, %parallel_loop3A_486, %parallel_loop3A_487] {strides = array<i32>} : memref<4x200x64xf32, #tpu.memory_space<vmem>>, vector<1x1x16xf32>,
      %parallel_loop3A_489 = vector.shape_cast %parallel_loop3A_488 : vector<1x1x16xf32> to vector<16xf32>
      %parallel_loop3A_490 = arith.addf %parallel_loop3A_489, %parallel_loop3A_441 : vector<16xf32>
      %parallel_loop3A_491 = arith.constant 3 : i32
      %parallel_loop3A_492 = arith.index_cast %parallel_loop3A_491 : i32 to index
      %parallel_loop3A_493 = arith.index_cast %parallel_loop3A_317 : i32 to index
      %parallel_loop3A_494 = arith.constant 32 : index
      %parallel_loop3A_495 = tpu.vector_load %arg13[%parallel_loop3A_492, %parallel_loop3A_493, %parallel_loop3A_494] {strides = array<i32>} : memref<4x200x64xf32, #tpu.memory_space<vmem>>, vector<1x1x16xf32>,
      %parallel_loop3A_496 = vector.shape_cast %parallel_loop3A_495 : vector<1x1x16xf32> to vector<16xf32>
      %parallel_loop3A_497 = vector.shape_cast %parallel_loop3A_490 : vector<16xf32> to vector<1x1x16xf32>
      tpu.vector_store %arg13[%parallel_loop3A_492, %parallel_loop3A_493, %parallel_loop3A_494], %parallel_loop3A_497 {strides = array<i32>} : memref<4x200x64xf32, #tpu.memory_space<vmem>>, vector<1x1x16xf32>,
      %parallel_loop3A_498 = arith.index_cast %parallel_loop3A_317 : i32 to index
      %parallel_loop3A_499 = arith.constant 48 : index
      %parallel_loop3A_500 = tpu.vector_load %arg7[%parallel_loop3A_498, %parallel_loop3A_499] {strides = array<i32>} : memref<200x64xf32, #tpu.memory_space<vmem>>, vector<1x16xf32>,
      %parallel_loop3A_501 = vector.shape_cast %parallel_loop3A_500 : vector<1x16xf32> to vector<16xf32>
      %parallel_loop3A_502 = arith.constant 0 : i32
      %parallel_loop3A_503 = arith.index_cast %parallel_loop3A_502 : i32 to index
      %parallel_loop3A_504 = arith.index_cast %parallel_loop3A_317 : i32 to index
      %parallel_loop3A_505 = arith.constant 48 : index
      %parallel_loop3A_506 = tpu.vector_load %arg13[%parallel_loop3A_503, %parallel_loop3A_504, %parallel_loop3A_505] {strides = array<i32>} : memref<4x200x64xf32, #tpu.memory_space<vmem>>, vector<1x1x16xf32>,
      %parallel_loop3A_507 = vector.shape_cast %parallel_loop3A_506 : vector<1x1x16xf32> to vector<16xf32>
      %parallel_loop3A_508 = arith.addf %parallel_loop3A_507, %parallel_loop3A_501 : vector<16xf32>
      %parallel_loop3A_509 = arith.constant 0 : i32
      %parallel_loop3A_510 = arith.index_cast %parallel_loop3A_509 : i32 to index
      %parallel_loop3A_511 = arith.index_cast %parallel_loop3A_317 : i32 to index
      %parallel_loop3A_512 = arith.constant 48 : index
      %parallel_loop3A_513 = tpu.vector_load %arg13[%parallel_loop3A_510, %parallel_loop3A_511, %parallel_loop3A_512] {strides = array<i32>} : memref<4x200x64xf32, #tpu.memory_space<vmem>>, vector<1x1x16xf32>,
      %parallel_loop3A_514 = vector.shape_cast %parallel_loop3A_513 : vector<1x1x16xf32> to vector<16xf32>
      %parallel_loop3A_515 = vector.shape_cast %parallel_loop3A_508 : vector<16xf32> to vector<1x1x16xf32>
      tpu.vector_store %arg13[%parallel_loop3A_510, %parallel_loop3A_511, %parallel_loop3A_512], %parallel_loop3A_515 {strides = array<i32>} : memref<4x200x64xf32, #tpu.memory_space<vmem>>, vector<1x1x16xf32>,
      %parallel_loop3A_516 = arith.constant 1 : i32
      %parallel_loop3A_517 = arith.index_cast %parallel_loop3A_516 : i32 to index
      %parallel_loop3A_518 = arith.index_cast %parallel_loop3A_317 : i32 to index
      %parallel_loop3A_519 = arith.constant 48 : index
      %parallel_loop3A_520 = tpu.vector_load %arg13[%parallel_loop3A_517, %parallel_loop3A_518, %parallel_loop3A_519] {strides = array<i32>} : memref<4x200x64xf32, #tpu.memory_space<vmem>>, vector<1x1x16xf32>,
      %parallel_loop3A_521 = vector.shape_cast %parallel_loop3A_520 : vector<1x1x16xf32> to vector<16xf32>
      %parallel_loop3A_522 = arith.addf %parallel_loop3A_521, %parallel_loop3A_501 : vector<16xf32>
      %parallel_loop3A_523 = arith.constant 1 : i32
      %parallel_loop3A_524 = arith.index_cast %parallel_loop3A_523 : i32 to index
      %parallel_loop3A_525 = arith.index_cast %parallel_loop3A_317 : i32 to index
      %parallel_loop3A_526 = arith.constant 48 : index
      %parallel_loop3A_527 = tpu.vector_load %arg13[%parallel_loop3A_524, %parallel_loop3A_525, %parallel_loop3A_526] {strides = array<i32>} : memref<4x200x64xf32, #tpu.memory_space<vmem>>, vector<1x1x16xf32>,
      %parallel_loop3A_528 = vector.shape_cast %parallel_loop3A_527 : vector<1x1x16xf32> to vector<16xf32>
      %parallel_loop3A_529 = vector.shape_cast %parallel_loop3A_522 : vector<16xf32> to vector<1x1x16xf32>
      tpu.vector_store %arg13[%parallel_loop3A_524, %parallel_loop3A_525, %parallel_loop3A_526], %parallel_loop3A_529 {strides = array<i32>} : memref<4x200x64xf32, #tpu.memory_space<vmem>>, vector<1x1x16xf32>,
      %parallel_loop3A_530 = arith.constant 2 : i32
      %parallel_loop3A_531 = arith.index_cast %parallel_loop3A_530 : i32 to index
      %parallel_loop3A_532 = arith.index_cast %parallel_loop3A_317 : i32 to index
      %parallel_loop3A_533 = arith.constant 48 : index
      %parallel_loop3A_534 = tpu.vector_load %arg13[%parallel_loop3A_531, %parallel_loop3A_532, %parallel_loop3A_533] {strides = array<i32>} : memref<4x200x64xf32, #tpu.memory_space<vmem>>, vector<1x1x16xf32>,
      %parallel_loop3A_535 = vector.shape_cast %parallel_loop3A_534 : vector<1x1x16xf32> to vector<16xf32>
      %parallel_loop3A_536 = arith.addf %parallel_loop3A_535, %parallel_loop3A_501 : vector<16xf32>
      %parallel_loop3A_537 = arith.constant 2 : i32
      %parallel_loop3A_538 = arith.index_cast %parallel_loop3A_537 : i32 to index
      %parallel_loop3A_539 = arith.index_cast %parallel_loop3A_317 : i32 to index
      %parallel_loop3A_540 = arith.constant 48 : index
      %parallel_loop3A_541 = tpu.vector_load %arg13[%parallel_loop3A_538, %parallel_loop3A_539, %parallel_loop3A_540] {strides = array<i32>} : memref<4x200x64xf32, #tpu.memory_space<vmem>>, vector<1x1x16xf32>,
      %parallel_loop3A_542 = vector.shape_cast %parallel_loop3A_541 : vector<1x1x16xf32> to vector<16xf32>
      %parallel_loop3A_543 = vector.shape_cast %parallel_loop3A_536 : vector<16xf32> to vector<1x1x16xf32>
      tpu.vector_store %arg13[%parallel_loop3A_538, %parallel_loop3A_539, %parallel_loop3A_540], %parallel_loop3A_543 {strides = array<i32>} : memref<4x200x64xf32, #tpu.memory_space<vmem>>, vector<1x1x16xf32>,
      %parallel_loop3A_544 = arith.constant 3 : i32
      %parallel_loop3A_545 = arith.index_cast %parallel_loop3A_544 : i32 to index
      %parallel_loop3A_546 = arith.index_cast %parallel_loop3A_317 : i32 to index
      %parallel_loop3A_547 = arith.constant 48 : index
      %parallel_loop3A_548 = tpu.vector_load %arg13[%parallel_loop3A_545, %parallel_loop3A_546, %parallel_loop3A_547] {strides = array<i32>} : memref<4x200x64xf32, #tpu.memory_space<vmem>>, vector<1x1x16xf32>,
      %parallel_loop3A_549 = vector.shape_cast %parallel_loop3A_548 : vector<1x1x16xf32> to vector<16xf32>
      %parallel_loop3A_550 = arith.addf %parallel_loop3A_549, %parallel_loop3A_501 : vector<16xf32>
      %parallel_loop3A_551 = arith.constant 3 : i32
      %parallel_loop3A_552 = arith.index_cast %parallel_loop3A_551 : i32 to index
      %parallel_loop3A_553 = arith.index_cast %parallel_loop3A_317 : i32 to index
      %parallel_loop3A_554 = arith.constant 48 : index
      %parallel_loop3A_555 = tpu.vector_load %arg13[%parallel_loop3A_552, %parallel_loop3A_553, %parallel_loop3A_554] {strides = array<i32>} : memref<4x200x64xf32, #tpu.memory_space<vmem>>, vector<1x1x16xf32>,
      %parallel_loop3A_556 = vector.shape_cast %parallel_loop3A_555 : vector<1x1x16xf32> to vector<16xf32>
      %parallel_loop3A_557 = vector.shape_cast %parallel_loop3A_550 : vector<16xf32> to vector<1x1x16xf32>
      tpu.vector_store %arg13[%parallel_loop3A_552, %parallel_loop3A_553, %parallel_loop3A_554], %parallel_loop3A_557 {strides = array<i32>} : memref<4x200x64xf32, #tpu.memory_space<vmem>>, vector<1x1x16xf32>,
    } {sc.loop_unroll_factor = 2 : i64, sc.parallel_access}
    %add3A_281 = arith.constant 124 : i32
    %add3A_282 = arith.addi %mul3A_2, %add3A_281 : i32
    %dma_start3A_283 = arith.constant 0 : i32
    %dma_start3A_284 = arith.constant 0 : i32
    %dma_start3A_285 = tpu.memref_slice %arg6[%add3A_282, %dma_start3A_283, %dma_start3A_284] : memref<4096x200x64xf32, #tpu.memory_space<hbm>> -> memref<4x200x64xf32, #tpu.memory_space<hbm>>
    %dma_start3A_286 = arith.constant 0 : i32
    %dma_start3A_287 = arith.constant 0 : i32
    %dma_start3A_288 = tpu.memref_slice %arg6[%add3A_282, %dma_start3A_286, %dma_start3A_287] : memref<4096x200x64xf32, #tpu.memory_space<hbm>> -> memref<4x200x64xf32, #tpu.memory_space<hbm>>
    tpu.enqueue_dma source(%arg13 : memref<4x200x64xf32, #tpu.memory_space<vmem>>) target(%dma_start3A_288 : memref<4x200x64xf32, #tpu.memory_space<hbm>>) target_semaphore(%arg18 : memref<!tpu.dma_semaphore, #tpu.memory_space<semaphore_mem>>)
    %dma_wait3A_289 = arith.constant 0 : i32
    %dma_wait3A_290 = arith.constant 0 : i32
    %dma_wait3A_291 = tpu.memref_slice %arg2[%dma_wait3A_289, %dma_wait3A_290] : memref<4096x128xi32, #tpu.memory_space<hbm>> -> memref<4x128xi32, #tpu.memory_space<hbm>>
    %dma_wait3A_292 = arith.constant 0 : i32
    %dma_wait3A_293 = arith.constant 0 : i32
    %dma_wait3A_294 = tpu.memref_slice %arg2[%dma_wait3A_292, %dma_wait3A_293] : memref<4096x128xi32, #tpu.memory_space<hbm>> -> memref<4x128xi32, #tpu.memory_space<hbm>>
    tpu.wait_dma2 semaphore(%arg14 : memref<!tpu.dma_semaphore, #tpu.memory_space<semaphore_mem>>) src(%dma_wait3A_294 : memref<4x128xi32, #tpu.memory_space<hbm>>) dst(%arg8 : memref<4x128xi32, #tpu.memory_space<vmem>>)
    %dma_wait3A_295 = arith.constant 0 : i32
    %dma_wait3A_296 = arith.constant 0 : i32
    %dma_wait3A_297 = tpu.memref_slice %arg3[%dma_wait3A_295, %dma_wait3A_296] : memref<4096x72xi32, #tpu.memory_space<hbm>> -> memref<4x72xi32, #tpu.memory_space<hbm>>
    %dma_wait3A_298 = arith.constant 0 : i32
    %dma_wait3A_299 = arith.constant 0 : i32
    %dma_wait3A_300 = tpu.memref_slice %arg3[%dma_wait3A_298, %dma_wait3A_299] : memref<4096x72xi32, #tpu.memory_space<hbm>> -> memref<4x72xi32, #tpu.memory_space<hbm>>
    tpu.wait_dma2 semaphore(%arg14 : memref<!tpu.dma_semaphore, #tpu.memory_space<semaphore_mem>>) src(%dma_wait3A_300 : memref<4x72xi32, #tpu.memory_space<hbm>>) dst(%arg9 : memref<4x72xi32, #tpu.memory_space<vmem>>)
    %dma_wait3A_301 = arith.constant 0 : i32
    %dma_wait3A_302 = arith.constant 0 : i32
    %dma_wait3A_303 = arith.constant 0 : i32
    %dma_wait3A_304 = tpu.memref_slice %arg6[%dma_wait3A_301, %dma_wait3A_302, %dma_wait3A_303] : memref<4096x200x64xf32, #tpu.memory_space<hbm>> -> memref<4x200x64xf32, #tpu.memory_space<hbm>>
    %dma_wait3A_305 = arith.constant 0 : i32
    %dma_wait3A_306 = arith.constant 0 : i32
    %dma_wait3A_307 = arith.constant 0 : i32
    %dma_wait3A_308 = tpu.memref_slice %arg6[%dma_wait3A_305, %dma_wait3A_306, %dma_wait3A_307] : memref<4096x200x64xf32, #tpu.memory_space<hbm>> -> memref<4x200x64xf32, #tpu.memory_space<hbm>>
    tpu.wait_dma2 semaphore(%arg18 : memref<!tpu.dma_semaphore, #tpu.memory_space<semaphore_mem>>) src(%arg12 : memref<4x200x64xf32, #tpu.memory_space<vmem>>) dst(%dma_wait3A_308 : memref<4x200x64xf32, #tpu.memory_space<hbm>>)
    %dma_wait3A_309 = arith.constant 0 : i32
    %dma_wait3A_310 = arith.constant 0 : i32
    %dma_wait3A_311 = arith.constant 0 : i32
    %dma_wait3A_312 = tpu.memref_slice %arg6[%dma_wait3A_309, %dma_wait3A_310, %dma_wait3A_311] : memref<4096x200x64xf32, #tpu.memory_space<hbm>> -> memref<4x200x64xf32, #tpu.memory_space<hbm>>
    %dma_wait3A_313 = arith.constant 0 : i32
    %dma_wait3A_314 = arith.constant 0 : i32
    %dma_wait3A_315 = arith.constant 0 : i32
    %dma_wait3A_316 = tpu.memref_slice %arg6[%dma_wait3A_313, %dma_wait3A_314, %dma_wait3A_315] : memref<4096x200x64xf32, #tpu.memory_space<hbm>> -> memref<4x200x64xf32, #tpu.memory_space<hbm>>
    tpu.wait_dma2 semaphore(%arg18 : memref<!tpu.dma_semaphore, #tpu.memory_space<semaphore_mem>>) src(%arg12 : memref<4x200x64xf32, #tpu.memory_space<vmem>>) dst(%dma_wait3A_316 : memref<4x200x64xf32, #tpu.memory_space<hbm>>)
    return
  }
}

</mosaic_0001>

<sc_bundles>
// kernel: _emb.3.cloned.1.call-start
scs
__scs_entry_jumppad:
0x0: {  	(pc) =	sbr.rel $0x88, $3  }
0x1: {  	(tag) =	ssettag $0x0;
	lr =	simm.s32 $0x1  }
0x2: {  	[smem:$0x3F9D] =	sst lr;
	_ =	strace $0xD0000000  }
0x3: {  	_ = 	snop  }
0x4: {  	_ = 	snop  }
0x5: {  	_ = 	snop  }
0x6: {  	_ = 	snop  }
0x7: {  	_ = 	snop  }
__scs_overlays_trampoline_lowered:
0x8: {  	[smem:$0x3FAC] =	sst s0  }
0x9: {  	[smem:$0x3FAD] =	sst s1  }
0xa: {  	[smem:$0x3FAE] =	sst s2  }
0xb: {  	[smem:$0x3FAF] =	sst s3  }
0xc: {  	[smem:$0x3FB0] =	sst s4  }
0xd: {  	[smem:$0x3FB1] =	sst s5  }
0xe: {  	[smem:$0x3FB2] =	sst s6  }
0xf: {  	[smem:$0x3FB3] =	sst s7  }
0x10: {  	[smem:$0x3FB4] =	sst s8  }
0x11: {  	[smem:$0x3FB5] =	sst s9;
	s0 =	simm.s32 @!p0 $0x0  }
0x12: {  	s1 =	sld [smem:$0x3F9B];
	s0 =	simm.s32 @p0 $0x1  }
0x13: {  	[smem:$0x3FB6] =	sst s0;
	s0 =	simm.s32 @!p1 $0x0  }
0x14: {  	s2 =	sld [smem:$0x3F9A];
	s0 =	simm.s32 @p1 $0x1  }
0x15: {  	[smem:$0x3FB7] =	sst s0;
	s0 =	simm.s32 @!p2 $0x0  }
0x16: {  	s3 =	sld [smem:$0x3FDB];
	s0 =	simm.s32 @p2 $0x1  }
0x17: {  	s4 =	simm.s32 $0x1BF5;
	[smem:$0x3FB9] =	sst s0  }
0x18: {  	s0 =	sld [smem:$0x3F9C];
	_ =	swait.ge [sflag:s4], $0x0  }
0x19: {  	s7 =	sld [smem:$0x3F9D]  }
0x1a: {  	s8 =	sadd.s32 $0xFFFFE003, lr  }
0x1b: {  	s9 =	sadd.s32 $0xFFFFFEF7, lr;
	s5 =	simm.s32 $0xFFFFFFFF;
	p2 =	slt.u32 s8, $0xFFFFF086  }
0x1c: {  	p1 =	slt.u32 s9, $0xF7A;
	s5 =	simm.s32 @!p2 $0x0  }
0x1d: {  	s5 =	simm.s32 @p1 $0x1;
	p0 =	seq.s32 s7, s2  }
0x1e: {  	s7 =	smul.u32 @!p0 $0xF7A, s2;
	p2 =	seq.s32 @!p0 s5, $0x0  }
0x1f: {  	s9 =	smul.u32 $0xF7A, s1;
	s8 =	simm.s32 @!p0 $0x1BF5;
	p2 =	por !p2, p0  }
0x20: {  	[sflag:s8] =	ssyncset.s32 @!p0 $0xFFFFF086;
	s6 =	sadd.s32 @!p0 s3, s7;
	s7 =	simm.s32 @!p0 $0x108  }
0x21: {  	s3 =	sadd.s32 s3, s9;
	s6 =	sadd.s32 @!p0 $0x88, s6;
	s7 =	simm.s32 @p2 $0x1082  }
0x22: {  	[simem:s7], [sflag:s8] =	dma.local @!p0 [hbm:s6], $0xF7A  }
0x23: {  	s9 =	sor.u32 $0xD0000000, s2;
	s6 =	simm.s32 $0x108;
	_ =	swait.ge @!p0 [sflag:s8], $0x0  }
0x24: {  	s3 =	sadd.s32 $0x88, s3;
	s6 =	simm.s32 @!p1 $0x1082;
	[sflag:s4] =	ssyncset.s32 $0xFFFFF086  }
0x25: {  	[simem:s6], [sflag:s4] =	dma.local [hbm:s3], $0xF7A  }
0x26: {  	[smem:$0x3F9D] =	sst s1;
	(tag) =	ssettag s2;
	_ =	strace s9  }
0x27: {  	s1 =	sld [smem:$0x3FAD]  }
0x28: {  	s2 =	sld [smem:$0x3FAE]  }
0x29: {  	s4 =	sld [smem:$0x3FB0]  }
0x2a: {  	p0 =	seq.s32 s5, $0x0;
	s5 =	sld [smem:$0x3FB1]  }
0x2b: {  	s6 =	sld [smem:$0x3FB2]  }
0x2c: {  	s7 =	sld [smem:$0x3FB3]  }
0x2d: {  	s3 =	simm.s32 $0x108;
	s8 =	sld [smem:$0x3FB4]  }
0x2e: {  	s3 =	simm.s32 @!p0 $0x1082;
	s9 =	sld [smem:$0x3FB5]  }
0x2f: {  	lr =	sadd.s32 s0, s3;
	s0 =	sld [smem:$0x3FAC]  }
0x30: {  	s3 =	sld [smem:$0x3FAF]  }
0x31: {  	[smem:$0x3FB8] =	sst s10  }
0x32: {  	s10 =	sld [smem:$0x3FB6];
	_ =	sdelay $0x3  }
0x33: {  	p0 =	seq.s32 s10, $0x1;
	s10 =	sld [smem:$0x3FB8];
	_ =	sdelay $0x3  }
0x34: {  	[smem:$0x3FB8] =	sst s10  }
0x35: {  	s10 =	sld [smem:$0x3FB7];
	_ =	sdelay $0x3  }
0x36: {  	p1 =	seq.s32 s10, $0x1;
	s10 =	sld [smem:$0x3FB8];
	_ =	sdelay $0x3  }
0x37: {  	[smem:$0x3FB8] =	sst s10  }
0x38: {  	s10 =	sld [smem:$0x3FB9]  }
0x39: {  	_ = 	snop;
	(pc) =	sbr.ind lr, $3  }
0x3a: {  	_ = 	snop  }
0x3b: {  	_ = 	snop  }
0x3c: {  	p2 =	seq.s32 s10, $0x1;
	s10 =	sld [smem:$0x3FB8]  }
0x3d: {  	_ =	shalt  }
0x3e: {  	_ =	shalt  }
0x3f: {  	_ =	shalt  }
0x40: {  	_ =	shalt  }
0x41: {  	_ =	shalt  }
0x42: {  	_ =	shalt  }
0x43: {  	_ =	shalt  }
0x44: {  	_ =	shalt  }
0x45: {  	_ =	shalt  }
0x46: {  	_ =	shalt  }
0x47: {  	_ =	shalt  }
0x48: {  	_ =	shalt  }
0x49: {  	_ =	shalt  }
0x4a: {  	_ =	shalt  }
0x4b: {  	_ =	shalt  }
0x4c: {  	_ =	shalt  }
0x4d: {  	_ =	shalt  }
0x4e: {  	_ =	shalt  }
0x4f: {  	_ =	shalt  }
0x50: {  	_ =	shalt  }
0x51: {  	_ =	shalt  }
0x52: {  	_ =	shalt  }
0x53: {  	_ =	shalt  }
0x54: {  	_ =	shalt  }
0x55: {  	_ =	shalt  }
0x56: {  	_ =	shalt  }
0x57: {  	_ =	shalt  }
0x58: {  	_ =	shalt  }
0x59: {  	_ =	shalt  }
0x5a: {  	_ =	shalt  }
0x5b: {  	_ =	shalt  }
0x5c: {  	_ =	shalt  }
0x5d: {  	_ =	shalt  }
0x5e: {  	_ =	shalt  }
0x5f: {  	_ =	shalt  }
0x60: {  	_ =	shalt  }
0x61: {  	_ =	shalt  }
0x62: {  	_ =	shalt  }
0x63: {  	_ =	shalt  }
0x64: {  	_ =	shalt  }
0x65: {  	_ =	shalt  }
0x66: {  	_ =	shalt  }
0x67: {  	_ =	shalt  }
0x68: {  	_ =	shalt  }
0x69: {  	_ =	shalt  }
0x6a: {  	_ =	shalt  }
0x6b: {  	_ =	shalt  }
0x6c: {  	_ =	shalt  }
0x6d: {  	_ =	shalt  }
0x6e: {  	_ =	shalt  }
0x6f: {  	_ =	shalt  }
0x70: {  	_ =	shalt  }
0x71: {  	_ =	shalt  }
0x72: {  	_ =	shalt  }
0x73: {  	_ =	shalt  }
0x74: {  	_ =	shalt  }
0x75: {  	_ =	shalt  }
0x76: {  	_ =	shalt  }
0x77: {  	_ =	shalt  }
0x78: {  	_ =	shalt  }
0x79: {  	_ =	shalt  }
0x7a: {  	_ =	shalt  }
0x7b: {  	_ =	shalt  }
0x7c: {  	_ =	shalt  }
0x7d: {  	_ =	shalt  }
0x7e: {  	_ =	shalt  }
0x7f: {  	_ =	shalt  }
0x80: {  	_ =	shalt  }
0x81: {  	_ =	shalt  }
0x82: {  	_ =	shalt  }
0x83: {  	_ =	shalt  }
0x84: {  	_ =	shalt  }
0x85: {  	_ =	shalt  }
0x86: {  	_ =	shalt  }
0x87: {  	_ =	shalt  }
.Lfunc_end0:
.L_simem_size_0:
called_computation.1_lowered:
.L_overlay_start_0:
0x88: {  	s2 =	sld [smem:$0x3FD9]  }
0x89: {  	s3 =	sld [smem:$0x3FFE];
	_ =	sdelay $0x1  }
0x8a: {  	s1 =	srdreg.scid  }
0x8b: {  	s0 =	sand.u32 $0x1, s1  }
0x8c: {  	s17 =	sshll.u32 s0, $0xA;
	s2 =	sadd.s32 s3, s2  }
0x8d: {  	s2 =	sadd.s32 s2, s17  }
0x8e: {  	[smem:$0x3FC4] =	sst s2  }
0x8f: {  	_ = 	snop  }
0x90: {  	s2 =	sld [smem:$0x3FC9]  }
0x91: {  	s18 =	sld [smem:$0x3FD0];
	(tm) =	ssettm $0x1  }
0x92: {  	s4 =	sld [smem:$0x3FFB];
	_ =	sdelay $0x3  }
0x93: {  	_ =	strace s4  }
0x94: {  	s4 =	sld [smem:$0x3FFC];
	_ =	sdelay $0x3  }
0x95: {  	_ =	strace s4  }
0x96: {  	s4 =	sld [smem:$0x3FFD];
	_ =	sdelay $0x3  }
0x97: {  	_ =	strace s4  }
0x98: {  	_ =	strace $0x8FFFFFFF  }
0x99: {  	s19 =	sld [smem:$0x3FDB];
	_ =	sdelay $0x1  }
0x9a: {  	s5 =	simm.s32 $_scs_section_size  }
0x9b: {  	s6 =	simm.s32 $_size__tile_overlayer_lowered;
	s7 =	simm.s32 $_tile_overlayer_lowered  }
0x9c: {  	s22 =	simm.s32 $0x1BFF;
	s21 =	sshll.u32 s7, $0x1;
	s4 =	sadd.s32 s5, s19  }
0x9d: {  	s8 =	simm.s32 $0x0;
	s20 =	sshll.u32 s6, $0x1;
	s6 =	sadd.s32 s21, s4  }
0x9e: {  	[timem:s8], [sflag:s22] =	dma.local [hbm:s6], s20  }
0x9f: {  	_ =	swait.ge [sflag:s22], s20  }
0xa0: {  	s5 =	ssub.s32 $0x0, s20;
	[sflag:s22] =	ssyncset.done $0x0  }
0xa1: {  	[sflag:s22] =	ssyncadd.s32 s5;
	_ =	sdelay $0x1  }
0xa2: {  	s23 =	simm.s32 $0x1B8B  }
0xa3: {  	_ =	swait.ge [sflag:s23], $0x1  }
0xa4: {  	[sflag:s23] =	ssyncset.done $0x0  }
0xa5: {  	s25 =	simm.s32 $0x1B8E;
	s24 =	sld [smem:$0x3FFE];
	[sflag:s23] =	ssyncadd.s32 $0xFFFFFFFF  }
0xa6: {  	s26 =	simm.s32 $execute0_lowered;
	[smem:$0x3FD2] =	sst s25  }
0xa7: {  	s6 =	sshll.u32 s26, $0x1;
	_ =	strace $0x80000046;
	[dreg:$0x1] =	wrdreg $0xFFFFFFFF  }
0xa8: {  	s28 =	simm.s32 $_size_execute0_lowered;
	s4 =	sadd.s32 s4, s6;
	[dreg:$0x0] =	wrdreg $0x0  }
0xa9: {  	s6 =	sshll.u32 s28, $0x1;
	[dreg:$0x2] =	wrdreg s4  }
0xaa: {  	[dreg:$0x3] =	wrdreg s6  }
0xab: {  	[dreg:$0x4] =	wrdreg $0xC0  }
0xac: {  	_ =	task [dreg:s8], $0x5FFFF  }
0xad: {  	[dreg:$0x1] =	wrdreg $0xFFFFFFFF  }
0xae: {  	[dreg:$0x0] =	wrdreg $0x60  }
0xaf: {  	[dreg:$0x2] =	wrdreg s2  }
0xb0: {  	[dreg:$0x3] =	wrdreg s24  }
0xb1: {  	[dreg:$0x4] =	wrdreg s18  }
0xb2: {  	[dreg:$0x5] =	wrdreg $0x9  }
0xb3: {  	_ =	task.clear_ibuf [dreg:s8], $0x6FFFF;
	_ =	strace $0x90000046  }
0xb4: {  	s29 =	simm.s32 $0x9;
	_ =	strace $0x80000048  }
0xb5: {  	_ =	swait.ge [sflag:s29], $0x1  }
0xb6: {  	[sflag:s29] =	ssyncadd.s32 $0xFFFFFFFF  }
0xb7: {  	_ =	strace $0x90000048  }
0xb8: {  	_ =	sfence  }
0xb9: {  	s30 =	sld [smem:$0x0];
	_ =	sdelay $0x2  }
0xba: {  	s31 =	sshll.u32 s1, $0xD;
	s1 =	sshrl.u32 s1, $0x2  }
0xbb: {  	s3 =	sand.u32 $0x4000, s31;
	s1 =	sadd.s32 s1, s30  }
0xbc: {  	s0 =	sor.u32 s3, s0;
	s1 =	sshll.u32 s1, $0x11  }
0xbd: {  	s0 =	sor.u32 s1, s0  }
0xbe: {  	s0 =	sadd.s32 $0x8F2B, s0  }
0xbf: {  	[sflag:s0] =	ssyncadd.remote.s32 $0x1  }
0xc0: {  	_ =	sfence.sel $0xFFFF  }
0xc1: {  	[dreg:$0x0] =	wrdreg $0xFFFFFFFF;
	(pc) =	sbr.abs _section_cstart, $3  }
0xc2: {  	[dreg:$0x1] =	wrdreg $0xFFFFFFFF  }
0xc3: {  	_ =	task.clear_ibuf [dreg:s8], $0x2FFFF;
	_ =	strace $0x9FFFFFFF  }
0xc4: {  	(tm) =	ssettm $0x7FFFFFFF  }
0xc5: {  	_ =	shalt  }
tec
execute0_lowered:
.L_overlay_start_1:
0x0: {  	(tag) =	ssettag $0x1  }
0x1: {  	s1 =	rddreg [dreg:$0x0]  }
0x2: {  	s0 =	rddreg [dreg:$0x1]  }
0x3: {  	s2 =	rddreg [dreg:$0x2];
	s3 =	simm.s32 $0x0  }
0x4: {  	s4 =	srdreg.scid;
	s7 =	stileid.u32;
	s28 =	simm.s32 $0x80  }
0x5: {  	s29 =	simm.s32 $0x3840;
	s30 =	simm.s32 $0x48;
	s31 =	simm.s32 $0x10040  }
0x6: {  	[smem:$0x7FF] =	sst s3;
	s5 =	sadd.s32 $0xC00, s0;
	s4 =	sand.u32 $0x1, s4  }
0x7: {  	s6 =	sadd.s32 $0xF43000, s0;
	s7 =	sshll.u32 s7, $0x8;
	s8 =	sshll.u32 s4, $0x7  }
0x8: {  	s0 =	sadd.s32 $0x9C00, s0;
	_ =	strace $0x80000047;
	s8 =	sor.u32 s8, s7  }
0x9: {  	[dreg:$0x4] =	wrdreg s0;
	s17 =	ssub.s32 $0x2, s4;
	s7 =	smul.u32 $0x9, s8  }
0xa: {  	s4 =	sshrl.u32 s17, $0x1;
	s10 =	sor.u32 $0x4, s8;
	s21 =	smul.u32 $0x3200, s8  }
0xb: {  	s11 =	sshll.u32 s8, $0x4;
	s9 =	sor.u32 $0x8, s8;
	s23 =	smul.u32 $0x640, s8  }
0xc: {  	s0 =	ssub.s32 s17, s4;
	s17 =	sor.u32 $0xC, s8;
	s12 =	smul.u32 $0x9, s10  }
0xd: {  	s18 =	sadd.s32 s1, s11;
	s19 =	smul.u32 $0x9, s9;
	s20 =	sshll.u32 s10, $0x4  }
0xe: {  	s22 =	sshll.u32 s9, $0x4;
	s0 =	smax.u32 s0, $0x1;
	s10 =	simm.s32 $0x4  }
0xf: {  	[dreg:$0x5] =	wrdreg s18;
	s7 =	sadd.s32 s5, s7;
	s24 =	sshrl.u32 s21, $0x3  }
0x10: {  	s25 =	sadd.s32 s2, s23;
	s18 =	sor.u32 $0x10, s8;
	[dreg:$0xd] =	wrdreg s0  }
0x11: {  	s23 =	simm.s32 $0x3400;
	s21 =	simm.s32 $0x2;
	s0 =	simm.s32 $0x1B640  }
0x12: {  	[dreg:$0x6] =	wrdreg s7;
	s7 =	sadd.s32 s1, s20;
	s12 =	sadd.s32 s5, s12  }
0x13: {  	s4 =	sadd.s32 s5, s19;
	[dreg:$0xb] =	wrdreg s25;
	s26 =	sadd.s32 s2, s24  }
0x14: {  	s24 =	simm.s32 $0x3520;
	s25 =	simm.s32 $0x3720;
	[dreg:$0x7] =	wrdreg s7  }
0x15: {  	s20 =	simm.s32 $0x37F8;
	[dreg:$0x8] =	wrdreg s12;
	s7 =	sadd.s32 s1, s22  }
0x16: {  	[dreg:$0xa] =	wrdreg s4;
	s4 =	sadd.s32 $0x30700, s26;
	s22 =	simm.s32 $0x3200  }
0x17: {  	s26 =	simm.s32 $0x1;
	s12 =	simm.s32 $0x0;
	[dreg:$0x9] =	wrdreg s7  }
0x18: {  	[dreg:$0xc] =	wrdreg s4;
	s4 =	simm.s32 $0x3;
	s7 =	simm.s32 $0x5  }
.LBB2_1:
0x19: {  	[dreg:$0xe] =	wrdreg s12  }
0x1a: {  	s11 =	rddreg [dreg:$0x4];
	s16 =	simm.s32 $0x6  }
0x1b: {  	[tilespmem:s3], [sflag:$0x6] =	stream.linear.gather [hbm4b:s11+s3], $0x3200, $0x38;
	[tilespmem:$0x1C840] =	vst v63  }
0x1c: {  	_ =	swait.ge [sflag:s16], $0x3200  }
0x1d: {  	[sflag:s16] =	ssyncset.done $0x0  }
0x1e: {  	s19 =	rddreg [dreg:$0x5];
	[sflag:s16] =	ssyncadd.s32 $0xFFFFCE00  }
0x1f: {  	[tilespmem:s22], [sflag:$0x1] =	stream.linear.gather [hbm4b:s19+s3], $0x200, $0x38;
	[tilespmem:$0x1C840] =	vst v63  }
0x20: {  	s12 =	rddreg [dreg:$0x6]  }
0x21: {  	[tilespmem:s23], [sflag:$0x1] =	stream.linear.gather [hbm4b:s12+s3], $0x120, $0x38;
	[tilespmem:$0x1C840] =	vst v63  }
0x22: {  	s13 =	rddreg [dreg:$0x7]  }
0x23: {  	[tilespmem:s24], [sflag:$0x2] =	stream.linear.gather [hbm4b:s13+s3], $0x200, $0x38;
	[tilespmem:$0x1C840] =	vst v63  }
0x24: {  	s14 =	rddreg [dreg:$0x8]  }
0x25: {  	[tilespmem:s25], [sflag:$0x2] =	stream.linear.gather [hbm4b:s14+s3], $0x120, $0x38;
	[tilespmem:$0x1C840] =	vst v63  }
0x26: {  	_ =	swait.ge [sflag:s26], $0x200  }
0x27: {  	[sflag:s26] =	ssyncset.done $0x0  }
0x28: {  	[sflag:s26] =	ssyncadd.s32 $0xFFFFFE00  }
0x29: {  	_ =	swait.ge [sflag:s26], $0x120  }
0x2a: {  	[sflag:s26] =	ssyncset.done $0x0  }
0x2b: {  	[sflag:s26] =	ssyncadd.s32 $0xFFFFFEE0  }
0x2c: {  	[tilespmem:s29], [sflag:$0x3] =	stream.indirect.gather [hbm4b:s6+s28], $0x40, s22, s28, $0xb8;
	[tilespmem:$0x1C840] =	vst v63  }
0x2d: {  	s15 =	simm.s32 $0x5840  }
0x2e: {  	[tilespmem:s15], [sflag:$0x3] =	stream.indirect.gather [hbm4b:s6+s30], $0x40, s23, s30, $0xb8;
	[tilespmem:$0x1C840] =	vst v63  }
0x2f: {  	s16 =	simm.s32 $0x3280;
	s19 =	simm.s32 $0x6A40  }
0x30: {  	[tilespmem:s19], [sflag:$0x3] =	stream.indirect.gather [hbm4b:s6+s28], $0x40, s16, s28, $0xb8;
	[tilespmem:$0x1C840] =	vst v63  }
0x31: {  	s12 =	simm.s32 $0x3448;
	s13 =	simm.s32 $0x8A40  }
0x32: {  	[tilespmem:s13], [sflag:$0x3] =	stream.indirect.gather [hbm4b:s6+s30], $0x40, s12, s30, $0xb8;
	[tilespmem:$0x1C840] =	vst v63  }
0x33: {  	s14 =	simm.s32 $0x3300;
	s15 =	simm.s32 $0x9C40  }
0x34: {  	[tilespmem:s15], [sflag:$0x3] =	stream.indirect.gather [hbm4b:s6+s28], $0x40, s14, s28, $0xb8;
	[tilespmem:$0x1C840] =	vst v63  }
0x35: {  	s16 =	simm.s32 $0x3490;
	s19 =	simm.s32 $0xBC40  }
0x36: {  	[tilespmem:s19], [sflag:$0x3] =	stream.indirect.gather [hbm4b:s6+s30], $0x40, s16, s30, $0xb8;
	[tilespmem:$0x1C840] =	vst v63  }
0x37: {  	s13 =	simm.s32 $0x3380;
	s14 =	simm.s32 $0xCE40  }
0x38: {  	[tilespmem:s14], [sflag:$0x3] =	stream.indirect.gather [hbm4b:s6+s28], $0x40, s13, s28, $0xb8;
	[tilespmem:$0x1C840] =	vst v63  }
0x39: {  	s15 =	simm.s32 $0x34D8;
	s16 =	simm.s32 $0xEE40  }
0x3a: {  	[tilespmem:s16], [sflag:$0x3] =	stream.indirect.gather [hbm4b:s6+s30], $0x40, s15, s30, $0xb8;
	[tilespmem:$0x1C840] =	vst v63  }
0x3b: {  	_ =	swait.ge [sflag:s21], $0x200  }
0x3c: {  	[sflag:s21] =	ssyncset.done $0x0  }
0x3d: {  	[sflag:s21] =	ssyncadd.s32 $0xFFFFFE00  }
0x3e: {  	_ =	swait.ge [sflag:s21], $0x120  }
0x3f: {  	[sflag:s21] =	ssyncset.done $0x0  }
0x40: {  	[sflag:s21] =	ssyncadd.s32 $0xFFFFFEE0  }
0x41: {  	[tilespmem:s31], [sflag:$0x4] =	stream.indirect.gather [hbm4b:s6+s28], $0x40, s24, s28, $0xb8;
	[tilespmem:$0x1C840] =	vst v63  }
0x42: {  	s19 =	simm.s32 $0x12040  }
0x43: {  	[tilespmem:s19], [sflag:$0x4] =	stream.indirect.gather [hbm4b:s6+s30], $0x40, s25, s30, $0xb8;
	[tilespmem:$0x1C840] =	vst v63  }
0x44: {  	s12 =	simm.s32 $0x35A0;
	s13 =	simm.s32 $0x13240  }
0x45: {  	[tilespmem:s13], [sflag:$0x4] =	stream.indirect.gather [hbm4b:s6+s28], $0x40, s12, s28, $0xb8;
	[tilespmem:$0x1C840] =	vst v63  }
0x46: {  	s14 =	simm.s32 $0x3768;
	s15 =	simm.s32 $0x15240  }
0x47: {  	[tilespmem:s15], [sflag:$0x4] =	stream.indirect.gather [hbm4b:s6+s30], $0x40, s14, s30, $0xb8;
	[tilespmem:$0x1C840] =	vst v63  }
0x48: {  	s16 =	simm.s32 $0x3620;
	s19 =	simm.s32 $0x16440  }
0x49: {  	[tilespmem:s19], [sflag:$0x4] =	stream.indirect.gather [hbm4b:s6+s28], $0x40, s16, s28, $0xb8;
	[tilespmem:$0x1C840] =	vst v63  }
0x4a: {  	s12 =	simm.s32 $0x37B0;
	s13 =	simm.s32 $0x18440  }
0x4b: {  	[tilespmem:s13], [sflag:$0x4] =	stream.indirect.gather [hbm4b:s6+s30], $0x40, s12, s30, $0xb8;
	[tilespmem:$0x1C840] =	vst v63  }
0x4c: {  	s14 =	simm.s32 $0x36A0;
	s15 =	simm.s32 $0x19640  }
0x4d: {  	[tilespmem:s15], [sflag:$0x4] =	stream.indirect.gather [hbm4b:s6+s28], $0x40, s14, s28, $0xb8;
	[tilespmem:$0x1C840] =	vst v63  }
0x4e: {  	_ = 	snop  }
0x4f: {  	[tilespmem:s0], [sflag:$0x4] =	stream.indirect.gather [hbm4b:s6+s30], $0x40, s20, s30, $0xb8;
	[tilespmem:$0x1C840] =	vst v63  }
0x50: {  	_ =	swait.ge [sflag:s4], $0xC800  }
0x51: {  	[sflag:s4] =	ssyncset.done $0x0  }
0x52: {  	s16 =	rddreg [dreg:$0x9];
	[sflag:s4] =	ssyncadd.s32 $0xFFFF3800  }
0x53: {  	[tilespmem:s22], [sflag:$0x1] =	stream.linear.gather [hbm4b:s16+s3], $0x200, $0x38;
	[tilespmem:$0x1C840] =	vst v63  }
0x54: {  	s11 =	simm.s32 $0x0;
	s19 =	rddreg [dreg:$0xa]  }
0x55: {  	[tilespmem:s23], [sflag:$0x1] =	stream.linear.gather [hbm4b:s19+s3], $0x120, $0x38;
	[tilespmem:$0x1C840] =	vst v63  }
0x56: {  	v1 =	vld [tilespmem:s11+$0x0]  }
0x57: {  	v0 =	vld [tilespmem:s11+$0x3840]  }
0x58: {  	v2 =	vld [tilespmem:s11+$0x6A40]  }
0x59: {  	v3 =	vld [tilespmem:s11+$0x9C40]  }
0x5a: {  	v4 =	vld [tilespmem:s11+$0xCE40]  }
0x5b: {  	v5 =	vld [tilespmem:s11+$0x10]  }
0x5c: {  	v6 =	vld [tilespmem:s11+$0x3850]  }
0x5d: {  	v7 =	vld [tilespmem:s11+$0x6A50]  }
0x5e: {  	v8 =	vld [tilespmem:s11+$0x9C50]  }
0x5f: {  	v9 =	vld [tilespmem:s11+$0x6A60]  }
0x60: {  	v10 =	vld [tilespmem:s11+$0x3880]  }
0x61: {  	v11 =	vld [tilespmem:s11+$0x6A80];
	v0 =	vadd.f32 v0, v1;
	v2 =	vadd.f32 v2, v1  }
0x62: {  	v3 =	vadd.f32 v3, v1;
	v1 =	vadd.f32 v4, v1;
	v4 =	vld [tilespmem:s11+$0xCEB0]  }
0x63: {  	[tilespmem:s11+$0x3840] =	vst v0;
	v0 =	vld [tilespmem:s11+$0x70]  }
0x64: {  	[tilespmem:s11+$0x6A40] =	vst v2;
	v2 =	vld [tilespmem:s11+$0xCE50]  }
0x65: {  	[tilespmem:s11+$0x9C40] =	vst v3;
	v3 =	vld [tilespmem:s11+$0x20]  }
0x66: {  	[tilespmem:s11+$0xCE40] =	vst v1;
	v1 =	vadd.f32 v6, v5;
	v6 =	vld [tilespmem:s11+$0x3860]  }
0x67: {  	v12 =	vld [tilespmem:s11+$0x9C80];
	v7 =	vadd.f32 v7, v5  }
0x68: {  	[tilespmem:s11+$0x3850] =	vst v1;
	v1 =	vld [tilespmem:s11+$0x9C60];
	v4 =	vadd.f32 v4, v0  }
0x69: {  	v8 =	vadd.f32 v8, v5;
	[tilespmem:s11+$0x6A50] =	vst v7;
	v7 =	vld [tilespmem:s11+$0xCE60]  }
0x6a: {  	v2 =	vadd.f32 v2, v5;
	[tilespmem:s11+$0xCEB0] =	vst v4;
	v4 =	vld [tilespmem:s11+$0x40]  }
0x6b: {  	v13 =	vld [tilespmem:s11+$0xCE80];
	[tilespmem:s11+$0x9C50] =	vst v8;
	v6 =	vadd.f32 v6, v3  }
0x6c: {  	v8 =	vld [tilespmem:s11+$0x30];
	v9 =	vadd.f32 v9, v3;
	[tilespmem:s11+$0xCE50] =	vst v2  }
0x6d: {  	v5 =	vld [tilespmem:s11+$0x50];
	[tilespmem:s11+$0x3860] =	vst v6;
	v62 =	vadd.f32 v1, v3  }
0x6e: {  	v2 =	vld [tilespmem:s11+$0x3870];
	[tilespmem:s11+$0x6A60] =	vst v9;
	v3 =	vadd.f32 v7, v3  }
0x6f: {  	v6 =	vld [tilespmem:s11+$0xCE90];
	[tilespmem:s11+$0x9C60] =	vst v62;
	v10 =	vadd.f32 v10, v4  }
0x70: {  	v7 =	vld [tilespmem:s11+$0xCE70];
	[tilespmem:s11+$0xCE60] =	vst v3;
	v11 =	vadd.f32 v11, v4  }
0x71: {  	v14 =	vld [tilespmem:s11+$0x3890];
	v12 =	vadd.f32 v12, v4;
	[tilespmem:s11+$0x3880] =	vst v10  }
0x72: {  	v60 =	vld [tilespmem:s11+$0x6A70];
	v4 =	vadd.f32 v13, v4;
	[tilespmem:s11+$0x6A80] =	vst v11  }
0x73: {  	v15 =	vld [tilespmem:s11+$0x6A90];
	v3 =	vadd.f32 v2, v8;
	[tilespmem:s11+$0x9C80] =	vst v12  }
0x74: {  	v59 =	vld [tilespmem:s11+$0x9C90];
	v6 =	vadd.f32 v6, v5;
	[tilespmem:s11+$0xCE80] =	vst v4  }
0x75: {  	v61 =	vld [tilespmem:s11+$0x9C70];
	v7 =	vadd.f32 v7, v8;
	[tilespmem:s11+$0x3870] =	vst v3  }
0x76: {  	v63 =	vld [tilespmem:s11+$0x38A0];
	v4 =	vadd.f32 v14, v5;
	[tilespmem:s11+$0xCE90] =	vst v6  }
0x77: {  	v1 =	vld [tilespmem:s11+$0x60];
	v11 =	vadd.f32 v60, v8;
	[tilespmem:s11+$0xCE70] =	vst v7  }
0x78: {  	v2 =	vld [tilespmem:s11+$0x6AA0];
	[tilespmem:s11+$0x3890] =	vst v4;
	v4 =	vadd.f32 v15, v5  }
0x79: {  	v3 =	vld [tilespmem:s11+$0x9CA0];
	v10 =	vadd.f32 v59, v5;
	[tilespmem:s11+$0x6A70] =	vst v11  }
0x7a: {  	v12 =	vadd.f32 v61, v8;
	[tilespmem:s11+$0x6A90] =	vst v4;
	v4 =	vld [tilespmem:s11+$0xCEA0]  }
0x7b: {  	[tilespmem:s11+$0x9C90] =	vst v10;
	v5 =	vld [tilespmem:s11+$0x38B0]  }
0x7c: {  	s12 =	simm.s32 $0x0;
	s13 =	simm.s32 $0x200;
	v7 =	vadd.f32 v63, v1;
	v6 =	vld [tilespmem:s11+$0x6AB0];
	[tilespmem:s11+$0x9C70] =	vst v12  }
.LBB2_2:
0x7d: {  	s14 =	sshra.s32 s13, $0x2;
	v2 =	vadd.f32 v2, v1;
	v8 =	vld [tilespmem:s11+$0x9CB0]  }
0x7e: {  	s12 =	sadd.s32 $0x2, s12;
	v9 =	vld [tilespmem:s14+$0x70];
	[tilespmem:s11+$0x38A0] =	vst v7;
	v3 =	vadd.f32 v3, v1  }
0x7f: {  	p0 =	slt.u32 s12, $0xC6;
	v7 =	vld [tilespmem:s14+$0xCEB0];
	[tilespmem:s11+$0x6AA0] =	vst v2;
	v1 =	vadd.f32 v4, v1  }
0x80: {  	v2 =	vld [tilespmem:s14+$0x0];
	[tilespmem:s11+$0x9CA0] =	vst v3;
	v3 =	vadd.f32 v5, v0  }
0x81: {  	v4 =	vld [tilespmem:s14+$0x3840];
	[tilespmem:s11+$0xCEA0] =	vst v1;
	v1 =	vadd.f32 v6, v0  }
0x82: {  	v5 =	vld [tilespmem:s14+$0x6A40];
	[tilespmem:s11+$0x38B0] =	vst v3;
	v3 =	vadd.f32 v8, v0  }
0x83: {  	v6 =	vld [tilespmem:s14+$0x9C40];
	[tilespmem:s11+$0x6AB0] =	vst v1;
	v0 =	vmov v9  }
0x84: {  	v1 =	vld [tilespmem:s14+$0xCE40];
	v7 =	vadd.f32 v7, v0;
	[tilespmem:s11+$0x9CB0] =	vst v3;
	s11 =	smov.u32 s14  }
0x85: {  	v3 =	vld [tilespmem:s11+$0x10]  }
0x86: {  	v4 =	vadd.f32 v4, v2;
	v8 =	vld [tilespmem:s11+$0x3850];
	[tilespmem:s11+$0xCEB0] =	vst v7  }
0x87: {  	v5 =	vadd.f32 v5, v2;
	v7 =	vld [tilespmem:s11+$0x6A50]  }
0x88: {  	[tilespmem:s11+$0x3840] =	vst v4;
	v4 =	vadd.f32 v6, v2;
	v6 =	vld [tilespmem:s11+$0x9C50]  }
0x89: {  	[tilespmem:s11+$0x6A40] =	vst v5;
	v1 =	vadd.f32 v1, v2;
	v2 =	vld [tilespmem:s11+$0xCE50]  }
0x8a: {  	[tilespmem:s11+$0x9C40] =	vst v4;
	v4 =	vld [tilespmem:s11+$0x20]  }
0x8b: {  	[tilespmem:s11+$0xCE40] =	vst v1;
	v1 =	vadd.f32 v8, v3;
	v5 =	vld [tilespmem:s11+$0x3860]  }
0x8c: {  	v7 =	vadd.f32 v7, v3;
	v8 =	vld [tilespmem:s11+$0x6A60]  }
0x8d: {  	[tilespmem:s11+$0x3850] =	vst v1;
	v1 =	vadd.f32 v6, v3;
	v6 =	vld [tilespmem:s11+$0x9C60]  }
0x8e: {  	[tilespmem:s11+$0x6A50] =	vst v7;
	v2 =	vadd.f32 v2, v3;
	v3 =	vld [tilespmem:s11+$0xCE60]  }
0x8f: {  	[tilespmem:s11+$0x9C50] =	vst v1;
	v1 =	vld [tilespmem:s11+$0x30]  }
0x90: {  	[tilespmem:s11+$0xCE50] =	vst v2;
	v2 =	vadd.f32 v5, v4;
	v5 =	vld [tilespmem:s11+$0x3870]  }
0x91: {  	v7 =	vadd.f32 v8, v4;
	v8 =	vld [tilespmem:s11+$0x6A70]  }
0x92: {  	[tilespmem:s11+$0x3860] =	vst v2;
	v2 =	vadd.f32 v6, v4;
	v6 =	vld [tilespmem:s11+$0x9C70]  }
0x93: {  	[tilespmem:s11+$0x6A60] =	vst v7;
	v3 =	vadd.f32 v3, v4;
	v4 =	vld [tilespmem:s11+$0xCE70]  }
0x94: {  	[tilespmem:s11+$0x9C60] =	vst v2;
	v2 =	vld [tilespmem:s11+$0x40]  }
0x95: {  	[tilespmem:s11+$0xCE60] =	vst v3;
	v3 =	vadd.f32 v5, v1;
	v5 =	vld [tilespmem:s11+$0x3880]  }
0x96: {  	v7 =	vadd.f32 v8, v1;
	v8 =	vld [tilespmem:s11+$0x6A80]  }
0x97: {  	[tilespmem:s11+$0x3870] =	vst v3;
	v3 =	vadd.f32 v6, v1;
	v6 =	vld [tilespmem:s11+$0x9C80]  }
0x98: {  	[tilespmem:s11+$0x6A70] =	vst v7;
	v1 =	vadd.f32 v4, v1;
	v4 =	vld [tilespmem:s11+$0xCE80]  }
0x99: {  	[tilespmem:s11+$0x9C70] =	vst v3;
	v7 =	vld [tilespmem:s11+$0x50]  }
0x9a: {  	[tilespmem:s11+$0xCE70] =	vst v1;
	v1 =	vadd.f32 v5, v2;
	v3 =	vld [tilespmem:s11+$0x3890]  }
0x9b: {  	v5 =	vadd.f32 v8, v2;
	v8 =	vld [tilespmem:s11+$0x6A90]  }
0x9c: {  	[tilespmem:s11+$0x3880] =	vst v1;
	v1 =	vadd.f32 v6, v2;
	v6 =	vld [tilespmem:s11+$0x9C90]  }
0x9d: {  	[tilespmem:s11+$0x6A80] =	vst v5;
	v2 =	vadd.f32 v4, v2;
	v4 =	vld [tilespmem:s11+$0xCE90]  }
0x9e: {  	[tilespmem:s11+$0x9C80] =	vst v1;
	v1 =	vld [tilespmem:s11+$0x60]  }
0x9f: {  	[tilespmem:s11+$0xCE80] =	vst v2;
	v3 =	vadd.f32 v3, v7;
	v9 =	vld [tilespmem:s11+$0x38A0]  }
.Ltmp0:
0xa0: {  	v5 =	vadd.f32 v8, v7;
	v2 =	vld [tilespmem:s11+$0x6AA0];
	(pc) =	sbr.rel @p0 .LBB2_2-.Ltmp0, $4  }
0xa1: {  	[tilespmem:s11+$0x3890] =	vst v3;
	v6 =	vadd.f32 v6, v7;
	v3 =	vld [tilespmem:s11+$0x9CA0]  }
0xa2: {  	[tilespmem:s11+$0x6A90] =	vst v5;
	v7 =	vadd.f32 v4, v7;
	v4 =	vld [tilespmem:s11+$0xCEA0]  }
0xa3: {  	[tilespmem:s11+$0x9C90] =	vst v6;
	v5 =	vld [tilespmem:s11+$0x38B0]  }
0xa4: {  	s13 =	sadd.s32 $0x200, s13;
	[tilespmem:s11+$0xCE90] =	vst v7;
	v7 =	vadd.f32 v9, v1;
	v6 =	vld [tilespmem:s11+$0x6AB0]  }
0xa5: {  	v2 =	vadd.f32 v2, v1;
	v8 =	vld [tilespmem:s11+$0x9CB0]  }
0xa6: {  	[tilespmem:s11+$0x38A0] =	vst v7;
	v3 =	vadd.f32 v3, v1  }
0xa7: {  	[tilespmem:s11+$0x6AA0] =	vst v2;
	v60 =	vadd.f32 v4, v1  }
0xa8: {  	[tilespmem:s11+$0x9CA0] =	vst v3;
	v61 =	vadd.f32 v5, v0  }
0xa9: {  	[tilespmem:s11+$0xCEA0] =	vst v60;
	v62 =	vadd.f32 v6, v0  }
0xaa: {  	[tilespmem:s11+$0x38B0] =	vst v61;
	v63 =	vadd.f32 v8, v0  }
0xab: {  	[tilespmem:s11+$0x6AB0] =	vst v62  }
0xac: {  	[tilespmem:s11+$0x9CB0] =	vst v63  }
0xad: {  	s11 =	simm.s32 $0x0;
	s12 =	rddreg [dreg:$0xb]  }
0xae: {  	[hbm4b:s12+s11] =	stream.linear.scatter [tilespmem:s29], [sflag:$0x5], $0xC800, $0x38;
	[tilespmem:$0x1C840] =	vst v63  }
0xaf: {  	s12 =	simm.s32 $0x0  }
.LBB2_4:
0xb0: {  	_ =	swait.ge [sflag:s7], $0xC800  }
0xb1: {  	[sflag:s7] =	ssyncset.done $0x0  }
0xb2: {  	[sflag:s7] =	ssyncadd.s32 $0xFFFF3800  }
0xb3: {  	_ =	swait.ge [sflag:s26], $0x200  }
0xb4: {  	[sflag:s26] =	ssyncset.done $0x0  }
0xb5: {  	[sflag:s26] =	ssyncadd.s32 $0xFFFFFE00  }
0xb6: {  	_ =	swait.ge [sflag:s26], $0x120  }
0xb7: {  	[sflag:s26] =	ssyncset.done $0x0  }
0xb8: {  	[sflag:s26] =	ssyncadd.s32 $0xFFFFFEE0  }
0xb9: {  	[tilespmem:s29], [sflag:$0x3] =	stream.indirect.gather [hbm4b:s6+s28], $0x40, s22, s28, $0xb8;
	[tilespmem:$0x1C840] =	vst v63  }
0xba: {  	s13 =	simm.s32 $0x5840  }
0xbb: {  	[tilespmem:s13], [sflag:$0x3] =	stream.indirect.gather [hbm4b:s6+s30], $0x40, s23, s30, $0xb8;
	[tilespmem:$0x1C840] =	vst v63  }
0xbc: {  	s19 =	simm.s32 $0x3280;
	s14 =	simm.s32 $0x6A40  }
0xbd: {  	[tilespmem:s14], [sflag:$0x3] =	stream.indirect.gather [hbm4b:s6+s28], $0x40, s19, s28, $0xb8;
	[tilespmem:$0x1C840] =	vst v63  }
0xbe: {  	s15 =	simm.s32 $0x8A40;
	s14 =	simm.s32 $0x3448  }
0xbf: {  	[tilespmem:s15], [sflag:$0x3] =	stream.indirect.gather [hbm4b:s6+s30], $0x40, s14, s30, $0xb8;
	[tilespmem:$0x1C840] =	vst v63  }
0xc0: {  	s16 =	simm.s32 $0x3300;
	s19 =	simm.s32 $0x9C40  }
0xc1: {  	[tilespmem:s19], [sflag:$0x3] =	stream.indirect.gather [hbm4b:s6+s28], $0x40, s16, s28, $0xb8;
	[tilespmem:$0x1C840] =	vst v63  }
0xc2: {  	s14 =	simm.s32 $0x3490;
	s15 =	simm.s32 $0xBC40  }
0xc3: {  	[tilespmem:s15], [sflag:$0x3] =	stream.indirect.gather [hbm4b:s6+s30], $0x40, s14, s30, $0xb8;
	[tilespmem:$0x1C840] =	vst v63  }
0xc4: {  	s16 =	simm.s32 $0x3380;
	s19 =	simm.s32 $0xCE40  }
0xc5: {  	[tilespmem:s19], [sflag:$0x3] =	stream.indirect.gather [hbm4b:s6+s28], $0x40, s16, s28, $0xb8;
	[tilespmem:$0x1C840] =	vst v63  }
0xc6: {  	s13 =	sshll.u32 s12, $0x3;
	s15 =	simm.s32 $0x34D8;
	s16 =	simm.s32 $0xEE40  }
0xc7: {  	[tilespmem:s16], [sflag:$0x3] =	stream.indirect.gather [hbm4b:s6+s30], $0x40, s15, s30, $0xb8;
	[tilespmem:$0x1C840] =	vst v63  }
0xc8: {  	s19 =	sadd.s32 s13, s17;
	_ =	swait.ge [sflag:s10], $0xC800  }
0xc9: {  	s15 =	sshll.u32 s19, $0x4;
	[sflag:s10] =	ssyncset.done $0x0  }
0xca: {  	s14 =	smul.u32 $0x9, s19;
	s15 =	sadd.s32 s1, s15;
	[sflag:s10] =	ssyncadd.s32 $0xFFFF3800  }
0xcb: {  	[tilespmem:s24], [sflag:$0x2] =	stream.linear.gather [hbm4b:s15+s11], $0x200, $0x38;
	[tilespmem:$0x1C840] =	vst v63  }
0xcc: {  	s14 =	sadd.s32 s5, s14  }
0xcd: {  	[tilespmem:s25], [sflag:$0x2] =	stream.linear.gather [hbm4b:s14+s11], $0x120, $0x38;
	[tilespmem:$0x1C840] =	vst v63  }
0xce: {  	s14 =	simm.s32 $0x0  }
0xcf: {  	v1 =	vld [tilespmem:s14+$0x0]  }
0xd0: {  	v0 =	vld [tilespmem:s14+$0x10040]  }
0xd1: {  	v2 =	vld [tilespmem:s14+$0x13240]  }
0xd2: {  	v3 =	vld [tilespmem:s14+$0x16440]  }
0xd3: {  	v4 =	vld [tilespmem:s14+$0x19640]  }
0xd4: {  	v5 =	vld [tilespmem:s14+$0x10]  }
0xd5: {  	v6 =	vld [tilespmem:s14+$0x10050]  }
0xd6: {  	v7 =	vld [tilespmem:s14+$0x13250]  }
0xd7: {  	v8 =	vld [tilespmem:s14+$0x16450]  }
0xd8: {  	v9 =	vld [tilespmem:s14+$0x13260]  }
0xd9: {  	v10 =	vld [tilespmem:s14+$0x10080]  }
0xda: {  	v11 =	vld [tilespmem:s14+$0x13280];
	v0 =	vadd.f32 v0, v1;
	v2 =	vadd.f32 v2, v1  }
0xdb: {  	v3 =	vadd.f32 v3, v1;
	v1 =	vadd.f32 v4, v1;
	v4 =	vld [tilespmem:s14+$0x196B0]  }
0xdc: {  	[tilespmem:s14+$0x10040] =	vst v0;
	v0 =	vld [tilespmem:s14+$0x70]  }
0xdd: {  	[tilespmem:s14+$0x13240] =	vst v2;
	v2 =	vld [tilespmem:s14+$0x19650]  }
0xde: {  	[tilespmem:s14+$0x16440] =	vst v3;
	v3 =	vld [tilespmem:s14+$0x20]  }
0xdf: {  	[tilespmem:s14+$0x19640] =	vst v1;
	v1 =	vadd.f32 v6, v5;
	v6 =	vld [tilespmem:s14+$0x10060]  }
0xe0: {  	v12 =	vld [tilespmem:s14+$0x16480];
	v7 =	vadd.f32 v7, v5  }
0xe1: {  	[tilespmem:s14+$0x10050] =	vst v1;
	v1 =	vld [tilespmem:s14+$0x16460];
	v4 =	vadd.f32 v4, v0  }
0xe2: {  	v8 =	vadd.f32 v8, v5;
	[tilespmem:s14+$0x13250] =	vst v7;
	v7 =	vld [tilespmem:s14+$0x19660]  }
0xe3: {  	v2 =	vadd.f32 v2, v5;
	[tilespmem:s14+$0x196B0] =	vst v4;
	v4 =	vld [tilespmem:s14+$0x40]  }
0xe4: {  	v13 =	vld [tilespmem:s14+$0x19680];
	[tilespmem:s14+$0x16450] =	vst v8;
	v6 =	vadd.f32 v6, v3  }
0xe5: {  	v8 =	vld [tilespmem:s14+$0x30];
	v9 =	vadd.f32 v9, v3;
	[tilespmem:s14+$0x19650] =	vst v2  }
0xe6: {  	v5 =	vld [tilespmem:s14+$0x50];
	[tilespmem:s14+$0x10060] =	vst v6;
	v62 =	vadd.f32 v1, v3  }
0xe7: {  	v2 =	vld [tilespmem:s14+$0x10070];
	[tilespmem:s14+$0x13260] =	vst v9;
	v3 =	vadd.f32 v7, v3  }
0xe8: {  	v6 =	vld [tilespmem:s14+$0x19690];
	[tilespmem:s14+$0x16460] =	vst v62;
	v10 =	vadd.f32 v10, v4  }
0xe9: {  	v7 =	vld [tilespmem:s14+$0x19670];
	[tilespmem:s14+$0x19660] =	vst v3;
	v11 =	vadd.f32 v11, v4  }
0xea: {  	v14 =	vld [tilespmem:s14+$0x10090];
	v12 =	vadd.f32 v12, v4;
	[tilespmem:s14+$0x10080] =	vst v10  }
0xeb: {  	v60 =	vld [tilespmem:s14+$0x13270];
	v4 =	vadd.f32 v13, v4;
	[tilespmem:s14+$0x13280] =	vst v11  }
0xec: {  	v15 =	vld [tilespmem:s14+$0x13290];
	v3 =	vadd.f32 v2, v8;
	[tilespmem:s14+$0x16480] =	vst v12  }
0xed: {  	v59 =	vld [tilespmem:s14+$0x16490];
	v6 =	vadd.f32 v6, v5;
	[tilespmem:s14+$0x19680] =	vst v4  }
0xee: {  	v61 =	vld [tilespmem:s14+$0x16470];
	v7 =	vadd.f32 v7, v8;
	[tilespmem:s14+$0x10070] =	vst v3  }
0xef: {  	v63 =	vld [tilespmem:s14+$0x100A0];
	v4 =	vadd.f32 v14, v5;
	[tilespmem:s14+$0x19690] =	vst v6  }
0xf0: {  	v1 =	vld [tilespmem:s14+$0x60];
	v11 =	vadd.f32 v60, v8;
	[tilespmem:s14+$0x19670] =	vst v7  }
0xf1: {  	v2 =	vld [tilespmem:s14+$0x132A0];
	[tilespmem:s14+$0x10090] =	vst v4;
	v4 =	vadd.f32 v15, v5  }
0xf2: {  	v3 =	vld [tilespmem:s14+$0x164A0];
	v10 =	vadd.f32 v59, v5;
	[tilespmem:s14+$0x13270] =	vst v11  }
0xf3: {  	v12 =	vadd.f32 v61, v8;
	[tilespmem:s14+$0x13290] =	vst v4;
	v4 =	vld [tilespmem:s14+$0x196A0]  }
0xf4: {  	[tilespmem:s14+$0x16490] =	vst v10;
	v5 =	vld [tilespmem:s14+$0x100B0]  }
0xf5: {  	s16 =	simm.s32 $0x200;
	s15 =	simm.s32 $0x0;
	v7 =	vadd.f32 v63, v1;
	v6 =	vld [tilespmem:s14+$0x132B0];
	[tilespmem:s14+$0x16470] =	vst v12  }
.LBB2_5:
0xf6: {  	s19 =	sshra.s32 s16, $0x2;
	v2 =	vadd.f32 v2, v1;
	v8 =	vld [tilespmem:s14+$0x164B0]  }
0xf7: {  	s15 =	sadd.s32 $0x2, s15;
	v9 =	vld [tilespmem:s19+$0x70];
	[tilespmem:s14+$0x100A0] =	vst v7;
	v3 =	vadd.f32 v3, v1  }
0xf8: {  	p0 =	slt.u32 s15, $0xC6;
	v7 =	vld [tilespmem:s19+$0x196B0];
	[tilespmem:s14+$0x132A0] =	vst v2;
	v1 =	vadd.f32 v4, v1  }
0xf9: {  	v2 =	vld [tilespmem:s19+$0x0];
	[tilespmem:s14+$0x164A0] =	vst v3;
	v3 =	vadd.f32 v5, v0  }
0xfa: {  	v4 =	vld [tilespmem:s19+$0x10040];
	[tilespmem:s14+$0x196A0] =	vst v1;
	v1 =	vadd.f32 v6, v0  }
0xfb: {  	v5 =	vld [tilespmem:s19+$0x13240];
	[tilespmem:s14+$0x100B0] =	vst v3;
	v3 =	vadd.f32 v8, v0  }
0xfc: {  	v6 =	vld [tilespmem:s19+$0x16440];
	[tilespmem:s14+$0x132B0] =	vst v1;
	v0 =	vmov v9  }
0xfd: {  	v1 =	vld [tilespmem:s19+$0x19640];
	v7 =	vadd.f32 v7, v0;
	[tilespmem:s14+$0x164B0] =	vst v3;
	s14 =	smov.u32 s19  }
0xfe: {  	v3 =	vld [tilespmem:s14+$0x10]  }
0xff: {  	v4 =	vadd.f32 v4, v2;
	v8 =	vld [tilespmem:s14+$0x10050];
	[tilespmem:s14+$0x196B0] =	vst v7  }
0x100: {  	v5 =	vadd.f32 v5, v2;
	v7 =	vld [tilespmem:s14+$0x13250]  }
0x101: {  	[tilespmem:s14+$0x10040] =	vst v4;
	v4 =	vadd.f32 v6, v2;
	v6 =	vld [tilespmem:s14+$0x16450]  }
0x102: {  	[tilespmem:s14+$0x13240] =	vst v5;
	v1 =	vadd.f32 v1, v2;
	v2 =	vld [tilespmem:s14+$0x19650]  }
0x103: {  	[tilespmem:s14+$0x16440] =	vst v4;
	v4 =	vld [tilespmem:s14+$0x20]  }
0x104: {  	[tilespmem:s14+$0x19640] =	vst v1;
	v1 =	vadd.f32 v8, v3;
	v5 =	vld [tilespmem:s14+$0x10060]  }
0x105: {  	v7 =	vadd.f32 v7, v3;
	v8 =	vld [tilespmem:s14+$0x13260]  }
0x106: {  	[tilespmem:s14+$0x10050] =	vst v1;
	v1 =	vadd.f32 v6, v3;
	v6 =	vld [tilespmem:s14+$0x16460]  }
0x107: {  	[tilespmem:s14+$0x13250] =	vst v7;
	v2 =	vadd.f32 v2, v3;
	v3 =	vld [tilespmem:s14+$0x19660]  }
0x108: {  	[tilespmem:s14+$0x16450] =	vst v1;
	v1 =	vld [tilespmem:s14+$0x30]  }
0x109: {  	[tilespmem:s14+$0x19650] =	vst v2;
	v2 =	vadd.f32 v5, v4;
	v5 =	vld [tilespmem:s14+$0x10070]  }
0x10a: {  	v7 =	vadd.f32 v8, v4;
	v8 =	vld [tilespmem:s14+$0x13270]  }
0x10b: {  	[tilespmem:s14+$0x10060] =	vst v2;
	v2 =	vadd.f32 v6, v4;
	v6 =	vld [tilespmem:s14+$0x16470]  }
0x10c: {  	[tilespmem:s14+$0x13260] =	vst v7;
	v3 =	vadd.f32 v3, v4;
	v4 =	vld [tilespmem:s14+$0x19670]  }
0x10d: {  	[tilespmem:s14+$0x16460] =	vst v2;
	v2 =	vld [tilespmem:s14+$0x40]  }
0x10e: {  	[tilespmem:s14+$0x19660] =	vst v3;
	v3 =	vadd.f32 v5, v1;
	v5 =	vld [tilespmem:s14+$0x10080]  }
0x10f: {  	v7 =	vadd.f32 v8, v1;
	v8 =	vld [tilespmem:s14+$0x13280]  }
0x110: {  	[tilespmem:s14+$0x10070] =	vst v3;
	v3 =	vadd.f32 v6, v1;
	v6 =	vld [tilespmem:s14+$0x16480]  }
0x111: {  	[tilespmem:s14+$0x13270] =	vst v7;
	v1 =	vadd.f32 v4, v1;
	v4 =	vld [tilespmem:s14+$0x19680]  }
0x112: {  	[tilespmem:s14+$0x16470] =	vst v3;
	v7 =	vld [tilespmem:s14+$0x50]  }
0x113: {  	[tilespmem:s14+$0x19670] =	vst v1;
	v1 =	vadd.f32 v5, v2;
	v3 =	vld [tilespmem:s14+$0x10090]  }
0x114: {  	v5 =	vadd.f32 v8, v2;
	v8 =	vld [tilespmem:s14+$0x13290]  }
0x115: {  	[tilespmem:s14+$0x10080] =	vst v1;
	v1 =	vadd.f32 v6, v2;
	v6 =	vld [tilespmem:s14+$0x16490]  }
0x116: {  	[tilespmem:s14+$0x13280] =	vst v5;
	v2 =	vadd.f32 v4, v2;
	v4 =	vld [tilespmem:s14+$0x19690]  }
0x117: {  	[tilespmem:s14+$0x16480] =	vst v1;
	v1 =	vld [tilespmem:s14+$0x60]  }
0x118: {  	[tilespmem:s14+$0x19680] =	vst v2;
	v3 =	vadd.f32 v3, v7;
	v9 =	vld [tilespmem:s14+$0x100A0]  }
.Ltmp1:
0x119: {  	v5 =	vadd.f32 v8, v7;
	v2 =	vld [tilespmem:s14+$0x132A0];
	(pc) =	sbr.rel @p0 .LBB2_5-.Ltmp1, $4  }
0x11a: {  	[tilespmem:s14+$0x10090] =	vst v3;
	v6 =	vadd.f32 v6, v7;
	v3 =	vld [tilespmem:s14+$0x164A0]  }
0x11b: {  	[tilespmem:s14+$0x13290] =	vst v5;
	v7 =	vadd.f32 v4, v7;
	v4 =	vld [tilespmem:s14+$0x196A0]  }
0x11c: {  	[tilespmem:s14+$0x16490] =	vst v6;
	v5 =	vld [tilespmem:s14+$0x100B0]  }
0x11d: {  	s16 =	sadd.s32 $0x200, s16;
	[tilespmem:s14+$0x19690] =	vst v7;
	v7 =	vadd.f32 v9, v1;
	v6 =	vld [tilespmem:s14+$0x132B0]  }
0x11e: {  	v2 =	vadd.f32 v2, v1;
	v8 =	vld [tilespmem:s14+$0x164B0]  }
0x11f: {  	[tilespmem:s14+$0x100A0] =	vst v7;
	v3 =	vadd.f32 v3, v1  }
0x120: {  	[tilespmem:s14+$0x132A0] =	vst v2;
	v1 =	vadd.f32 v4, v1  }
0x121: {  	s15 =	sadd.s32 s13, s8;
	[tilespmem:s14+$0x164A0] =	vst v3;
	v2 =	vadd.f32 v5, v0  }
0x122: {  	s15 =	smul.u32 $0x640, s15;
	[tilespmem:s14+$0x196A0] =	vst v1;
	v1 =	vadd.f32 v6, v0  }
0x123: {  	[tilespmem:s14+$0x100B0] =	vst v2;
	v0 =	vadd.f32 v8, v0  }
0x124: {  	s15 =	sadd.s32 s2, s15;
	[tilespmem:s14+$0x132B0] =	vst v1  }
0x125: {  	s19 =	sadd.s32 $0x1900, s15;
	s15 =	simm.s32 $0x0;
	[tilespmem:s14+$0x164B0] =	vst v0  }
0x126: {  	[hbm4b:s19+s15] =	stream.linear.scatter [tilespmem:s31], [sflag:$0x5], $0xC800, $0x38;
	[tilespmem:$0x1C840] =	vst v63  }
0x127: {  	_ =	swait.ge [sflag:s7], $0xC800  }
0x128: {  	[sflag:s7] =	ssyncset.done $0x0  }
0x129: {  	[sflag:s7] =	ssyncadd.s32 $0xFFFF3800  }
0x12a: {  	_ =	swait.ge [sflag:s21], $0x200  }
0x12b: {  	[sflag:s21] =	ssyncset.done $0x0  }
0x12c: {  	[sflag:s21] =	ssyncadd.s32 $0xFFFFFE00  }
0x12d: {  	_ =	swait.ge [sflag:s21], $0x120  }
0x12e: {  	[sflag:s21] =	ssyncset.done $0x0  }
0x12f: {  	[sflag:s21] =	ssyncadd.s32 $0xFFFFFEE0  }
0x130: {  	[tilespmem:s31], [sflag:$0x4] =	stream.indirect.gather [hbm4b:s6+s28], $0x40, s24, s28, $0xb8;
	[tilespmem:$0x1C840] =	vst v63  }
0x131: {  	s16 =	simm.s32 $0x12040  }
0x132: {  	[tilespmem:s16], [sflag:$0x4] =	stream.indirect.gather [hbm4b:s6+s30], $0x40, s25, s30, $0xb8;
	[tilespmem:$0x1C840] =	vst v63  }
0x133: {  	s19 =	simm.s32 $0x35A0;
	s16 =	simm.s32 $0x13240  }
0x134: {  	[tilespmem:s16], [sflag:$0x4] =	stream.indirect.gather [hbm4b:s6+s28], $0x40, s19, s28, $0xb8;
	[tilespmem:$0x1C840] =	vst v63  }
0x135: {  	s16 =	simm.s32 $0x3768;
	s19 =	simm.s32 $0x15240  }
0x136: {  	[tilespmem:s19], [sflag:$0x4] =	stream.indirect.gather [hbm4b:s6+s30], $0x40, s16, s30, $0xb8;
	[tilespmem:$0x1C840] =	vst v63  }
0x137: {  	s16 =	simm.s32 $0x3620;
	s19 =	simm.s32 $0x16440  }
0x138: {  	[tilespmem:s19], [sflag:$0x4] =	stream.indirect.gather [hbm4b:s6+s28], $0x40, s16, s28, $0xb8;
	[tilespmem:$0x1C840] =	vst v63  }
0x139: {  	s16 =	simm.s32 $0x37B0;
	s19 =	simm.s32 $0x18440  }
0x13a: {  	[tilespmem:s19], [sflag:$0x4] =	stream.indirect.gather [hbm4b:s6+s30], $0x40, s16, s30, $0xb8;
	[tilespmem:$0x1C840] =	vst v63  }
0x13b: {  	s16 =	simm.s32 $0x36A0;
	s19 =	simm.s32 $0x19640  }
0x13c: {  	[tilespmem:s19], [sflag:$0x4] =	stream.indirect.gather [hbm4b:s6+s28], $0x40, s16, s28, $0xb8;
	[tilespmem:$0x1C840] =	vst v63  }
0x13d: {  	s16 =	sshll.u32 s12, $0x1  }
0x13e: {  	s14 =	smin.u32 s16, $0x1B  }
0x13f: {  	[tilespmem:s0], [sflag:$0x4] =	stream.indirect.gather [hbm4b:s6+s30], $0x40, s20, s30, $0xb8;
	[tilespmem:$0x1C840] =	vst v63  }
0x140: {  	s14 =	sshll.u32 s14, $0x2  }
0x141: {  	s14 =	sadd.s32 s14, s18  }
0x142: {  	_ =	swait.ge [sflag:s4], $0xC800;
	s19 =	sshll.u32 s14, $0x4  }
0x143: {  	[sflag:s4] =	ssyncset.done $0x0;
	s16 =	sand.u32 $0x1FFC0, s19  }
0x144: {  	s14 =	smul.u32 $0x9, s14;
	[sflag:s4] =	ssyncadd.s32 $0xFFFF3800;
	s16 =	sadd.s32 s1, s16  }
0x145: {  	[tilespmem:s22], [sflag:$0x1] =	stream.linear.gather [hbm4b:s16+s15], $0x200, $0x38;
	[tilespmem:$0x1C840] =	vst v63  }
0x146: {  	s14 =	sadd.s32 s5, s14  }
0x147: {  	[tilespmem:s23], [sflag:$0x1] =	stream.linear.gather [hbm4b:s14+s15], $0x120, $0x38;
	[tilespmem:$0x1C840] =	vst v63  }
0x148: {  	s14 =	simm.s32 $0x0  }
0x149: {  	v1 =	vld [tilespmem:s14+$0x0]  }
0x14a: {  	v0 =	vld [tilespmem:s14+$0x3840]  }
0x14b: {  	v2 =	vld [tilespmem:s14+$0x6A40]  }
0x14c: {  	v3 =	vld [tilespmem:s14+$0x9C40]  }
0x14d: {  	v4 =	vld [tilespmem:s14+$0xCE40]  }
0x14e: {  	v5 =	vld [tilespmem:s14+$0x10]  }
0x14f: {  	v6 =	vld [tilespmem:s14+$0x3850]  }
0x150: {  	v7 =	vld [tilespmem:s14+$0x6A50]  }
0x151: {  	v8 =	vld [tilespmem:s14+$0x9C50]  }
0x152: {  	v9 =	vld [tilespmem:s14+$0x6A60]  }
0x153: {  	v10 =	vld [tilespmem:s14+$0x3880]  }
0x154: {  	v11 =	vld [tilespmem:s14+$0x6A80];
	v0 =	vadd.f32 v0, v1;
	v2 =	vadd.f32 v2, v1  }
0x155: {  	v3 =	vadd.f32 v3, v1;
	v1 =	vadd.f32 v4, v1;
	v4 =	vld [tilespmem:s14+$0xCEB0]  }
0x156: {  	[tilespmem:s14+$0x3840] =	vst v0;
	v0 =	vld [tilespmem:s14+$0x70]  }
0x157: {  	[tilespmem:s14+$0x6A40] =	vst v2;
	v2 =	vld [tilespmem:s14+$0xCE50]  }
0x158: {  	[tilespmem:s14+$0x9C40] =	vst v3;
	v3 =	vld [tilespmem:s14+$0x20]  }
0x159: {  	[tilespmem:s14+$0xCE40] =	vst v1;
	v1 =	vadd.f32 v6, v5;
	v6 =	vld [tilespmem:s14+$0x3860]  }
0x15a: {  	v12 =	vld [tilespmem:s14+$0x9C80];
	v7 =	vadd.f32 v7, v5  }
0x15b: {  	[tilespmem:s14+$0x3850] =	vst v1;
	v1 =	vld [tilespmem:s14+$0x9C60];
	v4 =	vadd.f32 v4, v0  }
0x15c: {  	v8 =	vadd.f32 v8, v5;
	[tilespmem:s14+$0x6A50] =	vst v7;
	v7 =	vld [tilespmem:s14+$0xCE60]  }
0x15d: {  	v2 =	vadd.f32 v2, v5;
	[tilespmem:s14+$0xCEB0] =	vst v4;
	v4 =	vld [tilespmem:s14+$0x40]  }
0x15e: {  	v13 =	vld [tilespmem:s14+$0xCE80];
	[tilespmem:s14+$0x9C50] =	vst v8;
	v6 =	vadd.f32 v6, v3  }
0x15f: {  	v8 =	vld [tilespmem:s14+$0x30];
	v9 =	vadd.f32 v9, v3;
	[tilespmem:s14+$0xCE50] =	vst v2  }
0x160: {  	v5 =	vld [tilespmem:s14+$0x50];
	[tilespmem:s14+$0x3860] =	vst v6;
	v62 =	vadd.f32 v1, v3  }
0x161: {  	v2 =	vld [tilespmem:s14+$0x3870];
	[tilespmem:s14+$0x6A60] =	vst v9;
	v3 =	vadd.f32 v7, v3  }
0x162: {  	v6 =	vld [tilespmem:s14+$0xCE90];
	[tilespmem:s14+$0x9C60] =	vst v62;
	v10 =	vadd.f32 v10, v4  }
0x163: {  	v7 =	vld [tilespmem:s14+$0xCE70];
	[tilespmem:s14+$0xCE60] =	vst v3;
	v11 =	vadd.f32 v11, v4  }
0x164: {  	v14 =	vld [tilespmem:s14+$0x3890];
	v12 =	vadd.f32 v12, v4;
	[tilespmem:s14+$0x3880] =	vst v10  }
0x165: {  	v60 =	vld [tilespmem:s14+$0x6A70];
	v4 =	vadd.f32 v13, v4;
	[tilespmem:s14+$0x6A80] =	vst v11  }
0x166: {  	v15 =	vld [tilespmem:s14+$0x6A90];
	v3 =	vadd.f32 v2, v8;
	[tilespmem:s14+$0x9C80] =	vst v12  }
0x167: {  	v59 =	vld [tilespmem:s14+$0x9C90];
	v6 =	vadd.f32 v6, v5;
	[tilespmem:s14+$0xCE80] =	vst v4  }
0x168: {  	v61 =	vld [tilespmem:s14+$0x9C70];
	v7 =	vadd.f32 v7, v8;
	[tilespmem:s14+$0x3870] =	vst v3  }
0x169: {  	v63 =	vld [tilespmem:s14+$0x38A0];
	v4 =	vadd.f32 v14, v5;
	[tilespmem:s14+$0xCE90] =	vst v6  }
0x16a: {  	v1 =	vld [tilespmem:s14+$0x60];
	v11 =	vadd.f32 v60, v8;
	[tilespmem:s14+$0xCE70] =	vst v7  }
0x16b: {  	v2 =	vld [tilespmem:s14+$0x6AA0];
	[tilespmem:s14+$0x3890] =	vst v4;
	v4 =	vadd.f32 v15, v5  }
0x16c: {  	v3 =	vld [tilespmem:s14+$0x9CA0];
	v10 =	vadd.f32 v59, v5;
	[tilespmem:s14+$0x6A70] =	vst v11  }
0x16d: {  	v12 =	vadd.f32 v61, v8;
	[tilespmem:s14+$0x6A90] =	vst v4;
	v4 =	vld [tilespmem:s14+$0xCEA0]  }
0x16e: {  	[tilespmem:s14+$0x9C90] =	vst v10;
	v5 =	vld [tilespmem:s14+$0x38B0]  }
0x16f: {  	s16 =	simm.s32 $0x200;
	s15 =	simm.s32 $0x0;
	v7 =	vadd.f32 v63, v1;
	v6 =	vld [tilespmem:s14+$0x6AB0];
	[tilespmem:s14+$0x9C70] =	vst v12  }
.LBB2_7:
0x170: {  	s19 =	sshra.s32 s16, $0x2;
	v2 =	vadd.f32 v2, v1;
	v8 =	vld [tilespmem:s14+$0x9CB0]  }
0x171: {  	s15 =	sadd.s32 $0x2, s15;
	v9 =	vld [tilespmem:s19+$0x70];
	[tilespmem:s14+$0x38A0] =	vst v7;
	v3 =	vadd.f32 v3, v1  }
0x172: {  	p0 =	slt.u32 s15, $0xC6;
	v7 =	vld [tilespmem:s19+$0xCEB0];
	[tilespmem:s14+$0x6AA0] =	vst v2;
	v1 =	vadd.f32 v4, v1  }
0x173: {  	v2 =	vld [tilespmem:s19+$0x0];
	[tilespmem:s14+$0x9CA0] =	vst v3;
	v3 =	vadd.f32 v5, v0  }
0x174: {  	v4 =	vld [tilespmem:s19+$0x3840];
	[tilespmem:s14+$0xCEA0] =	vst v1;
	v1 =	vadd.f32 v6, v0  }
0x175: {  	v5 =	vld [tilespmem:s19+$0x6A40];
	[tilespmem:s14+$0x38B0] =	vst v3;
	v3 =	vadd.f32 v8, v0  }
0x176: {  	v6 =	vld [tilespmem:s19+$0x9C40];
	[tilespmem:s14+$0x6AB0] =	vst v1;
	v0 =	vmov v9  }
0x177: {  	v1 =	vld [tilespmem:s19+$0xCE40];
	v7 =	vadd.f32 v7, v0;
	[tilespmem:s14+$0x9CB0] =	vst v3;
	s14 =	smov.u32 s19  }
0x178: {  	v3 =	vld [tilespmem:s14+$0x10]  }
0x179: {  	v4 =	vadd.f32 v4, v2;
	v8 =	vld [tilespmem:s14+$0x3850];
	[tilespmem:s14+$0xCEB0] =	vst v7  }
0x17a: {  	v5 =	vadd.f32 v5, v2;
	v7 =	vld [tilespmem:s14+$0x6A50]  }
0x17b: {  	[tilespmem:s14+$0x3840] =	vst v4;
	v4 =	vadd.f32 v6, v2;
	v6 =	vld [tilespmem:s14+$0x9C50]  }
0x17c: {  	[tilespmem:s14+$0x6A40] =	vst v5;
	v1 =	vadd.f32 v1, v2;
	v2 =	vld [tilespmem:s14+$0xCE50]  }
0x17d: {  	[tilespmem:s14+$0x9C40] =	vst v4;
	v4 =	vld [tilespmem:s14+$0x20]  }
0x17e: {  	[tilespmem:s14+$0xCE40] =	vst v1;
	v1 =	vadd.f32 v8, v3;
	v5 =	vld [tilespmem:s14+$0x3860]  }
0x17f: {  	v7 =	vadd.f32 v7, v3;
	v8 =	vld [tilespmem:s14+$0x6A60]  }
0x180: {  	[tilespmem:s14+$0x3850] =	vst v1;
	v1 =	vadd.f32 v6, v3;
	v6 =	vld [tilespmem:s14+$0x9C60]  }
0x181: {  	[tilespmem:s14+$0x6A50] =	vst v7;
	v2 =	vadd.f32 v2, v3;
	v3 =	vld [tilespmem:s14+$0xCE60]  }
0x182: {  	[tilespmem:s14+$0x9C50] =	vst v1;
	v1 =	vld [tilespmem:s14+$0x30]  }
0x183: {  	[tilespmem:s14+$0xCE50] =	vst v2;
	v2 =	vadd.f32 v5, v4;
	v5 =	vld [tilespmem:s14+$0x3870]  }
0x184: {  	v7 =	vadd.f32 v8, v4;
	v8 =	vld [tilespmem:s14+$0x6A70]  }
0x185: {  	[tilespmem:s14+$0x3860] =	vst v2;
	v2 =	vadd.f32 v6, v4;
	v6 =	vld [tilespmem:s14+$0x9C70]  }
0x186: {  	[tilespmem:s14+$0x6A60] =	vst v7;
	v3 =	vadd.f32 v3, v4;
	v4 =	vld [tilespmem:s14+$0xCE70]  }
0x187: {  	[tilespmem:s14+$0x9C60] =	vst v2;
	v2 =	vld [tilespmem:s14+$0x40]  }
0x188: {  	[tilespmem:s14+$0xCE60] =	vst v3;
	v3 =	vadd.f32 v5, v1;
	v5 =	vld [tilespmem:s14+$0x3880]  }
0x189: {  	v7 =	vadd.f32 v8, v1;
	v8 =	vld [tilespmem:s14+$0x6A80]  }
0x18a: {  	[tilespmem:s14+$0x3870] =	vst v3;
	v3 =	vadd.f32 v6, v1;
	v6 =	vld [tilespmem:s14+$0x9C80]  }
0x18b: {  	[tilespmem:s14+$0x6A70] =	vst v7;
	v1 =	vadd.f32 v4, v1;
	v4 =	vld [tilespmem:s14+$0xCE80]  }
0x18c: {  	[tilespmem:s14+$0x9C70] =	vst v3;
	v7 =	vld [tilespmem:s14+$0x50]  }
0x18d: {  	[tilespmem:s14+$0xCE70] =	vst v1;
	v1 =	vadd.f32 v5, v2;
	v3 =	vld [tilespmem:s14+$0x3890]  }
0x18e: {  	v5 =	vadd.f32 v8, v2;
	v8 =	vld [tilespmem:s14+$0x6A90]  }
0x18f: {  	[tilespmem:s14+$0x3880] =	vst v1;
	v1 =	vadd.f32 v6, v2;
	v6 =	vld [tilespmem:s14+$0x9C90]  }
0x190: {  	[tilespmem:s14+$0x6A80] =	vst v5;
	v2 =	vadd.f32 v4, v2;
	v4 =	vld [tilespmem:s14+$0xCE90]  }
0x191: {  	[tilespmem:s14+$0x9C80] =	vst v1;
	v1 =	vld [tilespmem:s14+$0x60]  }
0x192: {  	[tilespmem:s14+$0xCE80] =	vst v2;
	v3 =	vadd.f32 v3, v7;
	v9 =	vld [tilespmem:s14+$0x38A0]  }
.Ltmp2:
0x193: {  	v5 =	vadd.f32 v8, v7;
	v2 =	vld [tilespmem:s14+$0x6AA0];
	(pc) =	sbr.rel @p0 .LBB2_7-.Ltmp2, $4  }
0x194: {  	[tilespmem:s14+$0x3890] =	vst v3;
	v6 =	vadd.f32 v6, v7;
	v3 =	vld [tilespmem:s14+$0x9CA0]  }
0x195: {  	[tilespmem:s14+$0x6A90] =	vst v5;
	v7 =	vadd.f32 v4, v7;
	v4 =	vld [tilespmem:s14+$0xCEA0]  }
0x196: {  	[tilespmem:s14+$0x9C90] =	vst v6;
	v5 =	vld [tilespmem:s14+$0x38B0]  }
0x197: {  	s16 =	sadd.s32 $0x200, s16;
	[tilespmem:s14+$0xCE90] =	vst v7;
	v7 =	vadd.f32 v9, v1;
	v6 =	vld [tilespmem:s14+$0x6AB0]  }
0x198: {  	v2 =	vadd.f32 v2, v1;
	v8 =	vld [tilespmem:s14+$0x9CB0]  }
0x199: {  	[tilespmem:s14+$0x38A0] =	vst v7;
	v3 =	vadd.f32 v3, v1  }
0x19a: {  	s12 =	sadd.s32 $0x1, s12;
	[tilespmem:s14+$0x6AA0] =	vst v2;
	v60 =	vadd.f32 v4, v1  }
0x19b: {  	p0 =	sne.s32 s12, $0xF;
	[tilespmem:s14+$0x9CA0] =	vst v3;
	v61 =	vadd.f32 v5, v0  }
.Ltmp3:
0x19c: {  	s13 =	sadd.s32 s13, s9;
	[tilespmem:s14+$0xCEA0] =	vst v60;
	v62 =	vadd.f32 v6, v0;
	(pc) =	sbr.rel @p0 .LBB2_4-.Ltmp3, $4  }
0x19d: {  	s13 =	smul.u32 $0x640, s13;
	[tilespmem:s14+$0x38B0] =	vst v61;
	v63 =	vadd.f32 v8, v0  }
0x19e: {  	[tilespmem:s14+$0x6AB0] =	vst v62  }
0x19f: {  	s13 =	sadd.s32 s2, s13;
	[tilespmem:s14+$0x9CB0] =	vst v63  }
0x1a0: {  	[hbm4b:s13+s3] =	stream.linear.scatter [tilespmem:s29], [sflag:$0x5], $0xC800, $0x38;
	[tilespmem:$0x1C840] =	vst v63  }
0x1a1: {  	_ =	swait.ge [sflag:s10], $0xC800  }
0x1a2: {  	[sflag:s10] =	ssyncset.done $0x0  }
0x1a3: {  	s11 =	simm.s32 $0x0;
	[sflag:s10] =	ssyncadd.s32 $0xFFFF3800  }
0x1a4: {  	v1 =	vld [tilespmem:s11+$0x0]  }
0x1a5: {  	v0 =	vld [tilespmem:s11+$0x10040]  }
0x1a6: {  	v2 =	vld [tilespmem:s11+$0x13240]  }
0x1a7: {  	v3 =	vld [tilespmem:s11+$0x16440]  }
0x1a8: {  	v4 =	vld [tilespmem:s11+$0x19640]  }
0x1a9: {  	v5 =	vld [tilespmem:s11+$0x10]  }
0x1aa: {  	v6 =	vld [tilespmem:s11+$0x10050]  }
0x1ab: {  	v7 =	vld [tilespmem:s11+$0x13250]  }
0x1ac: {  	v8 =	vld [tilespmem:s11+$0x16450]  }
0x1ad: {  	v9 =	vld [tilespmem:s11+$0x13260]  }
0x1ae: {  	v10 =	vld [tilespmem:s11+$0x10080]  }
0x1af: {  	v11 =	vld [tilespmem:s11+$0x13280];
	v0 =	vadd.f32 v0, v1;
	v2 =	vadd.f32 v2, v1  }
0x1b0: {  	v3 =	vadd.f32 v3, v1;
	v1 =	vadd.f32 v4, v1;
	v4 =	vld [tilespmem:s11+$0x196B0]  }
0x1b1: {  	[tilespmem:s11+$0x10040] =	vst v0;
	v0 =	vld [tilespmem:s11+$0x70]  }
0x1b2: {  	[tilespmem:s11+$0x13240] =	vst v2;
	v2 =	vld [tilespmem:s11+$0x19650]  }
0x1b3: {  	[tilespmem:s11+$0x16440] =	vst v3;
	v3 =	vld [tilespmem:s11+$0x20]  }
0x1b4: {  	[tilespmem:s11+$0x19640] =	vst v1;
	v1 =	vadd.f32 v6, v5;
	v6 =	vld [tilespmem:s11+$0x10060]  }
0x1b5: {  	v12 =	vld [tilespmem:s11+$0x16480];
	v7 =	vadd.f32 v7, v5  }
0x1b6: {  	[tilespmem:s11+$0x10050] =	vst v1;
	v1 =	vld [tilespmem:s11+$0x16460];
	v4 =	vadd.f32 v4, v0  }
0x1b7: {  	v8 =	vadd.f32 v8, v5;
	[tilespmem:s11+$0x13250] =	vst v7;
	v7 =	vld [tilespmem:s11+$0x19660]  }
0x1b8: {  	v2 =	vadd.f32 v2, v5;
	[tilespmem:s11+$0x196B0] =	vst v4;
	v4 =	vld [tilespmem:s11+$0x40]  }
0x1b9: {  	v13 =	vld [tilespmem:s11+$0x19680];
	[tilespmem:s11+$0x16450] =	vst v8;
	v6 =	vadd.f32 v6, v3  }
0x1ba: {  	v8 =	vld [tilespmem:s11+$0x30];
	v9 =	vadd.f32 v9, v3;
	[tilespmem:s11+$0x19650] =	vst v2  }
0x1bb: {  	v5 =	vld [tilespmem:s11+$0x50];
	[tilespmem:s11+$0x10060] =	vst v6;
	v62 =	vadd.f32 v1, v3  }
0x1bc: {  	v2 =	vld [tilespmem:s11+$0x10070];
	[tilespmem:s11+$0x13260] =	vst v9;
	v3 =	vadd.f32 v7, v3  }
0x1bd: {  	v6 =	vld [tilespmem:s11+$0x19690];
	[tilespmem:s11+$0x16460] =	vst v62;
	v10 =	vadd.f32 v10, v4  }
0x1be: {  	v7 =	vld [tilespmem:s11+$0x19670];
	[tilespmem:s11+$0x19660] =	vst v3;
	v11 =	vadd.f32 v11, v4  }
0x1bf: {  	v14 =	vld [tilespmem:s11+$0x10090];
	v12 =	vadd.f32 v12, v4;
	[tilespmem:s11+$0x10080] =	vst v10  }
0x1c0: {  	v60 =	vld [tilespmem:s11+$0x13270];
	v4 =	vadd.f32 v13, v4;
	[tilespmem:s11+$0x13280] =	vst v11  }
0x1c1: {  	v15 =	vld [tilespmem:s11+$0x13290];
	v3 =	vadd.f32 v2, v8;
	[tilespmem:s11+$0x16480] =	vst v12  }
0x1c2: {  	v59 =	vld [tilespmem:s11+$0x16490];
	v6 =	vadd.f32 v6, v5;
	[tilespmem:s11+$0x19680] =	vst v4  }
0x1c3: {  	v61 =	vld [tilespmem:s11+$0x16470];
	v7 =	vadd.f32 v7, v8;
	[tilespmem:s11+$0x10070] =	vst v3  }
0x1c4: {  	v63 =	vld [tilespmem:s11+$0x100A0];
	v4 =	vadd.f32 v14, v5;
	[tilespmem:s11+$0x19690] =	vst v6  }
0x1c5: {  	v1 =	vld [tilespmem:s11+$0x60];
	v11 =	vadd.f32 v60, v8;
	[tilespmem:s11+$0x19670] =	vst v7  }
0x1c6: {  	v2 =	vld [tilespmem:s11+$0x132A0];
	[tilespmem:s11+$0x10090] =	vst v4;
	v4 =	vadd.f32 v15, v5  }
0x1c7: {  	v3 =	vld [tilespmem:s11+$0x164A0];
	v10 =	vadd.f32 v59, v5;
	[tilespmem:s11+$0x13270] =	vst v11  }
0x1c8: {  	v12 =	vadd.f32 v61, v8;
	[tilespmem:s11+$0x13290] =	vst v4;
	v4 =	vld [tilespmem:s11+$0x196A0]  }
0x1c9: {  	[tilespmem:s11+$0x16490] =	vst v10;
	v5 =	vld [tilespmem:s11+$0x100B0]  }
0x1ca: {  	s12 =	simm.s32 $0x0;
	s13 =	simm.s32 $0x200;
	v7 =	vadd.f32 v63, v1;
	v6 =	vld [tilespmem:s11+$0x132B0];
	[tilespmem:s11+$0x16470] =	vst v12  }
.LBB2_10:
0x1cb: {  	s14 =	sshra.s32 s13, $0x2;
	v2 =	vadd.f32 v2, v1;
	v8 =	vld [tilespmem:s11+$0x164B0]  }
0x1cc: {  	s12 =	sadd.s32 $0x2, s12;
	v9 =	vld [tilespmem:s14+$0x70];
	[tilespmem:s11+$0x100A0] =	vst v7;
	v3 =	vadd.f32 v3, v1  }
0x1cd: {  	p0 =	slt.u32 s12, $0xC6;
	v7 =	vld [tilespmem:s14+$0x196B0];
	[tilespmem:s11+$0x132A0] =	vst v2;
	v1 =	vadd.f32 v4, v1  }
0x1ce: {  	v2 =	vld [tilespmem:s14+$0x0];
	[tilespmem:s11+$0x164A0] =	vst v3;
	v3 =	vadd.f32 v5, v0  }
0x1cf: {  	v4 =	vld [tilespmem:s14+$0x10040];
	[tilespmem:s11+$0x196A0] =	vst v1;
	v1 =	vadd.f32 v6, v0  }
0x1d0: {  	v5 =	vld [tilespmem:s14+$0x13240];
	[tilespmem:s11+$0x100B0] =	vst v3;
	v3 =	vadd.f32 v8, v0  }
0x1d1: {  	v6 =	vld [tilespmem:s14+$0x16440];
	[tilespmem:s11+$0x132B0] =	vst v1;
	v0 =	vmov v9  }
0x1d2: {  	v1 =	vld [tilespmem:s14+$0x19640];
	v7 =	vadd.f32 v7, v0;
	[tilespmem:s11+$0x164B0] =	vst v3;
	s11 =	smov.u32 s14  }
0x1d3: {  	v3 =	vld [tilespmem:s11+$0x10]  }
0x1d4: {  	v4 =	vadd.f32 v4, v2;
	v8 =	vld [tilespmem:s11+$0x10050];
	[tilespmem:s11+$0x196B0] =	vst v7  }
0x1d5: {  	v5 =	vadd.f32 v5, v2;
	v7 =	vld [tilespmem:s11+$0x13250]  }
0x1d6: {  	[tilespmem:s11+$0x10040] =	vst v4;
	v4 =	vadd.f32 v6, v2;
	v6 =	vld [tilespmem:s11+$0x16450]  }
0x1d7: {  	[tilespmem:s11+$0x13240] =	vst v5;
	v1 =	vadd.f32 v1, v2;
	v2 =	vld [tilespmem:s11+$0x19650]  }
0x1d8: {  	[tilespmem:s11+$0x16440] =	vst v4;
	v4 =	vld [tilespmem:s11+$0x20]  }
0x1d9: {  	[tilespmem:s11+$0x19640] =	vst v1;
	v1 =	vadd.f32 v8, v3;
	v5 =	vld [tilespmem:s11+$0x10060]  }
0x1da: {  	v7 =	vadd.f32 v7, v3;
	v8 =	vld [tilespmem:s11+$0x13260]  }
0x1db: {  	[tilespmem:s11+$0x10050] =	vst v1;
	v1 =	vadd.f32 v6, v3;
	v6 =	vld [tilespmem:s11+$0x16460]  }
0x1dc: {  	[tilespmem:s11+$0x13250] =	vst v7;
	v2 =	vadd.f32 v2, v3;
	v3 =	vld [tilespmem:s11+$0x19660]  }
0x1dd: {  	[tilespmem:s11+$0x16450] =	vst v1;
	v1 =	vld [tilespmem:s11+$0x30]  }
0x1de: {  	[tilespmem:s11+$0x19650] =	vst v2;
	v2 =	vadd.f32 v5, v4;
	v5 =	vld [tilespmem:s11+$0x10070]  }
0x1df: {  	v7 =	vadd.f32 v8, v4;
	v8 =	vld [tilespmem:s11+$0x13270]  }
0x1e0: {  	[tilespmem:s11+$0x10060] =	vst v2;
	v2 =	vadd.f32 v6, v4;
	v6 =	vld [tilespmem:s11+$0x16470]  }
0x1e1: {  	[tilespmem:s11+$0x13260] =	vst v7;
	v3 =	vadd.f32 v3, v4;
	v4 =	vld [tilespmem:s11+$0x19670]  }
0x1e2: {  	[tilespmem:s11+$0x16460] =	vst v2;
	v2 =	vld [tilespmem:s11+$0x40]  }
0x1e3: {  	[tilespmem:s11+$0x19660] =	vst v3;
	v3 =	vadd.f32 v5, v1;
	v5 =	vld [tilespmem:s11+$0x10080]  }
0x1e4: {  	v7 =	vadd.f32 v8, v1;
	v8 =	vld [tilespmem:s11+$0x13280]  }
0x1e5: {  	[tilespmem:s11+$0x10070] =	vst v3;
	v3 =	vadd.f32 v6, v1;
	v6 =	vld [tilespmem:s11+$0x16480]  }
0x1e6: {  	[tilespmem:s11+$0x13270] =	vst v7;
	v1 =	vadd.f32 v4, v1;
	v4 =	vld [tilespmem:s11+$0x19680]  }
0x1e7: {  	[tilespmem:s11+$0x16470] =	vst v3;
	v7 =	vld [tilespmem:s11+$0x50]  }
0x1e8: {  	[tilespmem:s11+$0x19670] =	vst v1;
	v1 =	vadd.f32 v5, v2;
	v3 =	vld [tilespmem:s11+$0x10090]  }
0x1e9: {  	v5 =	vadd.f32 v8, v2;
	v8 =	vld [tilespmem:s11+$0x13290]  }
0x1ea: {  	[tilespmem:s11+$0x10080] =	vst v1;
	v1 =	vadd.f32 v6, v2;
	v6 =	vld [tilespmem:s11+$0x16490]  }
0x1eb: {  	[tilespmem:s11+$0x13280] =	vst v5;
	v2 =	vadd.f32 v4, v2;
	v4 =	vld [tilespmem:s11+$0x19690]  }
0x1ec: {  	[tilespmem:s11+$0x16480] =	vst v1;
	v1 =	vld [tilespmem:s11+$0x60]  }
0x1ed: {  	[tilespmem:s11+$0x19680] =	vst v2;
	v3 =	vadd.f32 v3, v7;
	v9 =	vld [tilespmem:s11+$0x100A0]  }
.Ltmp4:
0x1ee: {  	v5 =	vadd.f32 v8, v7;
	v2 =	vld [tilespmem:s11+$0x132A0];
	(pc) =	sbr.rel @p0 .LBB2_10-.Ltmp4, $4  }
0x1ef: {  	[tilespmem:s11+$0x10090] =	vst v3;
	v6 =	vadd.f32 v6, v7;
	v3 =	vld [tilespmem:s11+$0x164A0]  }
0x1f0: {  	[tilespmem:s11+$0x13290] =	vst v5;
	v7 =	vadd.f32 v4, v7;
	v4 =	vld [tilespmem:s11+$0x196A0]  }
0x1f1: {  	[tilespmem:s11+$0x16490] =	vst v6;
	v5 =	vld [tilespmem:s11+$0x100B0]  }
0x1f2: {  	s13 =	sadd.s32 $0x200, s13;
	[tilespmem:s11+$0x19690] =	vst v7;
	v7 =	vadd.f32 v9, v1;
	v6 =	vld [tilespmem:s11+$0x132B0]  }
0x1f3: {  	v2 =	vadd.f32 v2, v1;
	v8 =	vld [tilespmem:s11+$0x164B0]  }
0x1f4: {  	[tilespmem:s11+$0x100A0] =	vst v7;
	v3 =	vadd.f32 v3, v1  }
0x1f5: {  	[tilespmem:s11+$0x132A0] =	vst v2;
	v60 =	vadd.f32 v4, v1  }
0x1f6: {  	[tilespmem:s11+$0x164A0] =	vst v3;
	v61 =	vadd.f32 v5, v0  }
0x1f7: {  	[tilespmem:s11+$0x196A0] =	vst v60;
	v62 =	vadd.f32 v6, v0  }
0x1f8: {  	[tilespmem:s11+$0x100B0] =	vst v61;
	v63 =	vadd.f32 v8, v0  }
0x1f9: {  	[tilespmem:s11+$0x132B0] =	vst v62  }
0x1fa: {  	[tilespmem:s11+$0x164B0] =	vst v63  }
0x1fb: {  	s11 =	rddreg [dreg:$0xc]  }
0x1fc: {  	[hbm4b:s11+s3] =	stream.linear.scatter [tilespmem:s31], [sflag:$0x5], $0xC800, $0x38;
	[tilespmem:$0x1C840] =	vst v63  }
0x1fd: {  	_ =	swait.ge [sflag:s26], $0x200  }
0x1fe: {  	[sflag:s26] =	ssyncset.done $0x0  }
0x1ff: {  	[sflag:s26] =	ssyncadd.s32 $0xFFFFFE00  }
0x200: {  	_ =	swait.ge [sflag:s26], $0x120  }
0x201: {  	[sflag:s26] =	ssyncset.done $0x0  }
0x202: {  	[sflag:s26] =	ssyncadd.s32 $0xFFFFFEE0  }
0x203: {  	_ =	swait.ge [sflag:s7], $0xC800  }
0x204: {  	[sflag:s7] =	ssyncset.done $0x0  }
0x205: {  	[sflag:s7] =	ssyncadd.s32 $0xFFFF3800  }
0x206: {  	_ =	swait.ge [sflag:s7], $0xC800  }
0x207: {  	s12 =	rddreg [dreg:$0xe]  }
0x208: {  	s19 =	rddreg [dreg:$0xd];
	s12 =	sadd.s32 $0x1, s12  }
0x209: {  	p0 =	sne.s32 s12, s19  }
.Ltmp5:
0x20a: {  	_ = 	snop;
	(pc) =	sbr.rel @p0 .LBB2_1-.Ltmp5, $3  }
0x20b: {  	_ =	sdelay $0x1  }
0x20c: {  	[sflag:s7] =	ssyncset.done $0x0  }
0x20d: {  	[sflag:s7] =	ssyncadd.s32 $0xFFFF3800  }
0x20e: {  	_ =	sfence.sel $0x180000  }
0x20f: {  	[bflag:$0x0] =	sbarrier.arrive $0xFFFF  }
0x210: {  	_ =	strace $0x90000047  }
0x211: {  	s0 =	stileid.u32;
	[bflag:$0x2] =	sbarrier.arrive $0xFFFF  }
0x212: {  	p0 =	sne.s32 s0, $0x0;
	s0 =	rddreg [dreg:$0x3]  }
0x213: {  	s0 =	sadd.s32 @!p0 $0x100000, s0  }
0x214: {  	[sflag:s0] =	ssyncadd.tile.s32 @!p0 $0x1;
	_ =	shalt  }
.Lfunc_end2:
_tile_overlayer_lowered:
.L_overlay_start_2:
0x215: {  	(tag) =	ssettag $0x2  }
0x216: {  	s0 =	rddreg [dreg:$0x0];
	s2 =	stileid.u32  }
0x217: {  	s1 =	rddreg [dreg:$0x1];
	p0 =	sne.s32 s2, $0x0  }
0x218: {  	s3 =	rddreg [dreg:$0x2];
	[bflag:$0x3] =	sbarrier.arrive $0xFFFF;
	s2 =	simm.s32 @!p0 $0x1C06  }
0x219: {  	[timem:s3], [sflag:s2] =	dma.local @!p0 [hbm:s0], s1  }
0x21a: {  	s0 =	simm.s32 @!p0 $0x6  }
0x21b: {  	_ =	swait.ge @!p0 [sflag:s0], s1  }
0x21c: {  	s1 =	ssub.s32 @!p0 $0x0, s1;
	[sflag:s0] =	ssyncset.done @!p0 $0x0  }
0x21d: {  	[sflag:s0] =	ssyncadd.s32 @!p0 s1  }
0x21e: {  	[bflag:$0x3] =	sbarrier.arrive $0xFFFF  }
0x21f: {  	_ =	shalt  }

// kernel: sparse-core-data-format-call.cloned.1.call-start
scs
called_computation_lowered:
.L_overlay_start_0:
0x0: {  	s2 =	sld [smem:$0x3FD9]  }
0x1: {  	s3 =	sld [smem:$0x3FFE];
	_ =	sdelay $0x1  }
0x2: {  	s1 =	srdreg.scid  }
0x3: {  	s0 =	sand.u32 $0x1, s1  }
0x4: {  	s18 =	sshll.u32 s0, $0xA;
	s2 =	sadd.s32 s3, s2  }
0x5: {  	s2 =	sadd.s32 s2, s18  }
0x6: {  	[smem:$0x3FC4] =	sst s2  }
0x7: {  	_ = 	snop  }
0x8: {  	s2 =	sld [smem:$0x3FD0];
	(tm) =	ssettm $0x1  }
0x9: {  	s19 =	sld [smem:$0x3FFB];
	_ =	sdelay $0x3  }
0xa: {  	_ =	strace s19  }
0xb: {  	s3 =	sld [smem:$0x3FFC];
	_ =	sdelay $0x3  }
0xc: {  	_ =	strace s3  }
0xd: {  	s3 =	sld [smem:$0x3FFD];
	_ =	sdelay $0x3  }
0xe: {  	_ =	strace s3  }
0xf: {  	_ =	strace $0x8FFFFFFF  }
0x10: {  	s20 =	sld [smem:$0x3FDB];
	_ =	sdelay $0x1  }
0x11: {  	s4 =	simm.s32 $_scs_section_size  }
0x12: {  	s5 =	simm.s32 $_size__tile_overlayer_lowered;
	s6 =	simm.s32 $_tile_overlayer_lowered  }
0x13: {  	s23 =	simm.s32 $0x1BFF;
	s22 =	sshll.u32 s6, $0x1;
	s3 =	sadd.s32 s4, s20  }
0x14: {  	s7 =	simm.s32 $0x0;
	s21 =	sshll.u32 s5, $0x1;
	s5 =	sadd.s32 s22, s3  }
0x15: {  	[timem:s7], [sflag:s23] =	dma.local [hbm:s5], s21  }
0x16: {  	_ =	swait.ge [sflag:s23], s21  }
0x17: {  	s4 =	ssub.s32 $0x0, s21;
	[sflag:s23] =	ssyncset.done $0x0  }
0x18: {  	[sflag:s23] =	ssyncadd.s32 s4;
	_ =	sdelay $0x1  }
0x19: {  	s24 =	simm.s32 $0x1B8B  }
0x1a: {  	_ =	swait.ge [sflag:s24], $0x1  }
0x1b: {  	[sflag:s24] =	ssyncset.done $0x0  }
0x1c: {  	s26 =	simm.s32 $0x1B8E;
	s25 =	sld [smem:$0x3FFE];
	[sflag:s24] =	ssyncadd.s32 $0xFFFFFFFF  }
0x1d: {  	s27 =	simm.s32 $execute0_lowered;
	[smem:$0x3FD2] =	sst s26  }
0x1e: {  	s5 =	sshll.u32 s27, $0x1;
	_ =	strace $0x80000049;
	[dreg:$0x1] =	wrdreg $0xFFFFFFFF  }
0x1f: {  	s28 =	simm.s32 $_size_execute0_lowered;
	s3 =	sadd.s32 s3, s5;
	[dreg:$0x0] =	wrdreg $0x0  }
0x20: {  	s5 =	sshll.u32 s28, $0x1;
	[dreg:$0x2] =	wrdreg s3  }
0x21: {  	[dreg:$0x3] =	wrdreg s5  }
0x22: {  	[dreg:$0x4] =	wrdreg $0xC0  }
0x23: {  	_ =	task [dreg:s7], $0x5FFFF  }
0x24: {  	[dreg:$0x1] =	wrdreg $0xFFFFFFFF  }
0x25: {  	[dreg:$0x0] =	wrdreg $0x60  }
0x26: {  	[dreg:$0x2] =	wrdreg s25  }
0x27: {  	[dreg:$0x3] =	wrdreg s2  }
0x28: {  	[dreg:$0x4] =	wrdreg $0x9  }
0x29: {  	_ =	task.clear_ibuf [dreg:s7], $0x5FFFF;
	_ =	strace $0x90000049  }
0x2a: {  	s29 =	simm.s32 $0x9;
	_ =	strace $0x8000004B  }
0x2b: {  	_ =	swait.ge [sflag:s29], $0x1  }
0x2c: {  	[sflag:s29] =	ssyncadd.s32 $0xFFFFFFFF  }
0x2d: {  	_ =	strace $0x9000004B  }
0x2e: {  	_ =	sfence  }
0x2f: {  	s30 =	sld [smem:$0x0];
	_ =	sdelay $0x2  }
0x30: {  	s31 =	sshll.u32 s1, $0xD;
	s1 =	sshrl.u32 s1, $0x2  }
0x31: {  	s3 =	sand.u32 $0x4000, s31;
	s1 =	sadd.s32 s1, s30  }
0x32: {  	s0 =	sor.u32 s3, s0;
	s1 =	sshll.u32 s1, $0x11  }
0x33: {  	s0 =	sor.u32 s1, s0  }
0x34: {  	s0 =	sadd.s32 $0x8F2B, s0  }
0x35: {  	[sflag:s0] =	ssyncadd.remote.s32 $0x1  }
0x36: {  	_ =	sfence.sel $0xFFFF  }
0x37: {  	[dreg:$0x0] =	wrdreg $0xFFFFFFFF;
	(pc) =	sbr.abs _section_cstart, $3  }
0x38: {  	[dreg:$0x1] =	wrdreg $0xFFFFFFFF  }
0x39: {  	_ =	task.clear_ibuf [dreg:s7], $0x2FFFF;
	_ =	strace $0x9FFFFFFF  }
0x3a: {  	(tm) =	ssettm $0x7FFFFFFF  }
0x3b: {  	_ =	shalt  }
tec
execute0_lowered:
.L_overlay_start_1:
0x0: {  	(tag) =	ssettag $0x1  }
0x1: {  	s0 =	srdreg.scid  }
0x2: {  	s1 =	sshll.u32 s0, $0x4  }
0x3: {  	s0 =	stileid.u32;
	s1 =	sand.u32 $0x10, s1  }
0x4: {  	s1 =	sor.u32 s0, s1  }
0x5: {  	s6 =	rddreg [dreg:$0x0];
	s4 =	simm.s32 $0x1;
	s2 =	sshll.u32 s1, $0x7  }
0x6: {  	s7 =	simm.s32 $0x2;
	s12 =	simm.s32 $0x0;
	s1 =	ssub.s32 $0x1000, s2  }
0x7: {  	s8 =	simm.s32 $0x8000;
	s13 =	simm.s32 $0x0;
	s3 =	sand.u32 $0xF80, s1  }
0x8: {  	s9 =	simm.s32 $0x0;
	s5 =	sshrl.u32 s1, $0xC;
	p0 =	sne.s32 s3, $0x0  }
.Ltmp0:
0x9: {  	s1 =	rddreg [dreg:$0x2];
	s4 =	simm.s32 @!p0 $0x0;
	(pc) =	sbr.rel .LBB1_1-.Ltmp0, $4  }
0xa: {  	s11 =	simm.s32 $0x0;
	s3 =	rddreg [dreg:$0x1];
	s5 =	sadd.s32 s4, s5  }
0xb: {  	_ =	strace $0x8000004A;
	s4 =	simm.s32 $0x1;
	s5 =	smul.u32 $0xC8, s5  }
0xc: {  	s6 =	sadd.s32 $0xC00, s6;
	s10 =	smov.u32 s2;
	[sflag:s4] =	ssyncpa.u1 $0x0  }
0xd: {  	p0 =	por $0x0, $0x0;
	[sflag:s7] =	ssyncpa.u1 $0x0;
	s7 =	sor.u32 $0x1, s5  }
.LBB1_4:
0xe: {  	s16 =	sshll.u32 s13, $0x3;
	s17 =	sand.u32 $0x78, s13  }
0xf: {  	s30 =	sand.u32 $0x7E00, s13;
	s12 =	sshll.u32 s12, $0xF;
	s16 =	sand.u32 $0xC00, s16  }
0x10: {  	[tilespmem:s15+$0x810 ss:$0x81] =	vst.msk $0xffff, v2;
	s31 =	sand.u32 $0x7, s13;
	s16 =	sor.u32 s17, s16;
	s17 =	sadd.s32 s3, s30  }
0x11: {  	[tilespmem:s15+$0x1020 ss:$0x81] =	vst.msk $0xffff, v0;
	s13 =	sshll.u32 s31, $0x12;
	s12 =	sadd.s32 s12, s17;
	s16 =	sshrl.u32 s16, $0x3  }
0x12: {  	[tilespmem:s15+$0x0 ss:$0x81] =	vst.msk $0xffff, v1;
	s13 =	sor.u32 $0x400, s13;
	s12 =	sadd.s32 s16, s12  }
0x13: {  	[hbm4b:s12+s13] =	stream.strided.scatter [tilespmem:s14], [sflag:$0x2], $0x2000, s8, s13, $0x20;
	[tilespmem:$0x8080] =	vst v63  }
.LBB1_5:
0x14: {  	s14 =	sadd.s32 $0x1, s9  }
0x15: {  	s12 =	sadd.s32 $0x1000, s10;
	s16 =	smov.u32 s10;
	p2 =	sgt.s32 s14, $0xC7  }
0x16: {  	s16 =	smov.u32 @p2 s12  }
0x17: {  	s14 =	simm.s32 @p2 $0x0;
	p2 =	sgt.s32 s16, $0xFFF  }
0x18: {  	s16 =	smov.u32 @p2 s2;
	p2 =	sne.s32 s11, s7  }
.Ltmp1:
0x19: {  	p1 =	slt.u32 s11, $0x2;
	(pc) =	sbr.rel @!p2 .LBB1_6-.Ltmp1, $4  }
0x1a: {  	s15 =	simm.s32 @!p1 $0x2  }
0x1b: {  	s13 =	smov.u32 s10;
	p0 =	por !p0, !p0;
	_ =	swait.ge @!p1 [sflag:s15], $0x2000  }
0x1c: {  	s12 =	smov.u32 s9;
	[sflag:s15] =	ssyncset.done @!p1 $0x0;
	s9 =	smov.u32 s14  }
0x1d: {  	s11 =	sadd.s32 $0x1, s11;
	[sflag:s15] =	ssyncadd.s32 @!p1 $0xFFFFE000;
	s10 =	smov.u32 s16  }
.LBB1_1:
0x1e: {  	p1 =	sge.u32 s11, s5  }
0x1f: {  	s14 =	sand.u32 @!p1 $0x1FFFFFF, s9  }
0x20: {  	s15 =	smulhi.u32 @!p1 $0x147AE15, s14;
	_ =	sdelay $0x1  }
0x21: {  	s15 =	smul.u32 @!p1 $0xC8, s15  }
0x22: {  	s16 =	sxor.u32 @!p1 $0xFFFFFFFF, s11;
	s17 =	smul.u32 @!p1 $0xC80, s10  }
0x23: {  	s31 =	sadd.s32 $0xFFFFFFFF, s11;
	s16 =	sshll.u32 @!p1 s16, $0xD;
	s14 =	ssub.s32 @!p1 s14, s15  }
0x24: {  	s15 =	sand.u32 @!p1 $0x2000, s16;
	s16 =	sadd.s32 @!p1 s6, s17;
	s14 =	sshll.u32 @!p1 s14, $0x4  }
0x25: {  	s17 =	simm.s32 @!p1 $0x6400;
	s14 =	sadd.s32 @!p1 s14, s16;
	s16 =	simm.s32 @!p1 $0x40  }
0x26: {  	[tilespmem:s15], [sflag:$0x1] =	stream.strided.gather @!p1 [hbm4b:s14+s16], $0x2000, s17, s16, $0x38;
	[tilespmem:$0x8080] =	vst v63  }
0x27: {  	p1 =	sge.u32 s31, s5  }
.Ltmp2:
0x28: {  	_ = 	snop;
	(pc) =	sbr.rel @p1 .LBB1_5-.Ltmp2, $1  }
0x29: {  	_ =	sdelay $0x3  }
0x2a: {  	s14 =	simm.s32 $0x1  }
0x2b: {  	_ =	swait.ge [sflag:s4], $0x2000;
	s14 =	simm.s32 @!p0 $0x0  }
0x2c: {  	[sflag:s4] =	ssyncset.done $0x0;
	s15 =	sshll.u32 s14, $0xD  }
0x2d: {  	[sflag:s4] =	ssyncadd.s32 $0xFFFFE000;
	s18 =	sor.u32 $0x20, s15  }
0x2e: {  	s14 =	smul.u32 $0x8100, s14;
	v3 =	vld [tilespmem:s18+$0x10]  }
0x2f: {  	s30 =	sand.u32 $0x1, s11;
	v2 =	vld [tilespmem:s18+$0xFFFFFFF0]  }
0x30: {  	s15 =	smul.u32 $0x8100, s30;
	s14 =	sshrl.u32 s14, $0x2;
	v0 =	vld [tilespmem:s18+$0x0]  }
0x31: {  	v1 =	vld [tilespmem:s18+$0xFFFFFFE0];
	s16 =	sor.u32 $0x4000, s14  }
0x32: {  	s31 =	sshrl.u32 s15, $0x2;
	s15 =	sadd.s32 $0x0, s16  }
0x33: {  	s17 =	simm.s32 $0x4;
	s18 =	sadd.s32 $0x40, s18;
	s14 =	sor.u32 $0x4000, s31;
	[tilespmem:s15+$0x1830 ss:$0x81] =	vst.msk $0xffff, v3  }
.LBB1_3:
0x34: {  	v3 =	vld [tilespmem:s18+$0x10];
	p1 =	sne.s32 s17, $0x1FC;
	[tilespmem:s15+$0x810 ss:$0x81] =	vst.msk $0xffff, v2;
	s19 =	smov.u32 s17;
	s17 =	sadd.s32 $0x4, s17  }
.Ltmp3:
0x35: {  	v2 =	vld [tilespmem:s18+$0xFFFFFFF0];
	[tilespmem:s15+$0x1020 ss:$0x81] =	vst.msk $0xffff, v0;
	(pc) =	sbr.rel @p1 .LBB1_3-.Ltmp3, $4  }
0x36: {  	v0 =	vld [tilespmem:s18+$0x0];
	[tilespmem:s15+$0x0 ss:$0x81] =	vst.msk $0xffff, v1  }
0x37: {  	s15 =	sshra.s32 s19, $0x2;
	v1 =	vld [tilespmem:s18+$0xFFFFFFE0]  }
0x38: {  	s15 =	sadd.s32 s15, s16  }
0x39: {  	s18 =	sadd.s32 $0x40, s18;
	[tilespmem:s15+$0x1830 ss:$0x81] =	vst.msk $0xffff, v3  }
.Ltmp4:
0x3a: {  	_ = 	snop;
	(pc) =	sbr.rel .LBB1_4-.Ltmp4, $1  }
0x3b: {  	_ =	sdelay $0x3  }
.LBB1_6:
0x3c: {  	_ =	sfence.sel $0x180000  }
0x3d: {  	s2 =	simm.s32 $0x1;
	[bflag:$0x0] =	sbarrier.arrive $0xFFFF  }
0x3e: {  	s31 =	simm.s32 $0x2;
	[sflag:s2] =	ssyncpa.u1 $0x1  }
0x3f: {  	[sflag:s31] =	ssyncpa.u1 $0x1  }
0x40: {  	p0 =	sne.s32 s0, $0x0;
	_ =	strace $0x9000004A  }
0x41: {  	s0 =	sadd.s32 @!p0 $0x100000, s1;
	[bflag:$0x2] =	sbarrier.arrive $0xFFFF  }
0x42: {  	[sflag:s0] =	ssyncadd.tile.s32 @!p0 $0x1;
	_ =	shalt  }
.Lfunc_end1:
_tile_overlayer_lowered:
.L_overlay_start_2:
0x43: {  	(tag) =	ssettag $0x2  }
0x44: {  	s0 =	rddreg [dreg:$0x0];
	s2 =	stileid.u32  }
0x45: {  	s1 =	rddreg [dreg:$0x1];
	p0 =	sne.s32 s2, $0x0  }
0x46: {  	s3 =	rddreg [dreg:$0x2];
	[bflag:$0x3] =	sbarrier.arrive $0xFFFF;
	s2 =	simm.s32 @!p0 $0x1C01  }
0x47: {  	[timem:s3], [sflag:s2] =	dma.local @!p0 [hbm:s0], s1  }
0x48: {  	s0 =	simm.s32 @!p0 $0x1  }
0x49: {  	_ =	swait.ge @!p0 [sflag:s0], s1  }
0x4a: {  	s1 =	ssub.s32 @!p0 $0x0, s1;
	[sflag:s0] =	ssyncset.done @!p0 $0x0  }
0x4b: {  	[sflag:s0] =	ssyncadd.s32 @!p0 s1  }
0x4c: {  	[bflag:$0x3] =	sbarrier.arrive $0xFFFF  }
0x4d: {  	_ =	shalt  }

</sc_bundles>
